<compile_context>
chip_gen: v7x
topology: tpu7x:2x2x1
jax: 0.10.2.dev20260603
libtpu: 0.0.44.dev20260713+nightly
codegen_flags: <defaults>
</compile_context>

<pallas_src>
import functools

import jax
import jax.numpy as jnp
from jax import lax
from jax.experimental import pallas as pl
from jax.experimental.pallas import tpu as pltpu
from jax.experimental.pallas import tpu_sc as plsc

N = 10000
E = 160000
D_IN = 256
D_HID = 512
D_HID2 = 256
NC = 2
NT = 16
B = 128
EP = NC * NT * 40 * B
NB_PROP = EP // (NT * B)
NB_DEG = EP // (NC * NT * B)
ACC_ROWS = N + 16
S0 = 632
SLAST = N - (NT - 1) * S0
BM = 2000

_mesh = plsc.VectorSubcoreMesh(core_axis_name="c", subcore_axis_name="s")



B2 = 64
NB2 = EP // (NT * B2)
CB = 40
NCHUNK = NB2 // CB
NBUF = 4


@functools.partial(
    pl.kernel,
    out_type=jax.ShapeDtypeStruct((NC, N, 128), jnp.float32),
    mesh=_mesh,
    scratch_types=[
        pltpu.VMEM_SHARED((ACC_ROWS, 128), jnp.float32),
        pltpu.VMEM((CB, B2), jnp.int32),
        pltpu.VMEM((CB, B2), jnp.int32),
        pltpu.VMEM((NBUF, B2, 128), jnp.float32),
        pltpu.SemaphoreType.DMA((NBUF,)),
    ],
)
def _sc_prop(table_hbm, src_hbm, dstidx_hbm, out_hbm,
             acc, src_v, dst_v, bufs, sems):
    c = lax.axis_index("c")
    s = lax.axis_index("s")

    @pl.when(s < NT - 1)
    def _():
        pltpu.sync_copy(table_hbm.at[pl.ds(c * N + s * S0, S0)],
                        acc.at[pl.ds(s * S0, S0)])

    @pl.when(s == NT - 1)
    def _():
        pltpu.sync_copy(table_hbm.at[pl.ds(c * N + (NT - 1) * S0, SLAST)],
                        acc.at[pl.ds((NT - 1) * S0, SLAST)])

    plsc.subcore_barrier()

    def gather(b, j):
        pltpu.async_copy(table_hbm.at[src_v.at[b]], bufs.at[j], sems.at[j])

    coff = (c * N).astype(jnp.int32)

    def chunk(k, _):
        pltpu.sync_copy(src_hbm.at[s, pl.ds(k * CB, CB)], src_v)
        pltpu.sync_copy(dstidx_hbm.at[s, pl.ds(k * CB, CB)], dst_v)

        def shift(i, _):
            r = i // 4
            q = (i % 4) * 16
            src_v[r, pl.ds(q, 16)] = src_v[r, pl.ds(q, 16)] + coff
            return 0

        lax.fori_loop(0, CB * 4, shift, 0)
        for j in range(NBUF - 1):
            gather(j, j)

        def group(g, _):
            for j in range(NBUF):
                b = NBUF * g + j
                pltpu.make_async_copy(table_hbm.at[src_v.at[b]],
                                      bufs.at[j], sems.at[j]).wait()
                pltpu.sync_copy(bufs.at[j], acc.at[dst_v.at[b]], add=True)

                @pl.when(b + NBUF - 1 < CB)
                def _(b=b, j=j):
                    gather(b + NBUF - 1, (j + NBUF - 1) % NBUF)
            return 0

        lax.fori_loop(0, CB // NBUF, group, 0)
        return 0

    lax.fori_loop(0, NCHUNK, chunk, 0)
    plsc.subcore_barrier()

    @pl.when(s < NT - 1)
    def _():
        pltpu.sync_copy(acc.at[pl.ds(s * S0, S0)],
                        out_hbm.at[c, pl.ds(s * S0, S0)])

    @pl.when(s == NT - 1)
    def _():
        pltpu.sync_copy(acc.at[pl.ds((NT - 1) * S0, SLAST)],
                        out_hbm.at[c, pl.ds((NT - 1) * S0, SLAST)])


NB_CNT = EP // (NC * NT * B)
_Z_CHUNKS = ((128, 128, 128, 128, 120), (128, 128, 128, 128, 8))


@functools.partial(
    pl.kernel,
    out_type=jax.ShapeDtypeStruct((NC, N, 128), jnp.float32),
    mesh=_mesh,
    scratch_types=[
        pltpu.VMEM_SHARED((ACC_ROWS, 128), jnp.float32),
        pltpu.VMEM((NB_CNT, B), jnp.int32),
        pltpu.VMEM((B, 128), jnp.float32),
        pltpu.VMEM((B, 128), jnp.float32),
    ],
)
def _sc_count(dst_hbm, cnt_hbm, acc, dst_v, ones_v, z_v):
    c = lax.axis_index("c")
    s = lax.axis_index("s")
    pltpu.sync_copy(dst_hbm.at[c, s], dst_v)

    def fill(i, _):
        r = i // 8
        j = i % 8
        ones_v[r, pl.ds(j * 16, 16)] = jnp.ones((16,), jnp.float32)
        z_v[r, pl.ds(j * 16, 16)] = jnp.zeros((16,), jnp.float32)
        return 0

    lax.fori_loop(0, B * 8, fill, 0)

    for last, sizes in ((False, _Z_CHUNKS[0]), (True, _Z_CHUNKS[1])):

        @pl.when((s == NT - 1) if last else (s < NT - 1))
        def _(sizes=sizes):
            off = 0
            for sz in sizes:
                pltpu.sync_copy(z_v.at[pl.ds(0, sz)],
                                acc.at[pl.ds(s * S0 + off, sz)])
                off += sz

    plsc.subcore_barrier()

    def body(b, _):
        pltpu.sync_copy(ones_v, acc.at[dst_v.at[b]], add=True)
        return 0

    lax.fori_loop(0, NB_CNT, body, 0)
    plsc.subcore_barrier()

    @pl.when(s < NT - 1)
    def _():
        pltpu.sync_copy(acc.at[pl.ds(s * S0, S0)],
                        cnt_hbm.at[c, pl.ds(s * S0, S0)])

    @pl.when(s == NT - 1)
    def _():
        pltpu.sync_copy(acc.at[pl.ds((NT - 1) * S0, SLAST)],
                        cnt_hbm.at[c, pl.ds((NT - 1) * S0, SLAST)])



def _prep_body(x_ref, cnt_ref, o_ref):
    d = lax.rsqrt(cnt_ref[0] + cnt_ref[1] + 1.0)
    o_ref[0] = x_ref[...] * d


_prep_call = pl.pallas_call(
    _prep_body,
    grid=(2,),
    in_specs=[
        pl.BlockSpec((N, 128), lambda c: (0, c)),
        pl.BlockSpec((NC, N, 128), lambda c: (0, 0, 0)),
    ],
    out_specs=pl.BlockSpec((1, N, 128), lambda c: (c, 0, 0)),
    out_shape=jax.ShapeDtypeStruct((NC, N, 128), jnp.float32),
)


def _mm1_body(p_ref, cnt_ref, w1_ref, b1_ref, w2_ref, o_ref):
    d = lax.rsqrt(cnt_ref[0] + cnt_ref[1] + 1.0)
    p0 = p_ref[0] * d
    p1 = p_ref[1] * d
    h = jnp.dot(p0, w1_ref[:128, :], preferred_element_type=jnp.float32)
    h = h + jnp.dot(p1, w1_ref[128:, :], preferred_element_type=jnp.float32)
    h = jnp.maximum(h + b1_ref[...], 0.0)
    t = jnp.dot(h, w2_ref[...], preferred_element_type=jnp.float32)
    o_ref[0] = t[:, :128] * d
    o_ref[1] = t[:, 128:] * d


_mm1_call = pl.pallas_call(
    _mm1_body,
    grid=(N // BM,),
    in_specs=[
        pl.BlockSpec((NC, BM, 128), lambda i: (0, i, 0)),
        pl.BlockSpec((NC, BM, 128), lambda i: (0, i, 0)),
        pl.BlockSpec((D_IN, D_HID), lambda i: (0, 0)),
        pl.BlockSpec((1, D_HID), lambda i: (0, 0)),
        pl.BlockSpec((D_HID, D_HID2), lambda i: (0, 0)),
    ],
    out_specs=pl.BlockSpec((NC, BM, 128), lambda i: (0, i, 0)),
    out_shape=jax.ShapeDtypeStruct((NC, N, 128), jnp.float32),
)


def _fin_body(p_ref, cnt_ref, b2_ref, wo_ref, bo_ref, o_ref):
    d = lax.rsqrt(cnt_ref[0] + cnt_ref[1] + 1.0)
    b2 = b2_ref[...]
    h0 = jnp.maximum(p_ref[0] * d + b2[:, :128], 0.0)
    h1 = jnp.maximum(p_ref[1] * d + b2[:, 128:], 0.0)
    o = jnp.dot(h0, wo_ref[:128, :], preferred_element_type=jnp.float32, precision=lax.Precision.HIGHEST)
    o = o + jnp.dot(h1, wo_ref[128:, :], preferred_element_type=jnp.float32, precision=lax.Precision.HIGHEST)
    o_ref[...] = o + bo_ref[...]


_fin_call = pl.pallas_call(
    _fin_body,
    grid=(N // BM,),
    in_specs=[
        pl.BlockSpec((NC, BM, 128), lambda i: (0, i, 0)),
        pl.BlockSpec((NC, BM, 128), lambda i: (0, i, 0)),
        pl.BlockSpec((1, D_HID2), lambda i: (0, 0)),
        pl.BlockSpec((D_HID2, 1), lambda i: (0, 0)),
        pl.BlockSpec((1, 1), lambda i: (0, 0)),
    ],
    out_specs=pl.BlockSpec((BM, 1), lambda i: (i, 0)),
    out_shape=jax.ShapeDtypeStruct((N, 1), jnp.float32),
)



def kernel(x, edge_index, W1, b1, W2, b2, Wout, bout):
    src = edge_index[0].astype(jnp.int32)
    dst = edge_index[1].astype(jnp.int32)
    pad = jnp.arange(EP - E, dtype=jnp.int32)
    src_p = jnp.concatenate([src, pad % N])
    dst_p = jnp.concatenate([dst, N + (pad % (ACC_ROWS - N))])
    src2 = src_p.reshape(NT, NB2, B2)
    dst_prop = dst_p.reshape(NT, NB2, B2)
    dst_cnt = dst_p.reshape(NC, NT, NB_CNT, B)

    cnt = _sc_count(dst_cnt)
    xp = _prep_call(x, cnt)
    p1 = _sc_prop(xp.reshape(NC * N, 128), src2, dst_prop)
    t2 = _mm1_call(p1, cnt, W1, b1.reshape(1, D_HID), W2)
    p2 = _sc_prop(t2.reshape(NC * N, 128), src2, dst_prop)
    out = _fin_call(p2, cnt, b2.reshape(1, D_HID2), Wout, bout.reshape(1, 1))
    return out

# --- scband reference (transcript-rebuilt; emitter-appended) ---
"""Pipeline reference for scband-supply-chain-gcn-39745627357814 (READ-ONLY COPY).

The authoritative reference and input builder live on the scoring server;
editing this copy changes nothing except your own understanding.
"""

import jax, jax.numpy as jnp
import numpy as np

NUM_NODES = 10000
NUM_EDGES = 160000
D_IN = 256
D_HID = 512
D_HID2 = D_HID // 2
D_OUT = 1


def gcn_conv(x, edge_index, W, b):
    # PyG GCNConv: x' = D^{-1/2} (A + I) D^{-1/2} X W + b
    n = x.shape[0]
    src = edge_index[0]
    dst = edge_index[1]
    loop = jnp.arange(n, dtype=src.dtype)
    src = jnp.concatenate([src, loop])
    dst = jnp.concatenate([dst, loop])
    # linear transform first (PyG order)
    h = x @ W
    # symmetric normalization with unit edge weights
    deg = jnp.zeros((n,), dtype=h.dtype).at[dst].add(1.0)
    deg_inv_sqrt = jnp.where(deg > 0, jax.lax.rsqrt(jnp.maximum(deg, 1e-12)), 0.0)
    norm = deg_inv_sqrt[src] * deg_inv_sqrt[dst]
    # gather messages from source nodes, scale, scatter-add into destinations
    msg = h[src] * norm[:, None]
    out = jnp.zeros((n, h.shape[1]), dtype=h.dtype).at[dst].add(msg)
    return out + b


def setup_inputs(seed: int = 0) -> dict:
    key = jax.random.key(seed)
    ks = jax.random.split(key, 8)
    x = jax.random.normal(ks[0], (NUM_NODES, D_IN), dtype=jnp.float32)
    edge_index = jax.random.randint(ks[1], (2, NUM_EDGES), 0, NUM_NODES, dtype=jnp.int64)
    # parameters (Glorot-style scaling)
    W1 = jax.random.normal(ks[2], (D_IN, D_HID), dtype=jnp.float32) * (1.0 / np.sqrt(D_IN))
    b1 = jnp.zeros((D_HID,), dtype=jnp.float32)
    W2 = jax.random.normal(ks[3], (D_HID, D_HID2), dtype=jnp.float32) * (1.0 / np.sqrt(D_HID))
    b2 = jnp.zeros((D_HID2,), dtype=jnp.float32)
    Wout = jax.random.normal(ks[4], (D_HID2, D_OUT), dtype=jnp.float32) * (1.0 / np.sqrt(D_HID2))
    bout = jnp.zeros((D_OUT,), dtype=jnp.float32)
    return {"x": x, "edge_index": edge_index, "W1": W1, "b1": b1, "W2": W2, "b2": b2, "Wout": Wout, "bout": bout}


def reference(x, edge_index, W1, b1, W2, b2, Wout, bout):
    # conv1 -> relu -> dropout(eval: identity) -> conv2 -> relu -> linear
    h = gcn_conv(x, edge_index, W1, b1)
    h = jax.nn.relu(h)
    # F.dropout with training=False is the identity
    h = gcn_conv(h, edge_index, W2, b2)
    h = jax.nn.relu(h)
    out = h @ Wout + bout
    return out

if __name__ == "__main__":
    import jax
    _d = setup_inputs()
    print(jax.jit(kernel)(*tuple(_d.values())))

</pallas_src>

<mosaic_0001>
#map = affine_map<(d0, d1) -> (0, 0, 0, 0)>
#map1 = affine_map<(d0, d1) -> (0, 0, 0)>
module attributes {stable_mosaic.version = 14 : i64} {
  func.func @_sc_count(%arg0: i32, %arg1: i32, %arg2: memref<2x16x40x128xi32, #tpu.memory_space<hbm>>, %arg3: memref<2x10000x128xf32, #tpu.memory_space<hbm>>, %arg4: memref<10016x128xf32, #tpu.memory_space<vmem_shared>>, %arg5: memref<40x128xi32, #tpu.memory_space<vmem>>, %arg6: memref<128x128xf32, #tpu.memory_space<vmem>>, %arg7: memref<128x128xf32, #tpu.memory_space<vmem>>) attributes {dimension_semantics = [#tpu.dimension_semantics<core_parallel>, #tpu.dimension_semantics<subcore_parallel>], iteration_bounds = array<i64: 2, 16>, scalar_prefetch = 0 : i64, scratch_operands = 4 : i64, tpu.core_type = #tpu.core_type<sc_vector_subcore>, window_params = [{transform_indices = #map}, {transform_indices = #map1}]} {
    "tpu.region"() ({
      %run_scoped3A = tpu.sem_alloc : memref<!tpu.dma_semaphore, #tpu.memory_space<semaphore_mem>>
      %dma_start3A = arith.constant 0 : i32
      %dma_start3A_30 = arith.constant 0 : i32
      %dma_start3A_31 = tpu.memref_slice %arg2[%arg0, %arg1, %dma_start3A, %dma_start3A_30] : memref<2x16x40x128xi32, #tpu.memory_space<hbm>> -> memref<1x1x40x128xi32, #tpu.memory_space<hbm>>
      %dma_start3A_32 = tpu.memref_squeeze %dma_start3A_31 : memref<1x1x40x128xi32, #tpu.memory_space<hbm>> -> memref<40x128xi32, #tpu.memory_space<hbm>>
      %dma_start3A_33 = arith.constant 0 : i32
      %dma_start3A_34 = arith.constant 0 : i32
      %dma_start3A_35 = tpu.memref_slice %arg2[%arg0, %arg1, %dma_start3A_33, %dma_start3A_34] : memref<2x16x40x128xi32, #tpu.memory_space<hbm>> -> memref<1x1x40x128xi32, #tpu.memory_space<hbm>>
      %dma_start3A_36 = tpu.memref_squeeze %dma_start3A_35 : memref<1x1x40x128xi32, #tpu.memory_space<hbm>> -> memref<40x128xi32, #tpu.memory_space<hbm>>
      tpu.enqueue_dma source(%dma_start3A_36 : memref<40x128xi32, #tpu.memory_space<hbm>>) target(%arg5 : memref<40x128xi32, #tpu.memory_space<vmem>>) target_semaphore(%run_scoped3A : memref<!tpu.dma_semaphore, #tpu.memory_space<semaphore_mem>>)
      %dma_wait3A = arith.constant 0 : i32
      %dma_wait3A_37 = arith.constant 0 : i32
      %dma_wait3A_38 = tpu.memref_slice %arg2[%arg0, %arg1, %dma_wait3A, %dma_wait3A_37] : memref<2x16x40x128xi32, #tpu.memory_space<hbm>> -> memref<1x1x40x128xi32, #tpu.memory_space<hbm>>
      %dma_wait3A_39 = tpu.memref_squeeze %dma_wait3A_38 : memref<1x1x40x128xi32, #tpu.memory_space<hbm>> -> memref<40x128xi32, #tpu.memory_space<hbm>>
      %dma_wait3A_40 = arith.constant 0 : i32
      %dma_wait3A_41 = arith.constant 0 : i32
      %dma_wait3A_42 = tpu.memref_slice %arg2[%arg0, %arg1, %dma_wait3A_40, %dma_wait3A_41] : memref<2x16x40x128xi32, #tpu.memory_space<hbm>> -> memref<1x1x40x128xi32, #tpu.memory_space<hbm>>
      %dma_wait3A_43 = tpu.memref_squeeze %dma_wait3A_42 : memref<1x1x40x128xi32, #tpu.memory_space<hbm>> -> memref<40x128xi32, #tpu.memory_space<hbm>>
      tpu.wait_dma2 semaphore(%run_scoped3A : memref<!tpu.dma_semaphore, #tpu.memory_space<semaphore_mem>>) src(%dma_wait3A_43 : memref<40x128xi32, #tpu.memory_space<hbm>>) dst(%arg5 : memref<40x128xi32, #tpu.memory_space<vmem>>)
      tpu.yield
    }) : () -> ()
    %scan3A = arith.constant 0 : i32
    %scan3A_0 = arith.constant 0 : i32
    %scan3A_1 = arith.constant 1024 : i32
    %scan3A_2 = arith.addi %scan3A_0, %scan3A_1 : i32
    %scan3A_3 = arith.constant 1 : i32
    %scan3A_4 = scf.for %scan3A_30 = %scan3A_0 to %scan3A_2 step %scan3A_3 iter_args(%scan3A_31 = %scan3A) -> (i32)  : i32 {
      %jit3A = arith.constant 8 : i32
      %div3A = arith.divsi %scan3A_30, %jit3A : i32
      %sign3A = arith.constant 0 : i32
      %sign3A_32 = arith.cmpi sgt, %scan3A_30, %sign3A : i32
      %sign3A_33 = arith.extui %sign3A_32 : i1 to i32
      %sign3A_34 = arith.constant 0 : i32
      %sign3A_35 = arith.cmpi slt, %scan3A_30, %sign3A_34 : i32
      %sign3A_36 = arith.extui %sign3A_35 : i1 to i32
      %sign3A_37 = arith.subi %sign3A_33, %sign3A_36 : i32
      %sign3A_38 = arith.constant 0 : i32
      %sign3A_39 = arith.cmpi sgt, %jit3A, %sign3A_38 : i32
      %sign3A_40 = arith.extui %sign3A_39 : i1 to i32
      %sign3A_41 = arith.constant 0 : i32
      %sign3A_42 = arith.cmpi slt, %jit3A, %sign3A_41 : i32
      %sign3A_43 = arith.extui %sign3A_42 : i1 to i32
      %sign3A_44 = arith.subi %sign3A_40, %sign3A_43 : i32
      %ne3A = arith.cmpi ne, %sign3A_37, %sign3A_44 : i32
      %rem3A = arith.remsi %scan3A_30, %jit3A : i32
      %ne3A_45 = arith.constant 0 : i32
      %ne3A_46 = arith.cmpi ne, %rem3A, %ne3A_45 : i32
      %and3A = arith.andi %ne3A, %ne3A_46 : i1
      %sub3A = arith.constant 1 : i32
      %sub3A_47 = arith.subi %div3A, %sub3A : i32
      %select_n3A = arith.select %and3A, %sub3A_47, %div3A : i32
      %jit3A_48 = arith.constant 8 : i32
      %eq3A_49 = arith.constant 0 : i32
      %eq3A_50 = arith.cmpi eq, %jit3A_48, %eq3A_49 : i32
      %jit3A_51 = arith.constant 1 : i32
      %select_n3A_52 = arith.select %eq3A_50, %jit3A_51, %jit3A_48 : i32
      %rem3A_53 = arith.remsi %scan3A_30, %select_n3A_52 : i32
      %ne3A_54 = arith.constant 0 : i32
      %ne3A_55 = arith.cmpi ne, %rem3A_53, %ne3A_54 : i32
      %lt3A_56 = arith.constant 0 : i32
      %lt3A_57 = arith.cmpi slt, %rem3A_53, %lt3A_56 : i32
      %lt3A_58 = arith.constant 0 : i32
      %lt3A_59 = arith.cmpi slt, %select_n3A_52, %lt3A_58 : i32
      %ne3A_60 = arith.xori %lt3A_57, %lt3A_59 : i1
      %and3A_61 = arith.andi %ne3A_60, %ne3A_55 : i1
      %add3A = arith.addi %rem3A_53, %select_n3A_52 : i32
      %select_n3A_62 = arith.select %and3A_61, %add3A, %rem3A_53 : i32
      %broadcast_in_dim3A = arith.constant 1.000000e+00 : f32
      %broadcast_in_dim3A_63 = vector.broadcast %broadcast_in_dim3A : f32 to vector<16xf32>
      %mul3A = arith.constant 16 : i32
      %mul3A_64 = arith.muli %select_n3A_62, %mul3A : i32
      %swap3A = arith.index_cast %select_n3A : i32 to index
      %swap3A_65 = arith.index_cast %mul3A_64 : i32 to index
      %swap3A_66 = tpu.vector_load %arg6[%swap3A, %swap3A_65] {strides = array<i32>} : memref<128x128xf32, #tpu.memory_space<vmem>>, vector<1x16xf32>,
      %swap3A_67 = vector.shape_cast %swap3A_66 : vector<1x16xf32> to vector<16xf32>
      %swap3A_68 = vector.shape_cast %broadcast_in_dim3A_63 : vector<16xf32> to vector<1x16xf32>
      tpu.vector_store %arg6[%swap3A, %swap3A_65], %swap3A_68 {strides = array<i32>} : memref<128x128xf32, #tpu.memory_space<vmem>>, vector<1x16xf32>,
      %broadcast_in_dim3A_69 = arith.constant 0.000000e+00 : f32
      %broadcast_in_dim3A_70 = vector.broadcast %broadcast_in_dim3A_69 : f32 to vector<16xf32>
      %mul3A_71 = arith.constant 16 : i32
      %mul3A_72 = arith.muli %select_n3A_62, %mul3A_71 : i32
      %swap3A_73 = arith.index_cast %select_n3A : i32 to index
      %swap3A_74 = arith.index_cast %mul3A_72 : i32 to index
      %swap3A_75 = tpu.vector_load %arg7[%swap3A_73, %swap3A_74] {strides = array<i32>} : memref<128x128xf32, #tpu.memory_space<vmem>>, vector<1x16xf32>,
      %swap3A_76 = vector.shape_cast %swap3A_75 : vector<1x16xf32> to vector<16xf32>
      %swap3A_77 = vector.shape_cast %broadcast_in_dim3A_70 : vector<16xf32> to vector<1x16xf32>
      tpu.vector_store %arg7[%swap3A_73, %swap3A_74], %swap3A_77 {strides = array<i32>} : memref<128x128xf32, #tpu.memory_space<vmem>>, vector<1x16xf32>,
      %scan3A_78 = arith.constant 0 : i32
      scf.yield %scan3A_78 : i32
    }
    %scan3A_5 = arith.constant 1024 : i32
    %lt3A = arith.constant 15 : i32
    %lt3A_6 = arith.cmpi slt, %arg1, %lt3A : i32
    %convert_element_type3A = arith.extui %lt3A_6 : i1 to i32
    %cond3A = arith.constant 0 : i32
    %cond3A_7 = arith.cmpi ne, %convert_element_type3A, %cond3A : i32
    scf.if %cond3A_7 {
      %mul3A = arith.constant 632 : i32
      %mul3A_30 = arith.muli %arg1, %mul3A : i32
      %add3A = arith.constant 0 : i32
      %add3A_31 = arith.addi %mul3A_30, %add3A : i32
      "tpu.region"() ({
        %run_scoped3A = tpu.sem_alloc : memref<!tpu.dma_semaphore, #tpu.memory_space<semaphore_mem>>
        %dma_start3A = arith.constant 0 : i32
        %dma_start3A_48 = arith.constant 0 : i32
        %dma_start3A_49 = tpu.memref_slice %arg7[%dma_start3A, %dma_start3A_48] : memref<128x128xf32, #tpu.memory_space<vmem>> -> memref<128x128xf32, #tpu.memory_space<vmem>>
        %dma_start3A_50 = arith.constant 0 : i32
        %dma_start3A_51 = tpu.memref_slice %arg4[%add3A_31, %dma_start3A_50] : memref<10016x128xf32, #tpu.memory_space<vmem_shared>> -> memref<128x128xf32, #tpu.memory_space<vmem_shared>>
        %dma_start3A_52 = arith.constant 0 : i32
        %dma_start3A_53 = tpu.memref_slice %arg4[%add3A_31, %dma_start3A_52] : memref<10016x128xf32, #tpu.memory_space<vmem_shared>> -> memref<128x128xf32, #tpu.memory_space<vmem_shared>>
        %dma_start3A_54 = arith.constant 0 : i32
        %dma_start3A_55 = arith.constant 0 : i32
        %dma_start3A_56 = tpu.memref_slice %arg7[%dma_start3A_54, %dma_start3A_55] : memref<128x128xf32, #tpu.memory_space<vmem>> -> memref<128x128xf32, #tpu.memory_space<vmem>>
        tpu.enqueue_dma source(%dma_start3A_56 : memref<128x128xf32, #tpu.memory_space<vmem>>) target(%dma_start3A_53 : memref<128x128xf32, #tpu.memory_space<vmem_shared>>) target_semaphore(%run_scoped3A : memref<!tpu.dma_semaphore, #tpu.memory_space<semaphore_mem>>)
        %dma_wait3A = arith.constant 0 : i32
        %dma_wait3A_57 = arith.constant 0 : i32
        %dma_wait3A_58 = tpu.memref_slice %arg7[%dma_wait3A, %dma_wait3A_57] : memref<128x128xf32, #tpu.memory_space<vmem>> -> memref<128x128xf32, #tpu.memory_space<vmem>>
        %dma_wait3A_59 = arith.constant 0 : i32
        %dma_wait3A_60 = tpu.memref_slice %arg4[%add3A_31, %dma_wait3A_59] : memref<10016x128xf32, #tpu.memory_space<vmem_shared>> -> memref<128x128xf32, #tpu.memory_space<vmem_shared>>
        %dma_wait3A_61 = arith.constant 0 : i32
        %dma_wait3A_62 = tpu.memref_slice %arg4[%add3A_31, %dma_wait3A_61] : memref<10016x128xf32, #tpu.memory_space<vmem_shared>> -> memref<128x128xf32, #tpu.memory_space<vmem_shared>>
        %dma_wait3A_63 = arith.constant 0 : i32
        %dma_wait3A_64 = arith.constant 0 : i32
        %dma_wait3A_65 = tpu.memref_slice %arg7[%dma_wait3A_63, %dma_wait3A_64] : memref<128x128xf32, #tpu.memory_space<vmem>> -> memref<128x128xf32, #tpu.memory_space<vmem>>
        tpu.wait_dma2 semaphore(%run_scoped3A : memref<!tpu.dma_semaphore, #tpu.memory_space<semaphore_mem>>) src(%dma_wait3A_65 : memref<128x128xf32, #tpu.memory_space<vmem>>) dst(%dma_wait3A_62 : memref<128x128xf32, #tpu.memory_space<vmem_shared>>)
        tpu.yield
      }) : () -> ()
      %mul3A_32 = arith.constant 632 : i32
      %mul3A_33 = arith.muli %arg1, %mul3A_32 : i32
      %add3A_34 = arith.constant 128 : i32
      %add3A_35 = arith.addi %mul3A_33, %add3A_34 : i32
      "tpu.region"() ({
        %run_scoped3A = tpu.sem_alloc : memref<!tpu.dma_semaphore, #tpu.memory_space<semaphore_mem>>
        %dma_start3A = arith.constant 0 : i32
        %dma_start3A_48 = arith.constant 0 : i32
        %dma_start3A_49 = tpu.memref_slice %arg7[%dma_start3A, %dma_start3A_48] : memref<128x128xf32, #tpu.memory_space<vmem>> -> memref<128x128xf32, #tpu.memory_space<vmem>>
        %dma_start3A_50 = arith.constant 0 : i32
        %dma_start3A_51 = tpu.memref_slice %arg4[%add3A_35, %dma_start3A_50] : memref<10016x128xf32, #tpu.memory_space<vmem_shared>> -> memref<128x128xf32, #tpu.memory_space<vmem_shared>>
        %dma_start3A_52 = arith.constant 0 : i32
        %dma_start3A_53 = tpu.memref_slice %arg4[%add3A_35, %dma_start3A_52] : memref<10016x128xf32, #tpu.memory_space<vmem_shared>> -> memref<128x128xf32, #tpu.memory_space<vmem_shared>>
        %dma_start3A_54 = arith.constant 0 : i32
        %dma_start3A_55 = arith.constant 0 : i32
        %dma_start3A_56 = tpu.memref_slice %arg7[%dma_start3A_54, %dma_start3A_55] : memref<128x128xf32, #tpu.memory_space<vmem>> -> memref<128x128xf32, #tpu.memory_space<vmem>>
        tpu.enqueue_dma source(%dma_start3A_56 : memref<128x128xf32, #tpu.memory_space<vmem>>) target(%dma_start3A_53 : memref<128x128xf32, #tpu.memory_space<vmem_shared>>) target_semaphore(%run_scoped3A : memref<!tpu.dma_semaphore, #tpu.memory_space<semaphore_mem>>)
        %dma_wait3A = arith.constant 0 : i32
        %dma_wait3A_57 = arith.constant 0 : i32
        %dma_wait3A_58 = tpu.memref_slice %arg7[%dma_wait3A, %dma_wait3A_57] : memref<128x128xf32, #tpu.memory_space<vmem>> -> memref<128x128xf32, #tpu.memory_space<vmem>>
        %dma_wait3A_59 = arith.constant 0 : i32
        %dma_wait3A_60 = tpu.memref_slice %arg4[%add3A_35, %dma_wait3A_59] : memref<10016x128xf32, #tpu.memory_space<vmem_shared>> -> memref<128x128xf32, #tpu.memory_space<vmem_shared>>
        %dma_wait3A_61 = arith.constant 0 : i32
        %dma_wait3A_62 = tpu.memref_slice %arg4[%add3A_35, %dma_wait3A_61] : memref<10016x128xf32, #tpu.memory_space<vmem_shared>> -> memref<128x128xf32, #tpu.memory_space<vmem_shared>>
        %dma_wait3A_63 = arith.constant 0 : i32
        %dma_wait3A_64 = arith.constant 0 : i32
        %dma_wait3A_65 = tpu.memref_slice %arg7[%dma_wait3A_63, %dma_wait3A_64] : memref<128x128xf32, #tpu.memory_space<vmem>> -> memref<128x128xf32, #tpu.memory_space<vmem>>
        tpu.wait_dma2 semaphore(%run_scoped3A : memref<!tpu.dma_semaphore, #tpu.memory_space<semaphore_mem>>) src(%dma_wait3A_65 : memref<128x128xf32, #tpu.memory_space<vmem>>) dst(%dma_wait3A_62 : memref<128x128xf32, #tpu.memory_space<vmem_shared>>)
        tpu.yield
      }) : () -> ()
      %mul3A_36 = arith.constant 632 : i32
      %mul3A_37 = arith.muli %arg1, %mul3A_36 : i32
      %add3A_38 = arith.constant 256 : i32
      %add3A_39 = arith.addi %mul3A_37, %add3A_38 : i32
      "tpu.region"() ({
        %run_scoped3A = tpu.sem_alloc : memref<!tpu.dma_semaphore, #tpu.memory_space<semaphore_mem>>
        %dma_start3A = arith.constant 0 : i32
        %dma_start3A_48 = arith.constant 0 : i32
        %dma_start3A_49 = tpu.memref_slice %arg7[%dma_start3A, %dma_start3A_48] : memref<128x128xf32, #tpu.memory_space<vmem>> -> memref<128x128xf32, #tpu.memory_space<vmem>>
        %dma_start3A_50 = arith.constant 0 : i32
        %dma_start3A_51 = tpu.memref_slice %arg4[%add3A_39, %dma_start3A_50] : memref<10016x128xf32, #tpu.memory_space<vmem_shared>> -> memref<128x128xf32, #tpu.memory_space<vmem_shared>>
        %dma_start3A_52 = arith.constant 0 : i32
        %dma_start3A_53 = tpu.memref_slice %arg4[%add3A_39, %dma_start3A_52] : memref<10016x128xf32, #tpu.memory_space<vmem_shared>> -> memref<128x128xf32, #tpu.memory_space<vmem_shared>>
        %dma_start3A_54 = arith.constant 0 : i32
        %dma_start3A_55 = arith.constant 0 : i32
        %dma_start3A_56 = tpu.memref_slice %arg7[%dma_start3A_54, %dma_start3A_55] : memref<128x128xf32, #tpu.memory_space<vmem>> -> memref<128x128xf32, #tpu.memory_space<vmem>>
        tpu.enqueue_dma source(%dma_start3A_56 : memref<128x128xf32, #tpu.memory_space<vmem>>) target(%dma_start3A_53 : memref<128x128xf32, #tpu.memory_space<vmem_shared>>) target_semaphore(%run_scoped3A : memref<!tpu.dma_semaphore, #tpu.memory_space<semaphore_mem>>)
        %dma_wait3A = arith.constant 0 : i32
        %dma_wait3A_57 = arith.constant 0 : i32
        %dma_wait3A_58 = tpu.memref_slice %arg7[%dma_wait3A, %dma_wait3A_57] : memref<128x128xf32, #tpu.memory_space<vmem>> -> memref<128x128xf32, #tpu.memory_space<vmem>>
        %dma_wait3A_59 = arith.constant 0 : i32
        %dma_wait3A_60 = tpu.memref_slice %arg4[%add3A_39, %dma_wait3A_59] : memref<10016x128xf32, #tpu.memory_space<vmem_shared>> -> memref<128x128xf32, #tpu.memory_space<vmem_shared>>
        %dma_wait3A_61 = arith.constant 0 : i32
        %dma_wait3A_62 = tpu.memref_slice %arg4[%add3A_39, %dma_wait3A_61] : memref<10016x128xf32, #tpu.memory_space<vmem_shared>> -> memref<128x128xf32, #tpu.memory_space<vmem_shared>>
        %dma_wait3A_63 = arith.constant 0 : i32
        %dma_wait3A_64 = arith.constant 0 : i32
        %dma_wait3A_65 = tpu.memref_slice %arg7[%dma_wait3A_63, %dma_wait3A_64] : memref<128x128xf32, #tpu.memory_space<vmem>> -> memref<128x128xf32, #tpu.memory_space<vmem>>
        tpu.wait_dma2 semaphore(%run_scoped3A : memref<!tpu.dma_semaphore, #tpu.memory_space<semaphore_mem>>) src(%dma_wait3A_65 : memref<128x128xf32, #tpu.memory_space<vmem>>) dst(%dma_wait3A_62 : memref<128x128xf32, #tpu.memory_space<vmem_shared>>)
        tpu.yield
      }) : () -> ()
      %mul3A_40 = arith.constant 632 : i32
      %mul3A_41 = arith.muli %arg1, %mul3A_40 : i32
      %add3A_42 = arith.constant 384 : i32
      %add3A_43 = arith.addi %mul3A_41, %add3A_42 : i32
      "tpu.region"() ({
        %run_scoped3A = tpu.sem_alloc : memref<!tpu.dma_semaphore, #tpu.memory_space<semaphore_mem>>
        %dma_start3A = arith.constant 0 : i32
        %dma_start3A_48 = arith.constant 0 : i32
        %dma_start3A_49 = tpu.memref_slice %arg7[%dma_start3A, %dma_start3A_48] : memref<128x128xf32, #tpu.memory_space<vmem>> -> memref<128x128xf32, #tpu.memory_space<vmem>>
        %dma_start3A_50 = arith.constant 0 : i32
        %dma_start3A_51 = tpu.memref_slice %arg4[%add3A_43, %dma_start3A_50] : memref<10016x128xf32, #tpu.memory_space<vmem_shared>> -> memref<128x128xf32, #tpu.memory_space<vmem_shared>>
        %dma_start3A_52 = arith.constant 0 : i32
        %dma_start3A_53 = tpu.memref_slice %arg4[%add3A_43, %dma_start3A_52] : memref<10016x128xf32, #tpu.memory_space<vmem_shared>> -> memref<128x128xf32, #tpu.memory_space<vmem_shared>>
        %dma_start3A_54 = arith.constant 0 : i32
        %dma_start3A_55 = arith.constant 0 : i32
        %dma_start3A_56 = tpu.memref_slice %arg7[%dma_start3A_54, %dma_start3A_55] : memref<128x128xf32, #tpu.memory_space<vmem>> -> memref<128x128xf32, #tpu.memory_space<vmem>>
        tpu.enqueue_dma source(%dma_start3A_56 : memref<128x128xf32, #tpu.memory_space<vmem>>) target(%dma_start3A_53 : memref<128x128xf32, #tpu.memory_space<vmem_shared>>) target_semaphore(%run_scoped3A : memref<!tpu.dma_semaphore, #tpu.memory_space<semaphore_mem>>)
        %dma_wait3A = arith.constant 0 : i32
        %dma_wait3A_57 = arith.constant 0 : i32
        %dma_wait3A_58 = tpu.memref_slice %arg7[%dma_wait3A, %dma_wait3A_57] : memref<128x128xf32, #tpu.memory_space<vmem>> -> memref<128x128xf32, #tpu.memory_space<vmem>>
        %dma_wait3A_59 = arith.constant 0 : i32
        %dma_wait3A_60 = tpu.memref_slice %arg4[%add3A_43, %dma_wait3A_59] : memref<10016x128xf32, #tpu.memory_space<vmem_shared>> -> memref<128x128xf32, #tpu.memory_space<vmem_shared>>
        %dma_wait3A_61 = arith.constant 0 : i32
        %dma_wait3A_62 = tpu.memref_slice %arg4[%add3A_43, %dma_wait3A_61] : memref<10016x128xf32, #tpu.memory_space<vmem_shared>> -> memref<128x128xf32, #tpu.memory_space<vmem_shared>>
        %dma_wait3A_63 = arith.constant 0 : i32
        %dma_wait3A_64 = arith.constant 0 : i32
        %dma_wait3A_65 = tpu.memref_slice %arg7[%dma_wait3A_63, %dma_wait3A_64] : memref<128x128xf32, #tpu.memory_space<vmem>> -> memref<128x128xf32, #tpu.memory_space<vmem>>
        tpu.wait_dma2 semaphore(%run_scoped3A : memref<!tpu.dma_semaphore, #tpu.memory_space<semaphore_mem>>) src(%dma_wait3A_65 : memref<128x128xf32, #tpu.memory_space<vmem>>) dst(%dma_wait3A_62 : memref<128x128xf32, #tpu.memory_space<vmem_shared>>)
        tpu.yield
      }) : () -> ()
      %mul3A_44 = arith.constant 632 : i32
      %mul3A_45 = arith.muli %arg1, %mul3A_44 : i32
      %add3A_46 = arith.constant 512 : i32
      %add3A_47 = arith.addi %mul3A_45, %add3A_46 : i32
      "tpu.region"() ({
        %run_scoped3A = tpu.sem_alloc : memref<!tpu.dma_semaphore, #tpu.memory_space<semaphore_mem>>
        %dma_start3A = arith.constant 0 : i32
        %dma_start3A_48 = arith.constant 0 : i32
        %dma_start3A_49 = tpu.memref_slice %arg7[%dma_start3A, %dma_start3A_48] : memref<128x128xf32, #tpu.memory_space<vmem>> -> memref<120x128xf32, #tpu.memory_space<vmem>>
        %dma_start3A_50 = arith.constant 0 : i32
        %dma_start3A_51 = tpu.memref_slice %arg4[%add3A_47, %dma_start3A_50] : memref<10016x128xf32, #tpu.memory_space<vmem_shared>> -> memref<120x128xf32, #tpu.memory_space<vmem_shared>>
        %dma_start3A_52 = arith.constant 0 : i32
        %dma_start3A_53 = tpu.memref_slice %arg4[%add3A_47, %dma_start3A_52] : memref<10016x128xf32, #tpu.memory_space<vmem_shared>> -> memref<120x128xf32, #tpu.memory_space<vmem_shared>>
        %dma_start3A_54 = arith.constant 0 : i32
        %dma_start3A_55 = arith.constant 0 : i32
        %dma_start3A_56 = tpu.memref_slice %arg7[%dma_start3A_54, %dma_start3A_55] : memref<128x128xf32, #tpu.memory_space<vmem>> -> memref<120x128xf32, #tpu.memory_space<vmem>>
        tpu.enqueue_dma source(%dma_start3A_56 : memref<120x128xf32, #tpu.memory_space<vmem>>) target(%dma_start3A_53 : memref<120x128xf32, #tpu.memory_space<vmem_shared>>) target_semaphore(%run_scoped3A : memref<!tpu.dma_semaphore, #tpu.memory_space<semaphore_mem>>)
        %dma_wait3A = arith.constant 0 : i32
        %dma_wait3A_57 = arith.constant 0 : i32
        %dma_wait3A_58 = tpu.memref_slice %arg7[%dma_wait3A, %dma_wait3A_57] : memref<128x128xf32, #tpu.memory_space<vmem>> -> memref<120x128xf32, #tpu.memory_space<vmem>>
        %dma_wait3A_59 = arith.constant 0 : i32
        %dma_wait3A_60 = tpu.memref_slice %arg4[%add3A_47, %dma_wait3A_59] : memref<10016x128xf32, #tpu.memory_space<vmem_shared>> -> memref<120x128xf32, #tpu.memory_space<vmem_shared>>
        %dma_wait3A_61 = arith.constant 0 : i32
        %dma_wait3A_62 = tpu.memref_slice %arg4[%add3A_47, %dma_wait3A_61] : memref<10016x128xf32, #tpu.memory_space<vmem_shared>> -> memref<120x128xf32, #tpu.memory_space<vmem_shared>>
        %dma_wait3A_63 = arith.constant 0 : i32
        %dma_wait3A_64 = arith.constant 0 : i32
        %dma_wait3A_65 = tpu.memref_slice %arg7[%dma_wait3A_63, %dma_wait3A_64] : memref<128x128xf32, #tpu.memory_space<vmem>> -> memref<120x128xf32, #tpu.memory_space<vmem>>
        tpu.wait_dma2 semaphore(%run_scoped3A : memref<!tpu.dma_semaphore, #tpu.memory_space<semaphore_mem>>) src(%dma_wait3A_65 : memref<120x128xf32, #tpu.memory_space<vmem>>) dst(%dma_wait3A_62 : memref<120x128xf32, #tpu.memory_space<vmem_shared>>)
        tpu.yield
      }) : () -> ()
    } else {
    }
    %eq3A = arith.constant 15 : i32
    %eq3A_8 = arith.cmpi eq, %arg1, %eq3A : i32
    %convert_element_type3A_9 = arith.extui %eq3A_8 : i1 to i32
    %cond3A_10 = arith.constant 0 : i32
    %cond3A_11 = arith.cmpi ne, %convert_element_type3A_9, %cond3A_10 : i32
    scf.if %cond3A_11 {
      %mul3A = arith.constant 632 : i32
      %mul3A_30 = arith.muli %arg1, %mul3A : i32
      %add3A = arith.constant 0 : i32
      %add3A_31 = arith.addi %mul3A_30, %add3A : i32
      "tpu.region"() ({
        %run_scoped3A = tpu.sem_alloc : memref<!tpu.dma_semaphore, #tpu.memory_space<semaphore_mem>>
        %dma_start3A = arith.constant 0 : i32
        %dma_start3A_48 = arith.constant 0 : i32
        %dma_start3A_49 = tpu.memref_slice %arg7[%dma_start3A, %dma_start3A_48] : memref<128x128xf32, #tpu.memory_space<vmem>> -> memref<128x128xf32, #tpu.memory_space<vmem>>
        %dma_start3A_50 = arith.constant 0 : i32
        %dma_start3A_51 = tpu.memref_slice %arg4[%add3A_31, %dma_start3A_50] : memref<10016x128xf32, #tpu.memory_space<vmem_shared>> -> memref<128x128xf32, #tpu.memory_space<vmem_shared>>
        %dma_start3A_52 = arith.constant 0 : i32
        %dma_start3A_53 = tpu.memref_slice %arg4[%add3A_31, %dma_start3A_52] : memref<10016x128xf32, #tpu.memory_space<vmem_shared>> -> memref<128x128xf32, #tpu.memory_space<vmem_shared>>
        %dma_start3A_54 = arith.constant 0 : i32
        %dma_start3A_55 = arith.constant 0 : i32
        %dma_start3A_56 = tpu.memref_slice %arg7[%dma_start3A_54, %dma_start3A_55] : memref<128x128xf32, #tpu.memory_space<vmem>> -> memref<128x128xf32, #tpu.memory_space<vmem>>
        tpu.enqueue_dma source(%dma_start3A_56 : memref<128x128xf32, #tpu.memory_space<vmem>>) target(%dma_start3A_53 : memref<128x128xf32, #tpu.memory_space<vmem_shared>>) target_semaphore(%run_scoped3A : memref<!tpu.dma_semaphore, #tpu.memory_space<semaphore_mem>>)
        %dma_wait3A = arith.constant 0 : i32
        %dma_wait3A_57 = arith.constant 0 : i32
        %dma_wait3A_58 = tpu.memref_slice %arg7[%dma_wait3A, %dma_wait3A_57] : memref<128x128xf32, #tpu.memory_space<vmem>> -> memref<128x128xf32, #tpu.memory_space<vmem>>
        %dma_wait3A_59 = arith.constant 0 : i32
        %dma_wait3A_60 = tpu.memref_slice %arg4[%add3A_31, %dma_wait3A_59] : memref<10016x128xf32, #tpu.memory_space<vmem_shared>> -> memref<128x128xf32, #tpu.memory_space<vmem_shared>>
        %dma_wait3A_61 = arith.constant 0 : i32
        %dma_wait3A_62 = tpu.memref_slice %arg4[%add3A_31, %dma_wait3A_61] : memref<10016x128xf32, #tpu.memory_space<vmem_shared>> -> memref<128x128xf32, #tpu.memory_space<vmem_shared>>
        %dma_wait3A_63 = arith.constant 0 : i32
        %dma_wait3A_64 = arith.constant 0 : i32
        %dma_wait3A_65 = tpu.memref_slice %arg7[%dma_wait3A_63, %dma_wait3A_64] : memref<128x128xf32, #tpu.memory_space<vmem>> -> memref<128x128xf32, #tpu.memory_space<vmem>>
        tpu.wait_dma2 semaphore(%run_scoped3A : memref<!tpu.dma_semaphore, #tpu.memory_space<semaphore_mem>>) src(%dma_wait3A_65 : memref<128x128xf32, #tpu.memory_space<vmem>>) dst(%dma_wait3A_62 : memref<128x128xf32, #tpu.memory_space<vmem_shared>>)
        tpu.yield
      }) : () -> ()
      %mul3A_32 = arith.constant 632 : i32
      %mul3A_33 = arith.muli %arg1, %mul3A_32 : i32
      %add3A_34 = arith.constant 128 : i32
      %add3A_35 = arith.addi %mul3A_33, %add3A_34 : i32
      "tpu.region"() ({
        %run_scoped3A = tpu.sem_alloc : memref<!tpu.dma_semaphore, #tpu.memory_space<semaphore_mem>>
        %dma_start3A = arith.constant 0 : i32
        %dma_start3A_48 = arith.constant 0 : i32
        %dma_start3A_49 = tpu.memref_slice %arg7[%dma_start3A, %dma_start3A_48] : memref<128x128xf32, #tpu.memory_space<vmem>> -> memref<128x128xf32, #tpu.memory_space<vmem>>
        %dma_start3A_50 = arith.constant 0 : i32
        %dma_start3A_51 = tpu.memref_slice %arg4[%add3A_35, %dma_start3A_50] : memref<10016x128xf32, #tpu.memory_space<vmem_shared>> -> memref<128x128xf32, #tpu.memory_space<vmem_shared>>
        %dma_start3A_52 = arith.constant 0 : i32
        %dma_start3A_53 = tpu.memref_slice %arg4[%add3A_35, %dma_start3A_52] : memref<10016x128xf32, #tpu.memory_space<vmem_shared>> -> memref<128x128xf32, #tpu.memory_space<vmem_shared>>
        %dma_start3A_54 = arith.constant 0 : i32
        %dma_start3A_55 = arith.constant 0 : i32
        %dma_start3A_56 = tpu.memref_slice %arg7[%dma_start3A_54, %dma_start3A_55] : memref<128x128xf32, #tpu.memory_space<vmem>> -> memref<128x128xf32, #tpu.memory_space<vmem>>
        tpu.enqueue_dma source(%dma_start3A_56 : memref<128x128xf32, #tpu.memory_space<vmem>>) target(%dma_start3A_53 : memref<128x128xf32, #tpu.memory_space<vmem_shared>>) target_semaphore(%run_scoped3A : memref<!tpu.dma_semaphore, #tpu.memory_space<semaphore_mem>>)
        %dma_wait3A = arith.constant 0 : i32
        %dma_wait3A_57 = arith.constant 0 : i32
        %dma_wait3A_58 = tpu.memref_slice %arg7[%dma_wait3A, %dma_wait3A_57] : memref<128x128xf32, #tpu.memory_space<vmem>> -> memref<128x128xf32, #tpu.memory_space<vmem>>
        %dma_wait3A_59 = arith.constant 0 : i32
        %dma_wait3A_60 = tpu.memref_slice %arg4[%add3A_35, %dma_wait3A_59] : memref<10016x128xf32, #tpu.memory_space<vmem_shared>> -> memref<128x128xf32, #tpu.memory_space<vmem_shared>>
        %dma_wait3A_61 = arith.constant 0 : i32
        %dma_wait3A_62 = tpu.memref_slice %arg4[%add3A_35, %dma_wait3A_61] : memref<10016x128xf32, #tpu.memory_space<vmem_shared>> -> memref<128x128xf32, #tpu.memory_space<vmem_shared>>
        %dma_wait3A_63 = arith.constant 0 : i32
        %dma_wait3A_64 = arith.constant 0 : i32
        %dma_wait3A_65 = tpu.memref_slice %arg7[%dma_wait3A_63, %dma_wait3A_64] : memref<128x128xf32, #tpu.memory_space<vmem>> -> memref<128x128xf32, #tpu.memory_space<vmem>>
        tpu.wait_dma2 semaphore(%run_scoped3A : memref<!tpu.dma_semaphore, #tpu.memory_space<semaphore_mem>>) src(%dma_wait3A_65 : memref<128x128xf32, #tpu.memory_space<vmem>>) dst(%dma_wait3A_62 : memref<128x128xf32, #tpu.memory_space<vmem_shared>>)
        tpu.yield
      }) : () -> ()
      %mul3A_36 = arith.constant 632 : i32
      %mul3A_37 = arith.muli %arg1, %mul3A_36 : i32
      %add3A_38 = arith.constant 256 : i32
      %add3A_39 = arith.addi %mul3A_37, %add3A_38 : i32
      "tpu.region"() ({
        %run_scoped3A = tpu.sem_alloc : memref<!tpu.dma_semaphore, #tpu.memory_space<semaphore_mem>>
        %dma_start3A = arith.constant 0 : i32
        %dma_start3A_48 = arith.constant 0 : i32
        %dma_start3A_49 = tpu.memref_slice %arg7[%dma_start3A, %dma_start3A_48] : memref<128x128xf32, #tpu.memory_space<vmem>> -> memref<128x128xf32, #tpu.memory_space<vmem>>
        %dma_start3A_50 = arith.constant 0 : i32
        %dma_start3A_51 = tpu.memref_slice %arg4[%add3A_39, %dma_start3A_50] : memref<10016x128xf32, #tpu.memory_space<vmem_shared>> -> memref<128x128xf32, #tpu.memory_space<vmem_shared>>
        %dma_start3A_52 = arith.constant 0 : i32
        %dma_start3A_53 = tpu.memref_slice %arg4[%add3A_39, %dma_start3A_52] : memref<10016x128xf32, #tpu.memory_space<vmem_shared>> -> memref<128x128xf32, #tpu.memory_space<vmem_shared>>
        %dma_start3A_54 = arith.constant 0 : i32
        %dma_start3A_55 = arith.constant 0 : i32
        %dma_start3A_56 = tpu.memref_slice %arg7[%dma_start3A_54, %dma_start3A_55] : memref<128x128xf32, #tpu.memory_space<vmem>> -> memref<128x128xf32, #tpu.memory_space<vmem>>
        tpu.enqueue_dma source(%dma_start3A_56 : memref<128x128xf32, #tpu.memory_space<vmem>>) target(%dma_start3A_53 : memref<128x128xf32, #tpu.memory_space<vmem_shared>>) target_semaphore(%run_scoped3A : memref<!tpu.dma_semaphore, #tpu.memory_space<semaphore_mem>>)
        %dma_wait3A = arith.constant 0 : i32
        %dma_wait3A_57 = arith.constant 0 : i32
        %dma_wait3A_58 = tpu.memref_slice %arg7[%dma_wait3A, %dma_wait3A_57] : memref<128x128xf32, #tpu.memory_space<vmem>> -> memref<128x128xf32, #tpu.memory_space<vmem>>
        %dma_wait3A_59 = arith.constant 0 : i32
        %dma_wait3A_60 = tpu.memref_slice %arg4[%add3A_39, %dma_wait3A_59] : memref<10016x128xf32, #tpu.memory_space<vmem_shared>> -> memref<128x128xf32, #tpu.memory_space<vmem_shared>>
        %dma_wait3A_61 = arith.constant 0 : i32
        %dma_wait3A_62 = tpu.memref_slice %arg4[%add3A_39, %dma_wait3A_61] : memref<10016x128xf32, #tpu.memory_space<vmem_shared>> -> memref<128x128xf32, #tpu.memory_space<vmem_shared>>
        %dma_wait3A_63 = arith.constant 0 : i32
        %dma_wait3A_64 = arith.constant 0 : i32
        %dma_wait3A_65 = tpu.memref_slice %arg7[%dma_wait3A_63, %dma_wait3A_64] : memref<128x128xf32, #tpu.memory_space<vmem>> -> memref<128x128xf32, #tpu.memory_space<vmem>>
        tpu.wait_dma2 semaphore(%run_scoped3A : memref<!tpu.dma_semaphore, #tpu.memory_space<semaphore_mem>>) src(%dma_wait3A_65 : memref<128x128xf32, #tpu.memory_space<vmem>>) dst(%dma_wait3A_62 : memref<128x128xf32, #tpu.memory_space<vmem_shared>>)
        tpu.yield
      }) : () -> ()
      %mul3A_40 = arith.constant 632 : i32
      %mul3A_41 = arith.muli %arg1, %mul3A_40 : i32
      %add3A_42 = arith.constant 384 : i32
      %add3A_43 = arith.addi %mul3A_41, %add3A_42 : i32
      "tpu.region"() ({
        %run_scoped3A = tpu.sem_alloc : memref<!tpu.dma_semaphore, #tpu.memory_space<semaphore_mem>>
        %dma_start3A = arith.constant 0 : i32
        %dma_start3A_48 = arith.constant 0 : i32
        %dma_start3A_49 = tpu.memref_slice %arg7[%dma_start3A, %dma_start3A_48] : memref<128x128xf32, #tpu.memory_space<vmem>> -> memref<128x128xf32, #tpu.memory_space<vmem>>
        %dma_start3A_50 = arith.constant 0 : i32
        %dma_start3A_51 = tpu.memref_slice %arg4[%add3A_43, %dma_start3A_50] : memref<10016x128xf32, #tpu.memory_space<vmem_shared>> -> memref<128x128xf32, #tpu.memory_space<vmem_shared>>
        %dma_start3A_52 = arith.constant 0 : i32
        %dma_start3A_53 = tpu.memref_slice %arg4[%add3A_43, %dma_start3A_52] : memref<10016x128xf32, #tpu.memory_space<vmem_shared>> -> memref<128x128xf32, #tpu.memory_space<vmem_shared>>
        %dma_start3A_54 = arith.constant 0 : i32
        %dma_start3A_55 = arith.constant 0 : i32
        %dma_start3A_56 = tpu.memref_slice %arg7[%dma_start3A_54, %dma_start3A_55] : memref<128x128xf32, #tpu.memory_space<vmem>> -> memref<128x128xf32, #tpu.memory_space<vmem>>
        tpu.enqueue_dma source(%dma_start3A_56 : memref<128x128xf32, #tpu.memory_space<vmem>>) target(%dma_start3A_53 : memref<128x128xf32, #tpu.memory_space<vmem_shared>>) target_semaphore(%run_scoped3A : memref<!tpu.dma_semaphore, #tpu.memory_space<semaphore_mem>>)
        %dma_wait3A = arith.constant 0 : i32
        %dma_wait3A_57 = arith.constant 0 : i32
        %dma_wait3A_58 = tpu.memref_slice %arg7[%dma_wait3A, %dma_wait3A_57] : memref<128x128xf32, #tpu.memory_space<vmem>> -> memref<128x128xf32, #tpu.memory_space<vmem>>
        %dma_wait3A_59 = arith.constant 0 : i32
        %dma_wait3A_60 = tpu.memref_slice %arg4[%add3A_43, %dma_wait3A_59] : memref<10016x128xf32, #tpu.memory_space<vmem_shared>> -> memref<128x128xf32, #tpu.memory_space<vmem_shared>>
        %dma_wait3A_61 = arith.constant 0 : i32
        %dma_wait3A_62 = tpu.memref_slice %arg4[%add3A_43, %dma_wait3A_61] : memref<10016x128xf32, #tpu.memory_space<vmem_shared>> -> memref<128x128xf32, #tpu.memory_space<vmem_shared>>
        %dma_wait3A_63 = arith.constant 0 : i32
        %dma_wait3A_64 = arith.constant 0 : i32
        %dma_wait3A_65 = tpu.memref_slice %arg7[%dma_wait3A_63, %dma_wait3A_64] : memref<128x128xf32, #tpu.memory_space<vmem>> -> memref<128x128xf32, #tpu.memory_space<vmem>>
        tpu.wait_dma2 semaphore(%run_scoped3A : memref<!tpu.dma_semaphore, #tpu.memory_space<semaphore_mem>>) src(%dma_wait3A_65 : memref<128x128xf32, #tpu.memory_space<vmem>>) dst(%dma_wait3A_62 : memref<128x128xf32, #tpu.memory_space<vmem_shared>>)
        tpu.yield
      }) : () -> ()
      %mul3A_44 = arith.constant 632 : i32
      %mul3A_45 = arith.muli %arg1, %mul3A_44 : i32
      %add3A_46 = arith.constant 512 : i32
      %add3A_47 = arith.addi %mul3A_45, %add3A_46 : i32
      "tpu.region"() ({
        %run_scoped3A = tpu.sem_alloc : memref<!tpu.dma_semaphore, #tpu.memory_space<semaphore_mem>>
        %dma_start3A = arith.constant 0 : i32
        %dma_start3A_48 = arith.constant 0 : i32
        %dma_start3A_49 = tpu.memref_slice %arg7[%dma_start3A, %dma_start3A_48] : memref<128x128xf32, #tpu.memory_space<vmem>> -> memref<8x128xf32, #tpu.memory_space<vmem>>
        %dma_start3A_50 = arith.constant 0 : i32
        %dma_start3A_51 = tpu.memref_slice %arg4[%add3A_47, %dma_start3A_50] : memref<10016x128xf32, #tpu.memory_space<vmem_shared>> -> memref<8x128xf32, #tpu.memory_space<vmem_shared>>
        %dma_start3A_52 = arith.constant 0 : i32
        %dma_start3A_53 = tpu.memref_slice %arg4[%add3A_47, %dma_start3A_52] : memref<10016x128xf32, #tpu.memory_space<vmem_shared>> -> memref<8x128xf32, #tpu.memory_space<vmem_shared>>
        %dma_start3A_54 = arith.constant 0 : i32
        %dma_start3A_55 = arith.constant 0 : i32
        %dma_start3A_56 = tpu.memref_slice %arg7[%dma_start3A_54, %dma_start3A_55] : memref<128x128xf32, #tpu.memory_space<vmem>> -> memref<8x128xf32, #tpu.memory_space<vmem>>
        tpu.enqueue_dma source(%dma_start3A_56 : memref<8x128xf32, #tpu.memory_space<vmem>>) target(%dma_start3A_53 : memref<8x128xf32, #tpu.memory_space<vmem_shared>>) target_semaphore(%run_scoped3A : memref<!tpu.dma_semaphore, #tpu.memory_space<semaphore_mem>>)
        %dma_wait3A = arith.constant 0 : i32
        %dma_wait3A_57 = arith.constant 0 : i32
        %dma_wait3A_58 = tpu.memref_slice %arg7[%dma_wait3A, %dma_wait3A_57] : memref<128x128xf32, #tpu.memory_space<vmem>> -> memref<8x128xf32, #tpu.memory_space<vmem>>
        %dma_wait3A_59 = arith.constant 0 : i32
        %dma_wait3A_60 = tpu.memref_slice %arg4[%add3A_47, %dma_wait3A_59] : memref<10016x128xf32, #tpu.memory_space<vmem_shared>> -> memref<8x128xf32, #tpu.memory_space<vmem_shared>>
        %dma_wait3A_61 = arith.constant 0 : i32
        %dma_wait3A_62 = tpu.memref_slice %arg4[%add3A_47, %dma_wait3A_61] : memref<10016x128xf32, #tpu.memory_space<vmem_shared>> -> memref<8x128xf32, #tpu.memory_space<vmem_shared>>
        %dma_wait3A_63 = arith.constant 0 : i32
        %dma_wait3A_64 = arith.constant 0 : i32
        %dma_wait3A_65 = tpu.memref_slice %arg7[%dma_wait3A_63, %dma_wait3A_64] : memref<128x128xf32, #tpu.memory_space<vmem>> -> memref<8x128xf32, #tpu.memory_space<vmem>>
        tpu.wait_dma2 semaphore(%run_scoped3A : memref<!tpu.dma_semaphore, #tpu.memory_space<semaphore_mem>>) src(%dma_wait3A_65 : memref<8x128xf32, #tpu.memory_space<vmem>>) dst(%dma_wait3A_62 : memref<8x128xf32, #tpu.memory_space<vmem_shared>>)
        tpu.yield
      }) : () -> ()
    } else {
    }
    %barrier3A = arith.constant 0 : index
    tpu.barrier barrier_id(%barrier3A)
    %scan3A_12 = arith.constant 0 : i32
    %scan3A_13 = arith.constant 0 : i32
    %scan3A_14 = arith.constant 40 : i32
    %scan3A_15 = arith.addi %scan3A_13, %scan3A_14 : i32
    %scan3A_16 = arith.constant 1 : i32
    %scan3A_17 = scf.for %scan3A_30 = %scan3A_13 to %scan3A_15 step %scan3A_16 iter_args(%scan3A_31 = %scan3A_12) -> (i32)  : i32 {
      "tpu.region"() ({
        %run_scoped3A = tpu.sem_alloc : memref<!tpu.dma_semaphore, #tpu.memory_space<semaphore_mem>>
        %dma_start3A = arith.constant 0 : i32
        %dma_start3A_33 = tpu.memref_slice %arg5[%scan3A_30, %dma_start3A] : memref<40x128xi32, #tpu.memory_space<vmem>> -> memref<1x128xi32, #tpu.memory_space<vmem>>
        %dma_start3A_34 = tpu.memref_squeeze %dma_start3A_33 : memref<1x128xi32, #tpu.memory_space<vmem>> -> memref<128xi32, #tpu.memory_space<vmem>>
        %dma_start3A_35 = arith.constant 0 : i32
        %dma_start3A_36 = arith.constant 0 : i32
        %dma_start3A_37 = tpu.memref_slice %arg4[%dma_start3A_35, %dma_start3A_36] : memref<10016x128xf32, #tpu.memory_space<vmem_shared>> -> memref<10016x128xf32, #tpu.memory_space<vmem_shared>>
        tpu.enqueue_indirect_dma source(%arg6 : memref<128x128xf32, #tpu.memory_space<vmem>>) target(%dma_start3A_37 : memref<10016x128xf32, #tpu.memory_space<vmem_shared>>) offsets(%dma_start3A_34 : memref<128xi32, #tpu.memory_space<vmem>>) semaphore(%run_scoped3A : memref<!tpu.dma_semaphore, #tpu.memory_space<semaphore_mem>>) {add = true}
        %dma_wait3A = arith.constant 0 : i32
        %dma_wait3A_38 = tpu.memref_slice %arg5[%scan3A_30, %dma_wait3A] : memref<40x128xi32, #tpu.memory_space<vmem>> -> memref<1x128xi32, #tpu.memory_space<vmem>>
        %dma_wait3A_39 = tpu.memref_squeeze %dma_wait3A_38 : memref<1x128xi32, #tpu.memory_space<vmem>> -> memref<128xi32, #tpu.memory_space<vmem>>
        %dma_wait3A_40 = arith.constant 0 : i32
        %dma_wait3A_41 = arith.constant 0 : i32
        %dma_wait3A_42 = tpu.memref_slice %arg4[%dma_wait3A_40, %dma_wait3A_41] : memref<10016x128xf32, #tpu.memory_space<vmem_shared>> -> memref<10016x128xf32, #tpu.memory_space<vmem_shared>>
        tpu.wait_indirect_dma semaphore(%run_scoped3A : memref<!tpu.dma_semaphore, #tpu.memory_space<semaphore_mem>>) src(%arg6 : memref<128x128xf32, #tpu.memory_space<vmem>>) dst(%dma_wait3A_42 : memref<10016x128xf32, #tpu.memory_space<vmem_shared>>)
        tpu.yield
      }) : () -> ()
      %scan3A_32 = arith.constant 0 : i32
      scf.yield %scan3A_32 : i32
    }
    %scan3A_18 = arith.constant 40 : i32
    %barrier3A_19 = arith.constant 0 : index
    tpu.barrier barrier_id(%barrier3A_19)
    %lt3A_20 = arith.constant 15 : i32
    %lt3A_21 = arith.cmpi slt, %arg1, %lt3A_20 : i32
    %convert_element_type3A_22 = arith.extui %lt3A_21 : i1 to i32
    %cond3A_23 = arith.constant 0 : i32
    %cond3A_24 = arith.cmpi ne, %convert_element_type3A_22, %cond3A_23 : i32
    scf.if %cond3A_24 {
      %mul3A = arith.constant 632 : i32
      %mul3A_30 = arith.muli %arg1, %mul3A : i32
      %mul3A_31 = arith.constant 632 : i32
      %mul3A_32 = arith.muli %arg1, %mul3A_31 : i32
      "tpu.region"() ({
        %run_scoped3A = tpu.sem_alloc : memref<!tpu.dma_semaphore, #tpu.memory_space<semaphore_mem>>
        %dma_start3A = arith.constant 0 : i32
        %dma_start3A_33 = tpu.memref_slice %arg3[%arg0, %mul3A_32, %dma_start3A] : memref<2x10000x128xf32, #tpu.memory_space<hbm>> -> memref<1x632x128xf32, #tpu.memory_space<hbm>>
        %dma_start3A_34 = tpu.memref_squeeze %dma_start3A_33 : memref<1x632x128xf32, #tpu.memory_space<hbm>> -> memref<632x128xf32, #tpu.memory_space<hbm>>
        %dma_start3A_35 = arith.constant 0 : i32
        %dma_start3A_36 = tpu.memref_slice %arg4[%mul3A_30, %dma_start3A_35] : memref<10016x128xf32, #tpu.memory_space<vmem_shared>> -> memref<632x128xf32, #tpu.memory_space<vmem_shared>>
        tpu.enqueue_dma source(%dma_start3A_36 : memref<632x128xf32, #tpu.memory_space<vmem_shared>>) target(%dma_start3A_34 : memref<632x128xf32, #tpu.memory_space<hbm>>) target_semaphore(%run_scoped3A : memref<!tpu.dma_semaphore, #tpu.memory_space<semaphore_mem>>)
        %dma_wait3A = arith.constant 0 : i32
        %dma_wait3A_37 = tpu.memref_slice %arg3[%arg0, %mul3A_32, %dma_wait3A] : memref<2x10000x128xf32, #tpu.memory_space<hbm>> -> memref<1x632x128xf32, #tpu.memory_space<hbm>>
        %dma_wait3A_38 = tpu.memref_squeeze %dma_wait3A_37 : memref<1x632x128xf32, #tpu.memory_space<hbm>> -> memref<632x128xf32, #tpu.memory_space<hbm>>
        %dma_wait3A_39 = arith.constant 0 : i32
        %dma_wait3A_40 = tpu.memref_slice %arg4[%mul3A_30, %dma_wait3A_39] : memref<10016x128xf32, #tpu.memory_space<vmem_shared>> -> memref<632x128xf32, #tpu.memory_space<vmem_shared>>
        tpu.wait_dma2 semaphore(%run_scoped3A : memref<!tpu.dma_semaphore, #tpu.memory_space<semaphore_mem>>) src(%dma_wait3A_40 : memref<632x128xf32, #tpu.memory_space<vmem_shared>>) dst(%dma_wait3A_38 : memref<632x128xf32, #tpu.memory_space<hbm>>)
        tpu.yield
      }) : () -> ()
    } else {
    }
    %eq3A_25 = arith.constant 15 : i32
    %eq3A_26 = arith.cmpi eq, %arg1, %eq3A_25 : i32
    %convert_element_type3A_27 = arith.extui %eq3A_26 : i1 to i32
    %cond3A_28 = arith.constant 0 : i32
    %cond3A_29 = arith.cmpi ne, %convert_element_type3A_27, %cond3A_28 : i32
    scf.if %cond3A_29 {
      "tpu.region"() ({
        %run_scoped3A = tpu.sem_alloc : memref<!tpu.dma_semaphore, #tpu.memory_space<semaphore_mem>>
        %dma_start3A = arith.constant 9480 : i32
        %dma_start3A_30 = arith.constant 0 : i32
        %dma_start3A_31 = tpu.memref_slice %arg3[%arg0, %dma_start3A, %dma_start3A_30] : memref<2x10000x128xf32, #tpu.memory_space<hbm>> -> memref<1x520x128xf32, #tpu.memory_space<hbm>>
        %dma_start3A_32 = tpu.memref_squeeze %dma_start3A_31 : memref<1x520x128xf32, #tpu.memory_space<hbm>> -> memref<520x128xf32, #tpu.memory_space<hbm>>
        %dma_start3A_33 = arith.constant 9480 : i32
        %dma_start3A_34 = arith.constant 0 : i32
        %dma_start3A_35 = tpu.memref_slice %arg4[%dma_start3A_33, %dma_start3A_34] : memref<10016x128xf32, #tpu.memory_space<vmem_shared>> -> memref<520x128xf32, #tpu.memory_space<vmem_shared>>
        tpu.enqueue_dma source(%dma_start3A_35 : memref<520x128xf32, #tpu.memory_space<vmem_shared>>) target(%dma_start3A_32 : memref<520x128xf32, #tpu.memory_space<hbm>>) target_semaphore(%run_scoped3A : memref<!tpu.dma_semaphore, #tpu.memory_space<semaphore_mem>>)
        %dma_wait3A = arith.constant 9480 : i32
        %dma_wait3A_36 = arith.constant 0 : i32
        %dma_wait3A_37 = tpu.memref_slice %arg3[%arg0, %dma_wait3A, %dma_wait3A_36] : memref<2x10000x128xf32, #tpu.memory_space<hbm>> -> memref<1x520x128xf32, #tpu.memory_space<hbm>>
        %dma_wait3A_38 = tpu.memref_squeeze %dma_wait3A_37 : memref<1x520x128xf32, #tpu.memory_space<hbm>> -> memref<520x128xf32, #tpu.memory_space<hbm>>
        %dma_wait3A_39 = arith.constant 9480 : i32
        %dma_wait3A_40 = arith.constant 0 : i32
        %dma_wait3A_41 = tpu.memref_slice %arg4[%dma_wait3A_39, %dma_wait3A_40] : memref<10016x128xf32, #tpu.memory_space<vmem_shared>> -> memref<520x128xf32, #tpu.memory_space<vmem_shared>>
        tpu.wait_dma2 semaphore(%run_scoped3A : memref<!tpu.dma_semaphore, #tpu.memory_space<semaphore_mem>>) src(%dma_wait3A_41 : memref<520x128xf32, #tpu.memory_space<vmem_shared>>) dst(%dma_wait3A_38 : memref<520x128xf32, #tpu.memory_space<hbm>>)
        tpu.yield
      }) : () -> ()
    } else {
    }
    return
  }
}

#map = affine_map<(d0, d1) -> (0, 0)>
#map1 = affine_map<(d0, d1) -> (0, 0, 0)>
module attributes {stable_mosaic.version = 14 : i64} {
  func.func @_sc_prop(%arg0: i32, %arg1: i32, %arg2: memref<20000x128xf32, #tpu.memory_space<hbm>>, %arg3: memref<16x160x64xi32, #tpu.memory_space<hbm>>, %arg4: memref<16x160x64xi32, #tpu.memory_space<hbm>>, %arg5: memref<2x10000x128xf32, #tpu.memory_space<hbm>>, %arg6: memref<10016x128xf32, #tpu.memory_space<vmem_shared>>, %arg7: memref<40x64xi32, #tpu.memory_space<vmem>>, %arg8: memref<40x64xi32, #tpu.memory_space<vmem>>, %arg9: memref<4x64x128xf32, #tpu.memory_space<vmem>>, %arg10: memref<4x!tpu.dma_semaphore, #tpu.memory_space<semaphore_mem>>) attributes {dimension_semantics = [#tpu.dimension_semantics<core_parallel>, #tpu.dimension_semantics<subcore_parallel>], iteration_bounds = array<i64: 2, 16>, scalar_prefetch = 0 : i64, scratch_operands = 5 : i64, tpu.core_type = #tpu.core_type<sc_vector_subcore>, window_params = [{transform_indices = #map}, {transform_indices = #map1}, {transform_indices = #map1}, {transform_indices = #map1}]} {
    %lt3A = arith.constant 15 : i32
    %lt3A_0 = arith.cmpi slt, %arg1, %lt3A : i32
    %convert_element_type3A = arith.extui %lt3A_0 : i1 to i32
    %cond3A = arith.constant 0 : i32
    %cond3A_1 = arith.cmpi ne, %convert_element_type3A, %cond3A : i32
    scf.if %cond3A_1 {
      %mul3A_24 = arith.constant 10000 : i32
      %mul3A_25 = arith.muli %arg0, %mul3A_24 : i32
      %mul3A_26 = arith.constant 632 : i32
      %mul3A_27 = arith.muli %arg1, %mul3A_26 : i32
      %add3A = arith.addi %mul3A_25, %mul3A_27 : i32
      %mul3A_28 = arith.constant 632 : i32
      %mul3A_29 = arith.muli %arg1, %mul3A_28 : i32
      "tpu.region"() ({
        %run_scoped3A = tpu.sem_alloc : memref<!tpu.dma_semaphore, #tpu.memory_space<semaphore_mem>>
        %dma_start3A = arith.constant 0 : i32
        %dma_start3A_30 = tpu.memref_slice %arg6[%mul3A_29, %dma_start3A] : memref<10016x128xf32, #tpu.memory_space<vmem_shared>> -> memref<632x128xf32, #tpu.memory_space<vmem_shared>>
        %dma_start3A_31 = arith.constant 0 : i32
        %dma_start3A_32 = tpu.memref_slice %arg2[%add3A, %dma_start3A_31] : memref<20000x128xf32, #tpu.memory_space<hbm>> -> memref<632x128xf32, #tpu.memory_space<hbm>>
        tpu.enqueue_dma source(%dma_start3A_32 : memref<632x128xf32, #tpu.memory_space<hbm>>) target(%dma_start3A_30 : memref<632x128xf32, #tpu.memory_space<vmem_shared>>) target_semaphore(%run_scoped3A : memref<!tpu.dma_semaphore, #tpu.memory_space<semaphore_mem>>)
        %dma_wait3A = arith.constant 0 : i32
        %dma_wait3A_33 = tpu.memref_slice %arg6[%mul3A_29, %dma_wait3A] : memref<10016x128xf32, #tpu.memory_space<vmem_shared>> -> memref<632x128xf32, #tpu.memory_space<vmem_shared>>
        %dma_wait3A_34 = arith.constant 0 : i32
        %dma_wait3A_35 = tpu.memref_slice %arg2[%add3A, %dma_wait3A_34] : memref<20000x128xf32, #tpu.memory_space<hbm>> -> memref<632x128xf32, #tpu.memory_space<hbm>>
        tpu.wait_dma2 semaphore(%run_scoped3A : memref<!tpu.dma_semaphore, #tpu.memory_space<semaphore_mem>>) src(%dma_wait3A_35 : memref<632x128xf32, #tpu.memory_space<hbm>>) dst(%dma_wait3A_33 : memref<632x128xf32, #tpu.memory_space<vmem_shared>>)
        tpu.yield
      }) : () -> ()
    } else {
    }
    %eq3A = arith.constant 15 : i32
    %eq3A_2 = arith.cmpi eq, %arg1, %eq3A : i32
    %convert_element_type3A_3 = arith.extui %eq3A_2 : i1 to i32
    %cond3A_4 = arith.constant 0 : i32
    %cond3A_5 = arith.cmpi ne, %convert_element_type3A_3, %cond3A_4 : i32
    scf.if %cond3A_5 {
      %mul3A_24 = arith.constant 10000 : i32
      %mul3A_25 = arith.muli %arg0, %mul3A_24 : i32
      %add3A = arith.constant 9480 : i32
      %add3A_26 = arith.addi %mul3A_25, %add3A : i32
      "tpu.region"() ({
        %run_scoped3A = tpu.sem_alloc : memref<!tpu.dma_semaphore, #tpu.memory_space<semaphore_mem>>
        %dma_start3A = arith.constant 9480 : i32
        %dma_start3A_27 = arith.constant 0 : i32
        %dma_start3A_28 = tpu.memref_slice %arg6[%dma_start3A, %dma_start3A_27] : memref<10016x128xf32, #tpu.memory_space<vmem_shared>> -> memref<520x128xf32, #tpu.memory_space<vmem_shared>>
        %dma_start3A_29 = arith.constant 0 : i32
        %dma_start3A_30 = tpu.memref_slice %arg2[%add3A_26, %dma_start3A_29] : memref<20000x128xf32, #tpu.memory_space<hbm>> -> memref<520x128xf32, #tpu.memory_space<hbm>>
        tpu.enqueue_dma source(%dma_start3A_30 : memref<520x128xf32, #tpu.memory_space<hbm>>) target(%dma_start3A_28 : memref<520x128xf32, #tpu.memory_space<vmem_shared>>) target_semaphore(%run_scoped3A : memref<!tpu.dma_semaphore, #tpu.memory_space<semaphore_mem>>)
        %dma_wait3A = arith.constant 9480 : i32
        %dma_wait3A_31 = arith.constant 0 : i32
        %dma_wait3A_32 = tpu.memref_slice %arg6[%dma_wait3A, %dma_wait3A_31] : memref<10016x128xf32, #tpu.memory_space<vmem_shared>> -> memref<520x128xf32, #tpu.memory_space<vmem_shared>>
        %dma_wait3A_33 = arith.constant 0 : i32
        %dma_wait3A_34 = tpu.memref_slice %arg2[%add3A_26, %dma_wait3A_33] : memref<20000x128xf32, #tpu.memory_space<hbm>> -> memref<520x128xf32, #tpu.memory_space<hbm>>
        tpu.wait_dma2 semaphore(%run_scoped3A : memref<!tpu.dma_semaphore, #tpu.memory_space<semaphore_mem>>) src(%dma_wait3A_34 : memref<520x128xf32, #tpu.memory_space<hbm>>) dst(%dma_wait3A_32 : memref<520x128xf32, #tpu.memory_space<vmem_shared>>)
        tpu.yield
      }) : () -> ()
    } else {
    }
    %barrier3A = arith.constant 0 : index
    tpu.barrier barrier_id(%barrier3A)
    %mul3A = arith.constant 10000 : i32
    %mul3A_6 = arith.muli %arg0, %mul3A : i32
    %scan3A = arith.constant 0 : i32
    %scan3A_7 = arith.constant 0 : i32
    %scan3A_8 = arith.constant 4 : i32
    %scan3A_9 = arith.addi %scan3A_7, %scan3A_8 : i32
    %scan3A_10 = arith.constant 1 : i32
    %scan3A_11 = scf.for %scan3A_24 = %scan3A_7 to %scan3A_9 step %scan3A_10 iter_args(%scan3A_25 = %scan3A) -> (i32)  : i32 {
      %mul3A_26 = arith.constant 40 : i32
      %mul3A_27 = arith.muli %scan3A_24, %mul3A_26 : i32
      "tpu.region"() ({
        %run_scoped3A = tpu.sem_alloc : memref<!tpu.dma_semaphore, #tpu.memory_space<semaphore_mem>>
        %dma_start3A_89 = arith.constant 0 : i32
        %dma_start3A_90 = tpu.memref_slice %arg3[%arg1, %mul3A_27, %dma_start3A_89] : memref<16x160x64xi32, #tpu.memory_space<hbm>> -> memref<1x40x64xi32, #tpu.memory_space<hbm>>
        %dma_start3A_91 = tpu.memref_squeeze %dma_start3A_90 : memref<1x40x64xi32, #tpu.memory_space<hbm>> -> memref<40x64xi32, #tpu.memory_space<hbm>>
        %dma_start3A_92 = arith.constant 0 : i32
        %dma_start3A_93 = tpu.memref_slice %arg3[%arg1, %mul3A_27, %dma_start3A_92] : memref<16x160x64xi32, #tpu.memory_space<hbm>> -> memref<1x40x64xi32, #tpu.memory_space<hbm>>
        %dma_start3A_94 = tpu.memref_squeeze %dma_start3A_93 : memref<1x40x64xi32, #tpu.memory_space<hbm>> -> memref<40x64xi32, #tpu.memory_space<hbm>>
        tpu.enqueue_dma source(%dma_start3A_94 : memref<40x64xi32, #tpu.memory_space<hbm>>) target(%arg7 : memref<40x64xi32, #tpu.memory_space<vmem>>) target_semaphore(%run_scoped3A : memref<!tpu.dma_semaphore, #tpu.memory_space<semaphore_mem>>)
        %dma_wait3A = arith.constant 0 : i32
        %dma_wait3A_95 = tpu.memref_slice %arg3[%arg1, %mul3A_27, %dma_wait3A] : memref<16x160x64xi32, #tpu.memory_space<hbm>> -> memref<1x40x64xi32, #tpu.memory_space<hbm>>
        %dma_wait3A_96 = tpu.memref_squeeze %dma_wait3A_95 : memref<1x40x64xi32, #tpu.memory_space<hbm>> -> memref<40x64xi32, #tpu.memory_space<hbm>>
        %dma_wait3A_97 = arith.constant 0 : i32
        %dma_wait3A_98 = tpu.memref_slice %arg3[%arg1, %mul3A_27, %dma_wait3A_97] : memref<16x160x64xi32, #tpu.memory_space<hbm>> -> memref<1x40x64xi32, #tpu.memory_space<hbm>>
        %dma_wait3A_99 = tpu.memref_squeeze %dma_wait3A_98 : memref<1x40x64xi32, #tpu.memory_space<hbm>> -> memref<40x64xi32, #tpu.memory_space<hbm>>
        tpu.wait_dma2 semaphore(%run_scoped3A : memref<!tpu.dma_semaphore, #tpu.memory_space<semaphore_mem>>) src(%dma_wait3A_99 : memref<40x64xi32, #tpu.memory_space<hbm>>) dst(%arg7 : memref<40x64xi32, #tpu.memory_space<vmem>>)
        tpu.yield
      }) : () -> ()
      %mul3A_28 = arith.constant 40 : i32
      %mul3A_29 = arith.muli %scan3A_24, %mul3A_28 : i32
      "tpu.region"() ({
        %run_scoped3A = tpu.sem_alloc : memref<!tpu.dma_semaphore, #tpu.memory_space<semaphore_mem>>
        %dma_start3A_89 = arith.constant 0 : i32
        %dma_start3A_90 = tpu.memref_slice %arg4[%arg1, %mul3A_29, %dma_start3A_89] : memref<16x160x64xi32, #tpu.memory_space<hbm>> -> memref<1x40x64xi32, #tpu.memory_space<hbm>>
        %dma_start3A_91 = tpu.memref_squeeze %dma_start3A_90 : memref<1x40x64xi32, #tpu.memory_space<hbm>> -> memref<40x64xi32, #tpu.memory_space<hbm>>
        %dma_start3A_92 = arith.constant 0 : i32
        %dma_start3A_93 = tpu.memref_slice %arg4[%arg1, %mul3A_29, %dma_start3A_92] : memref<16x160x64xi32, #tpu.memory_space<hbm>> -> memref<1x40x64xi32, #tpu.memory_space<hbm>>
        %dma_start3A_94 = tpu.memref_squeeze %dma_start3A_93 : memref<1x40x64xi32, #tpu.memory_space<hbm>> -> memref<40x64xi32, #tpu.memory_space<hbm>>
        tpu.enqueue_dma source(%dma_start3A_94 : memref<40x64xi32, #tpu.memory_space<hbm>>) target(%arg8 : memref<40x64xi32, #tpu.memory_space<vmem>>) target_semaphore(%run_scoped3A : memref<!tpu.dma_semaphore, #tpu.memory_space<semaphore_mem>>)
        %dma_wait3A = arith.constant 0 : i32
        %dma_wait3A_95 = tpu.memref_slice %arg4[%arg1, %mul3A_29, %dma_wait3A] : memref<16x160x64xi32, #tpu.memory_space<hbm>> -> memref<1x40x64xi32, #tpu.memory_space<hbm>>
        %dma_wait3A_96 = tpu.memref_squeeze %dma_wait3A_95 : memref<1x40x64xi32, #tpu.memory_space<hbm>> -> memref<40x64xi32, #tpu.memory_space<hbm>>
        %dma_wait3A_97 = arith.constant 0 : i32
        %dma_wait3A_98 = tpu.memref_slice %arg4[%arg1, %mul3A_29, %dma_wait3A_97] : memref<16x160x64xi32, #tpu.memory_space<hbm>> -> memref<1x40x64xi32, #tpu.memory_space<hbm>>
        %dma_wait3A_99 = tpu.memref_squeeze %dma_wait3A_98 : memref<1x40x64xi32, #tpu.memory_space<hbm>> -> memref<40x64xi32, #tpu.memory_space<hbm>>
        tpu.wait_dma2 semaphore(%run_scoped3A : memref<!tpu.dma_semaphore, #tpu.memory_space<semaphore_mem>>) src(%dma_wait3A_99 : memref<40x64xi32, #tpu.memory_space<hbm>>) dst(%arg8 : memref<40x64xi32, #tpu.memory_space<vmem>>)
        tpu.yield
      }) : () -> ()
      %scan3A_30 = arith.constant 0 : i32
      %scan3A_31 = arith.constant 0 : i32
      %scan3A_32 = arith.constant 160 : i32
      %scan3A_33 = arith.addi %scan3A_31, %scan3A_32 : i32
      %scan3A_34 = arith.constant 1 : i32
      %scan3A_35 = scf.for %scan3A_89 = %scan3A_31 to %scan3A_33 step %scan3A_34 iter_args(%scan3A_90 = %scan3A_30) -> (i32)  : i32 {
        %jit3A = arith.constant 4 : i32
        %div3A = arith.divsi %scan3A_89, %jit3A : i32
        %sign3A = arith.constant 0 : i32
        %sign3A_91 = arith.cmpi sgt, %scan3A_89, %sign3A : i32
        %sign3A_92 = arith.extui %sign3A_91 : i1 to i32
        %sign3A_93 = arith.constant 0 : i32
        %sign3A_94 = arith.cmpi slt, %scan3A_89, %sign3A_93 : i32
        %sign3A_95 = arith.extui %sign3A_94 : i1 to i32
        %sign3A_96 = arith.subi %sign3A_92, %sign3A_95 : i32
        %sign3A_97 = arith.constant 0 : i32
        %sign3A_98 = arith.cmpi sgt, %jit3A, %sign3A_97 : i32
        %sign3A_99 = arith.extui %sign3A_98 : i1 to i32
        %sign3A_100 = arith.constant 0 : i32
        %sign3A_101 = arith.cmpi slt, %jit3A, %sign3A_100 : i32
        %sign3A_102 = arith.extui %sign3A_101 : i1 to i32
        %sign3A_103 = arith.subi %sign3A_99, %sign3A_102 : i32
        %ne3A = arith.cmpi ne, %sign3A_96, %sign3A_103 : i32
        %rem3A = arith.remsi %scan3A_89, %jit3A : i32
        %ne3A_104 = arith.constant 0 : i32
        %ne3A_105 = arith.cmpi ne, %rem3A, %ne3A_104 : i32
        %and3A = arith.andi %ne3A, %ne3A_105 : i1
        %sub3A = arith.constant 1 : i32
        %sub3A_106 = arith.subi %div3A, %sub3A : i32
        %select_n3A = arith.select %and3A, %sub3A_106, %div3A : i32
        %jit3A_107 = arith.constant 4 : i32
        %eq3A_108 = arith.constant 0 : i32
        %eq3A_109 = arith.cmpi eq, %jit3A_107, %eq3A_108 : i32
        %jit3A_110 = arith.constant 1 : i32
        %select_n3A_111 = arith.select %eq3A_109, %jit3A_110, %jit3A_107 : i32
        %rem3A_112 = arith.remsi %scan3A_89, %select_n3A_111 : i32
        %ne3A_113 = arith.constant 0 : i32
        %ne3A_114 = arith.cmpi ne, %rem3A_112, %ne3A_113 : i32
        %lt3A_115 = arith.constant 0 : i32
        %lt3A_116 = arith.cmpi slt, %rem3A_112, %lt3A_115 : i32
        %lt3A_117 = arith.constant 0 : i32
        %lt3A_118 = arith.cmpi slt, %select_n3A_111, %lt3A_117 : i32
        %ne3A_119 = arith.xori %lt3A_116, %lt3A_118 : i1
        %and3A_120 = arith.andi %ne3A_119, %ne3A_114 : i1
        %add3A = arith.addi %rem3A_112, %select_n3A_111 : i32
        %select_n3A_121 = arith.select %and3A_120, %add3A, %rem3A_112 : i32
        %mul3A_122 = arith.constant 16 : i32
        %mul3A_123 = arith.muli %select_n3A_121, %mul3A_122 : i32
        %get3A = arith.index_cast %select_n3A : i32 to index
        %get3A_124 = arith.index_cast %mul3A_123 : i32 to index
        %get3A_125 = tpu.vector_load %arg7[%get3A, %get3A_124] {strides = array<i32>} : memref<40x64xi32, #tpu.memory_space<vmem>>, vector<1x16xi32>,
        %get3A_126 = vector.shape_cast %get3A_125 : vector<1x16xi32> to vector<16xi32>
        %add3A_127 = vector.broadcast %mul3A_6 : i32 to vector<16xi32>
        %add3A_128 = arith.addi %get3A_126, %add3A_127 : vector<16xi32>
        %swap3A = arith.index_cast %select_n3A : i32 to index
        %swap3A_129 = arith.index_cast %mul3A_123 : i32 to index
        %swap3A_130 = tpu.vector_load %arg7[%swap3A, %swap3A_129] {strides = array<i32>} : memref<40x64xi32, #tpu.memory_space<vmem>>, vector<1x16xi32>,
        %swap3A_131 = vector.shape_cast %swap3A_130 : vector<1x16xi32> to vector<16xi32>
        %swap3A_132 = vector.shape_cast %add3A_128 : vector<16xi32> to vector<1x16xi32>
        tpu.vector_store %arg7[%swap3A, %swap3A_129], %swap3A_132 {strides = array<i32>} : memref<40x64xi32, #tpu.memory_space<vmem>>, vector<1x16xi32>,
        %scan3A_133 = arith.constant 0 : i32
        scf.yield %scan3A_133 : i32
      }
      %scan3A_36 = arith.constant 160 : i32
      %dma_start3A = arith.constant 0 : i32
      %dma_start3A_37 = arith.constant 0 : i32
      %dma_start3A_38 = arith.constant 0 : i32
      %dma_start3A_39 = arith.constant 0 : i32
      %dma_start3A_40 = arith.constant 0 : i32
      %dma_start3A_41 = tpu.memref_slice %arg9[%dma_start3A_37, %dma_start3A_39, %dma_start3A_40] : memref<4x64x128xf32, #tpu.memory_space<vmem>> -> memref<1x64x128xf32, #tpu.memory_space<vmem>>
      %dma_start3A_42 = tpu.memref_squeeze %dma_start3A_41 : memref<1x64x128xf32, #tpu.memory_space<vmem>> -> memref<64x128xf32, #tpu.memory_space<vmem>>
      %dma_start3A_43 = arith.constant 0 : i32
      %dma_start3A_44 = tpu.memref_slice %arg7[%dma_start3A, %dma_start3A_43] : memref<40x64xi32, #tpu.memory_space<vmem>> -> memref<1x64xi32, #tpu.memory_space<vmem>>
      %dma_start3A_45 = tpu.memref_squeeze %dma_start3A_44 : memref<1x64xi32, #tpu.memory_space<vmem>> -> memref<64xi32, #tpu.memory_space<vmem>>
      %dma_start3A_46 = arith.constant 0 : i32
      %dma_start3A_47 = arith.constant 0 : i32
      %dma_start3A_48 = tpu.memref_slice %arg2[%dma_start3A_46, %dma_start3A_47] : memref<20000x128xf32, #tpu.memory_space<hbm>> -> memref<20000x128xf32, #tpu.memory_space<hbm>>
      %dma_start3A_49 = tpu.memref_slice %arg10[%dma_start3A_38] : memref<4x!tpu.dma_semaphore, #tpu.memory_space<semaphore_mem>> -> memref<1x!tpu.dma_semaphore, #tpu.memory_space<semaphore_mem>>
      %dma_start3A_50 = tpu.memref_squeeze %dma_start3A_49 : memref<1x!tpu.dma_semaphore, #tpu.memory_space<semaphore_mem>> -> memref<!tpu.dma_semaphore, #tpu.memory_space<semaphore_mem>>
      tpu.enqueue_indirect_dma source(%dma_start3A_48 : memref<20000x128xf32, #tpu.memory_space<hbm>>) target(%dma_start3A_42 : memref<64x128xf32, #tpu.memory_space<vmem>>) offsets(%dma_start3A_45 : memref<64xi32, #tpu.memory_space<vmem>>) semaphore(%dma_start3A_50 : memref<!tpu.dma_semaphore, #tpu.memory_space<semaphore_mem>>)
      %dma_start3A_51 = arith.constant 1 : i32
      %dma_start3A_52 = arith.constant 1 : i32
      %dma_start3A_53 = arith.constant 1 : i32
      %dma_start3A_54 = arith.constant 0 : i32
      %dma_start3A_55 = arith.constant 0 : i32
      %dma_start3A_56 = tpu.memref_slice %arg9[%dma_start3A_52, %dma_start3A_54, %dma_start3A_55] : memref<4x64x128xf32, #tpu.memory_space<vmem>> -> memref<1x64x128xf32, #tpu.memory_space<vmem>>
      %dma_start3A_57 = tpu.memref_squeeze %dma_start3A_56 : memref<1x64x128xf32, #tpu.memory_space<vmem>> -> memref<64x128xf32, #tpu.memory_space<vmem>>
      %dma_start3A_58 = arith.constant 0 : i32
      %dma_start3A_59 = tpu.memref_slice %arg7[%dma_start3A_51, %dma_start3A_58] : memref<40x64xi32, #tpu.memory_space<vmem>> -> memref<1x64xi32, #tpu.memory_space<vmem>>
      %dma_start3A_60 = tpu.memref_squeeze %dma_start3A_59 : memref<1x64xi32, #tpu.memory_space<vmem>> -> memref<64xi32, #tpu.memory_space<vmem>>
      %dma_start3A_61 = arith.constant 0 : i32
      %dma_start3A_62 = arith.constant 0 : i32
      %dma_start3A_63 = tpu.memref_slice %arg2[%dma_start3A_61, %dma_start3A_62] : memref<20000x128xf32, #tpu.memory_space<hbm>> -> memref<20000x128xf32, #tpu.memory_space<hbm>>
      %dma_start3A_64 = tpu.memref_slice %arg10[%dma_start3A_53] : memref<4x!tpu.dma_semaphore, #tpu.memory_space<semaphore_mem>> -> memref<1x!tpu.dma_semaphore, #tpu.memory_space<semaphore_mem>>
      %dma_start3A_65 = tpu.memref_squeeze %dma_start3A_64 : memref<1x!tpu.dma_semaphore, #tpu.memory_space<semaphore_mem>> -> memref<!tpu.dma_semaphore, #tpu.memory_space<semaphore_mem>>
      tpu.enqueue_indirect_dma source(%dma_start3A_63 : memref<20000x128xf32, #tpu.memory_space<hbm>>) target(%dma_start3A_57 : memref<64x128xf32, #tpu.memory_space<vmem>>) offsets(%dma_start3A_60 : memref<64xi32, #tpu.memory_space<vmem>>) semaphore(%dma_start3A_65 : memref<!tpu.dma_semaphore, #tpu.memory_space<semaphore_mem>>)
      %dma_start3A_66 = arith.constant 2 : i32
      %dma_start3A_67 = arith.constant 2 : i32
      %dma_start3A_68 = arith.constant 2 : i32
      %dma_start3A_69 = arith.constant 0 : i32
      %dma_start3A_70 = arith.constant 0 : i32
      %dma_start3A_71 = tpu.memref_slice %arg9[%dma_start3A_67, %dma_start3A_69, %dma_start3A_70] : memref<4x64x128xf32, #tpu.memory_space<vmem>> -> memref<1x64x128xf32, #tpu.memory_space<vmem>>
      %dma_start3A_72 = tpu.memref_squeeze %dma_start3A_71 : memref<1x64x128xf32, #tpu.memory_space<vmem>> -> memref<64x128xf32, #tpu.memory_space<vmem>>
      %dma_start3A_73 = arith.constant 0 : i32
      %dma_start3A_74 = tpu.memref_slice %arg7[%dma_start3A_66, %dma_start3A_73] : memref<40x64xi32, #tpu.memory_space<vmem>> -> memref<1x64xi32, #tpu.memory_space<vmem>>
      %dma_start3A_75 = tpu.memref_squeeze %dma_start3A_74 : memref<1x64xi32, #tpu.memory_space<vmem>> -> memref<64xi32, #tpu.memory_space<vmem>>
      %dma_start3A_76 = arith.constant 0 : i32
      %dma_start3A_77 = arith.constant 0 : i32
      %dma_start3A_78 = tpu.memref_slice %arg2[%dma_start3A_76, %dma_start3A_77] : memref<20000x128xf32, #tpu.memory_space<hbm>> -> memref<20000x128xf32, #tpu.memory_space<hbm>>
      %dma_start3A_79 = tpu.memref_slice %arg10[%dma_start3A_68] : memref<4x!tpu.dma_semaphore, #tpu.memory_space<semaphore_mem>> -> memref<1x!tpu.dma_semaphore, #tpu.memory_space<semaphore_mem>>
      %dma_start3A_80 = tpu.memref_squeeze %dma_start3A_79 : memref<1x!tpu.dma_semaphore, #tpu.memory_space<semaphore_mem>> -> memref<!tpu.dma_semaphore, #tpu.memory_space<semaphore_mem>>
      tpu.enqueue_indirect_dma source(%dma_start3A_78 : memref<20000x128xf32, #tpu.memory_space<hbm>>) target(%dma_start3A_72 : memref<64x128xf32, #tpu.memory_space<vmem>>) offsets(%dma_start3A_75 : memref<64xi32, #tpu.memory_space<vmem>>) semaphore(%dma_start3A_80 : memref<!tpu.dma_semaphore, #tpu.memory_space<semaphore_mem>>)
      %scan3A_81 = arith.constant 0 : i32
      %scan3A_82 = arith.constant 0 : i32
      %scan3A_83 = arith.constant 10 : i32
      %scan3A_84 = arith.addi %scan3A_82, %scan3A_83 : i32
      %scan3A_85 = arith.constant 1 : i32
      %scan3A_86 = scf.for %scan3A_89 = %scan3A_82 to %scan3A_84 step %scan3A_85 iter_args(%scan3A_90 = %scan3A_81) -> (i32)  : i32 {
        %mul3A_91 = arith.constant 4 : i32
        %mul3A_92 = arith.muli %mul3A_91, %scan3A_89 : i32
        %add3A = arith.constant 0 : i32
        %add3A_93 = arith.addi %mul3A_92, %add3A : i32
        %dma_wait3A = arith.constant 0 : i32
        %dma_wait3A_94 = arith.constant 0 : i32
        %dma_wait3A_95 = arith.constant 0 : i32
        %dma_wait3A_96 = arith.constant 0 : i32
        %dma_wait3A_97 = tpu.memref_slice %arg9[%dma_wait3A, %dma_wait3A_95, %dma_wait3A_96] : memref<4x64x128xf32, #tpu.memory_space<vmem>> -> memref<1x64x128xf32, #tpu.memory_space<vmem>>
        %dma_wait3A_98 = tpu.memref_squeeze %dma_wait3A_97 : memref<1x64x128xf32, #tpu.memory_space<vmem>> -> memref<64x128xf32, #tpu.memory_space<vmem>>
        %dma_wait3A_99 = arith.constant 0 : i32
        %dma_wait3A_100 = tpu.memref_slice %arg7[%add3A_93, %dma_wait3A_99] : memref<40x64xi32, #tpu.memory_space<vmem>> -> memref<1x64xi32, #tpu.memory_space<vmem>>
        %dma_wait3A_101 = tpu.memref_squeeze %dma_wait3A_100 : memref<1x64xi32, #tpu.memory_space<vmem>> -> memref<64xi32, #tpu.memory_space<vmem>>
        %dma_wait3A_102 = arith.constant 0 : i32
        %dma_wait3A_103 = arith.constant 0 : i32
        %dma_wait3A_104 = tpu.memref_slice %arg2[%dma_wait3A_102, %dma_wait3A_103] : memref<20000x128xf32, #tpu.memory_space<hbm>> -> memref<20000x128xf32, #tpu.memory_space<hbm>>
        %dma_wait3A_105 = tpu.memref_slice %arg10[%dma_wait3A_94] : memref<4x!tpu.dma_semaphore, #tpu.memory_space<semaphore_mem>> -> memref<1x!tpu.dma_semaphore, #tpu.memory_space<semaphore_mem>>
        %dma_wait3A_106 = tpu.memref_squeeze %dma_wait3A_105 : memref<1x!tpu.dma_semaphore, #tpu.memory_space<semaphore_mem>> -> memref<!tpu.dma_semaphore, #tpu.memory_space<semaphore_mem>>
        tpu.wait_indirect_dma semaphore(%dma_wait3A_106 : memref<!tpu.dma_semaphore, #tpu.memory_space<semaphore_mem>>) src(%dma_wait3A_104 : memref<20000x128xf32, #tpu.memory_space<hbm>>) dst(%dma_wait3A_98 : memref<64x128xf32, #tpu.memory_space<vmem>>)
        %run_scoped3A = arith.constant 0 : i32
        "tpu.region"() ({
          %run_scoped3A_200 = tpu.sem_alloc : memref<!tpu.dma_semaphore, #tpu.memory_space<semaphore_mem>>
          %dma_start3A_201 = arith.constant 0 : i32
          %dma_start3A_202 = arith.constant 0 : i32
          %dma_start3A_203 = tpu.memref_slice %arg9[%run_scoped3A, %dma_start3A_201, %dma_start3A_202] : memref<4x64x128xf32, #tpu.memory_space<vmem>> -> memref<1x64x128xf32, #tpu.memory_space<vmem>>
          %dma_start3A_204 = tpu.memref_squeeze %dma_start3A_203 : memref<1x64x128xf32, #tpu.memory_space<vmem>> -> memref<64x128xf32, #tpu.memory_space<vmem>>
          %dma_start3A_205 = arith.constant 0 : i32
          %dma_start3A_206 = tpu.memref_slice %arg8[%add3A_93, %dma_start3A_205] : memref<40x64xi32, #tpu.memory_space<vmem>> -> memref<1x64xi32, #tpu.memory_space<vmem>>
          %dma_start3A_207 = tpu.memref_squeeze %dma_start3A_206 : memref<1x64xi32, #tpu.memory_space<vmem>> -> memref<64xi32, #tpu.memory_space<vmem>>
          %dma_start3A_208 = arith.constant 0 : i32
          %dma_start3A_209 = arith.constant 0 : i32
          %dma_start3A_210 = tpu.memref_slice %arg6[%dma_start3A_208, %dma_start3A_209] : memref<10016x128xf32, #tpu.memory_space<vmem_shared>> -> memref<10016x128xf32, #tpu.memory_space<vmem_shared>>
          tpu.enqueue_indirect_dma source(%dma_start3A_204 : memref<64x128xf32, #tpu.memory_space<vmem>>) target(%dma_start3A_210 : memref<10016x128xf32, #tpu.memory_space<vmem_shared>>) offsets(%dma_start3A_207 : memref<64xi32, #tpu.memory_space<vmem>>) semaphore(%run_scoped3A_200 : memref<!tpu.dma_semaphore, #tpu.memory_space<semaphore_mem>>) {add = true}
          %dma_wait3A_211 = arith.constant 0 : i32
          %dma_wait3A_212 = arith.constant 0 : i32
          %dma_wait3A_213 = tpu.memref_slice %arg9[%run_scoped3A, %dma_wait3A_211, %dma_wait3A_212] : memref<4x64x128xf32, #tpu.memory_space<vmem>> -> memref<1x64x128xf32, #tpu.memory_space<vmem>>
          %dma_wait3A_214 = tpu.memref_squeeze %dma_wait3A_213 : memref<1x64x128xf32, #tpu.memory_space<vmem>> -> memref<64x128xf32, #tpu.memory_space<vmem>>
          %dma_wait3A_215 = arith.constant 0 : i32
          %dma_wait3A_216 = tpu.memref_slice %arg8[%add3A_93, %dma_wait3A_215] : memref<40x64xi32, #tpu.memory_space<vmem>> -> memref<1x64xi32, #tpu.memory_space<vmem>>
          %dma_wait3A_217 = tpu.memref_squeeze %dma_wait3A_216 : memref<1x64xi32, #tpu.memory_space<vmem>> -> memref<64xi32, #tpu.memory_space<vmem>>
          %dma_wait3A_218 = arith.constant 0 : i32
          %dma_wait3A_219 = arith.constant 0 : i32
          %dma_wait3A_220 = tpu.memref_slice %arg6[%dma_wait3A_218, %dma_wait3A_219] : memref<10016x128xf32, #tpu.memory_space<vmem_shared>> -> memref<10016x128xf32, #tpu.memory_space<vmem_shared>>
          tpu.wait_indirect_dma semaphore(%run_scoped3A_200 : memref<!tpu.dma_semaphore, #tpu.memory_space<semaphore_mem>>) src(%dma_wait3A_214 : memref<64x128xf32, #tpu.memory_space<vmem>>) dst(%dma_wait3A_220 : memref<10016x128xf32, #tpu.memory_space<vmem_shared>>)
          tpu.yield
        }) : () -> ()
        %add3A_107 = arith.constant 4 : i32
        %add3A_108 = arith.addi %add3A_93, %add3A_107 : i32
        %sub3A = arith.constant 1 : i32
        %sub3A_109 = arith.subi %add3A_108, %sub3A : i32
        %lt3A_110 = arith.constant 40 : i32
        %lt3A_111 = arith.cmpi slt, %sub3A_109, %lt3A_110 : i32
        %convert_element_type3A_112 = arith.extui %lt3A_111 : i1 to i32
        %cond3A_113 = arith.constant 0 : i32
        %cond3A_114 = arith.cmpi ne, %convert_element_type3A_112, %cond3A_113 : i32
        scf.if %cond3A_114 {
          %add3A_200 = arith.constant 4 : i32
          %add3A_201 = arith.addi %add3A_93, %add3A_200 : i32
          %sub3A_202 = arith.constant 1 : i32
          %sub3A_203 = arith.subi %add3A_201, %sub3A_202 : i32
          %dma_start3A_204 = arith.constant 3 : i32
          %dma_start3A_205 = arith.constant 3 : i32
          %dma_start3A_206 = arith.constant 0 : i32
          %dma_start3A_207 = arith.constant 0 : i32
          %dma_start3A_208 = tpu.memref_slice %arg9[%dma_start3A_204, %dma_start3A_206, %dma_start3A_207] : memref<4x64x128xf32, #tpu.memory_space<vmem>> -> memref<1x64x128xf32, #tpu.memory_space<vmem>>
          %dma_start3A_209 = tpu.memref_squeeze %dma_start3A_208 : memref<1x64x128xf32, #tpu.memory_space<vmem>> -> memref<64x128xf32, #tpu.memory_space<vmem>>
          %dma_start3A_210 = arith.constant 0 : i32
          %dma_start3A_211 = tpu.memref_slice %arg7[%sub3A_203, %dma_start3A_210] : memref<40x64xi32, #tpu.memory_space<vmem>> -> memref<1x64xi32, #tpu.memory_space<vmem>>
          %dma_start3A_212 = tpu.memref_squeeze %dma_start3A_211 : memref<1x64xi32, #tpu.memory_space<vmem>> -> memref<64xi32, #tpu.memory_space<vmem>>
          %dma_start3A_213 = arith.constant 0 : i32
          %dma_start3A_214 = arith.constant 0 : i32
          %dma_start3A_215 = tpu.memref_slice %arg2[%dma_start3A_213, %dma_start3A_214] : memref<20000x128xf32, #tpu.memory_space<hbm>> -> memref<20000x128xf32, #tpu.memory_space<hbm>>
          %dma_start3A_216 = tpu.memref_slice %arg10[%dma_start3A_205] : memref<4x!tpu.dma_semaphore, #tpu.memory_space<semaphore_mem>> -> memref<1x!tpu.dma_semaphore, #tpu.memory_space<semaphore_mem>>
          %dma_start3A_217 = tpu.memref_squeeze %dma_start3A_216 : memref<1x!tpu.dma_semaphore, #tpu.memory_space<semaphore_mem>> -> memref<!tpu.dma_semaphore, #tpu.memory_space<semaphore_mem>>
          tpu.enqueue_indirect_dma source(%dma_start3A_215 : memref<20000x128xf32, #tpu.memory_space<hbm>>) target(%dma_start3A_209 : memref<64x128xf32, #tpu.memory_space<vmem>>) offsets(%dma_start3A_212 : memref<64xi32, #tpu.memory_space<vmem>>) semaphore(%dma_start3A_217 : memref<!tpu.dma_semaphore, #tpu.memory_space<semaphore_mem>>)
        } else {
        }
        %mul3A_115 = arith.constant 4 : i32
        %mul3A_116 = arith.muli %mul3A_115, %scan3A_89 : i32
        %add3A_117 = arith.constant 1 : i32
        %add3A_118 = arith.addi %mul3A_116, %add3A_117 : i32
        %dma_wait3A_119 = arith.constant 1 : i32
        %dma_wait3A_120 = arith.constant 1 : i32
        %dma_wait3A_121 = arith.constant 0 : i32
        %dma_wait3A_122 = arith.constant 0 : i32
        %dma_wait3A_123 = tpu.memref_slice %arg9[%dma_wait3A_119, %dma_wait3A_121, %dma_wait3A_122] : memref<4x64x128xf32, #tpu.memory_space<vmem>> -> memref<1x64x128xf32, #tpu.memory_space<vmem>>
        %dma_wait3A_124 = tpu.memref_squeeze %dma_wait3A_123 : memref<1x64x128xf32, #tpu.memory_space<vmem>> -> memref<64x128xf32, #tpu.memory_space<vmem>>
        %dma_wait3A_125 = arith.constant 0 : i32
        %dma_wait3A_126 = tpu.memref_slice %arg7[%add3A_118, %dma_wait3A_125] : memref<40x64xi32, #tpu.memory_space<vmem>> -> memref<1x64xi32, #tpu.memory_space<vmem>>
        %dma_wait3A_127 = tpu.memref_squeeze %dma_wait3A_126 : memref<1x64xi32, #tpu.memory_space<vmem>> -> memref<64xi32, #tpu.memory_space<vmem>>
        %dma_wait3A_128 = arith.constant 0 : i32
        %dma_wait3A_129 = arith.constant 0 : i32
        %dma_wait3A_130 = tpu.memref_slice %arg2[%dma_wait3A_128, %dma_wait3A_129] : memref<20000x128xf32, #tpu.memory_space<hbm>> -> memref<20000x128xf32, #tpu.memory_space<hbm>>
        %dma_wait3A_131 = tpu.memref_slice %arg10[%dma_wait3A_120] : memref<4x!tpu.dma_semaphore, #tpu.memory_space<semaphore_mem>> -> memref<1x!tpu.dma_semaphore, #tpu.memory_space<semaphore_mem>>
        %dma_wait3A_132 = tpu.memref_squeeze %dma_wait3A_131 : memref<1x!tpu.dma_semaphore, #tpu.memory_space<semaphore_mem>> -> memref<!tpu.dma_semaphore, #tpu.memory_space<semaphore_mem>>
        tpu.wait_indirect_dma semaphore(%dma_wait3A_132 : memref<!tpu.dma_semaphore, #tpu.memory_space<semaphore_mem>>) src(%dma_wait3A_130 : memref<20000x128xf32, #tpu.memory_space<hbm>>) dst(%dma_wait3A_124 : memref<64x128xf32, #tpu.memory_space<vmem>>)
        %run_scoped3A_133 = arith.constant 1 : i32
        "tpu.region"() ({
          %run_scoped3A_200 = tpu.sem_alloc : memref<!tpu.dma_semaphore, #tpu.memory_space<semaphore_mem>>
          %dma_start3A_201 = arith.constant 0 : i32
          %dma_start3A_202 = arith.constant 0 : i32
          %dma_start3A_203 = tpu.memref_slice %arg9[%run_scoped3A_133, %dma_start3A_201, %dma_start3A_202] : memref<4x64x128xf32, #tpu.memory_space<vmem>> -> memref<1x64x128xf32, #tpu.memory_space<vmem>>
          %dma_start3A_204 = tpu.memref_squeeze %dma_start3A_203 : memref<1x64x128xf32, #tpu.memory_space<vmem>> -> memref<64x128xf32, #tpu.memory_space<vmem>>
          %dma_start3A_205 = arith.constant 0 : i32
          %dma_start3A_206 = tpu.memref_slice %arg8[%add3A_118, %dma_start3A_205] : memref<40x64xi32, #tpu.memory_space<vmem>> -> memref<1x64xi32, #tpu.memory_space<vmem>>
          %dma_start3A_207 = tpu.memref_squeeze %dma_start3A_206 : memref<1x64xi32, #tpu.memory_space<vmem>> -> memref<64xi32, #tpu.memory_space<vmem>>
          %dma_start3A_208 = arith.constant 0 : i32
          %dma_start3A_209 = arith.constant 0 : i32
          %dma_start3A_210 = tpu.memref_slice %arg6[%dma_start3A_208, %dma_start3A_209] : memref<10016x128xf32, #tpu.memory_space<vmem_shared>> -> memref<10016x128xf32, #tpu.memory_space<vmem_shared>>
          tpu.enqueue_indirect_dma source(%dma_start3A_204 : memref<64x128xf32, #tpu.memory_space<vmem>>) target(%dma_start3A_210 : memref<10016x128xf32, #tpu.memory_space<vmem_shared>>) offsets(%dma_start3A_207 : memref<64xi32, #tpu.memory_space<vmem>>) semaphore(%run_scoped3A_200 : memref<!tpu.dma_semaphore, #tpu.memory_space<semaphore_mem>>) {add = true}
          %dma_wait3A_211 = arith.constant 0 : i32
          %dma_wait3A_212 = arith.constant 0 : i32
          %dma_wait3A_213 = tpu.memref_slice %arg9[%run_scoped3A_133, %dma_wait3A_211, %dma_wait3A_212] : memref<4x64x128xf32, #tpu.memory_space<vmem>> -> memref<1x64x128xf32, #tpu.memory_space<vmem>>
          %dma_wait3A_214 = tpu.memref_squeeze %dma_wait3A_213 : memref<1x64x128xf32, #tpu.memory_space<vmem>> -> memref<64x128xf32, #tpu.memory_space<vmem>>
          %dma_wait3A_215 = arith.constant 0 : i32
          %dma_wait3A_216 = tpu.memref_slice %arg8[%add3A_118, %dma_wait3A_215] : memref<40x64xi32, #tpu.memory_space<vmem>> -> memref<1x64xi32, #tpu.memory_space<vmem>>
          %dma_wait3A_217 = tpu.memref_squeeze %dma_wait3A_216 : memref<1x64xi32, #tpu.memory_space<vmem>> -> memref<64xi32, #tpu.memory_space<vmem>>
          %dma_wait3A_218 = arith.constant 0 : i32
          %dma_wait3A_219 = arith.constant 0 : i32
          %dma_wait3A_220 = tpu.memref_slice %arg6[%dma_wait3A_218, %dma_wait3A_219] : memref<10016x128xf32, #tpu.memory_space<vmem_shared>> -> memref<10016x128xf32, #tpu.memory_space<vmem_shared>>
          tpu.wait_indirect_dma semaphore(%run_scoped3A_200 : memref<!tpu.dma_semaphore, #tpu.memory_space<semaphore_mem>>) src(%dma_wait3A_214 : memref<64x128xf32, #tpu.memory_space<vmem>>) dst(%dma_wait3A_220 : memref<10016x128xf32, #tpu.memory_space<vmem_shared>>)
          tpu.yield
        }) : () -> ()
        %add3A_134 = arith.constant 4 : i32
        %add3A_135 = arith.addi %add3A_118, %add3A_134 : i32
        %sub3A_136 = arith.constant 1 : i32
        %sub3A_137 = arith.subi %add3A_135, %sub3A_136 : i32
        %lt3A_138 = arith.constant 40 : i32
        %lt3A_139 = arith.cmpi slt, %sub3A_137, %lt3A_138 : i32
        %convert_element_type3A_140 = arith.extui %lt3A_139 : i1 to i32
        %cond3A_141 = arith.constant 0 : i32
        %cond3A_142 = arith.cmpi ne, %convert_element_type3A_140, %cond3A_141 : i32
        scf.if %cond3A_142 {
          %add3A_200 = arith.constant 4 : i32
          %add3A_201 = arith.addi %add3A_118, %add3A_200 : i32
          %sub3A_202 = arith.constant 1 : i32
          %sub3A_203 = arith.subi %add3A_201, %sub3A_202 : i32
          %dma_start3A_204 = arith.constant 0 : i32
          %dma_start3A_205 = arith.constant 0 : i32
          %dma_start3A_206 = arith.constant 0 : i32
          %dma_start3A_207 = arith.constant 0 : i32
          %dma_start3A_208 = tpu.memref_slice %arg9[%dma_start3A_204, %dma_start3A_206, %dma_start3A_207] : memref<4x64x128xf32, #tpu.memory_space<vmem>> -> memref<1x64x128xf32, #tpu.memory_space<vmem>>
          %dma_start3A_209 = tpu.memref_squeeze %dma_start3A_208 : memref<1x64x128xf32, #tpu.memory_space<vmem>> -> memref<64x128xf32, #tpu.memory_space<vmem>>
          %dma_start3A_210 = arith.constant 0 : i32
          %dma_start3A_211 = tpu.memref_slice %arg7[%sub3A_203, %dma_start3A_210] : memref<40x64xi32, #tpu.memory_space<vmem>> -> memref<1x64xi32, #tpu.memory_space<vmem>>
          %dma_start3A_212 = tpu.memref_squeeze %dma_start3A_211 : memref<1x64xi32, #tpu.memory_space<vmem>> -> memref<64xi32, #tpu.memory_space<vmem>>
          %dma_start3A_213 = arith.constant 0 : i32
          %dma_start3A_214 = arith.constant 0 : i32
          %dma_start3A_215 = tpu.memref_slice %arg2[%dma_start3A_213, %dma_start3A_214] : memref<20000x128xf32, #tpu.memory_space<hbm>> -> memref<20000x128xf32, #tpu.memory_space<hbm>>
          %dma_start3A_216 = tpu.memref_slice %arg10[%dma_start3A_205] : memref<4x!tpu.dma_semaphore, #tpu.memory_space<semaphore_mem>> -> memref<1x!tpu.dma_semaphore, #tpu.memory_space<semaphore_mem>>
          %dma_start3A_217 = tpu.memref_squeeze %dma_start3A_216 : memref<1x!tpu.dma_semaphore, #tpu.memory_space<semaphore_mem>> -> memref<!tpu.dma_semaphore, #tpu.memory_space<semaphore_mem>>
          tpu.enqueue_indirect_dma source(%dma_start3A_215 : memref<20000x128xf32, #tpu.memory_space<hbm>>) target(%dma_start3A_209 : memref<64x128xf32, #tpu.memory_space<vmem>>) offsets(%dma_start3A_212 : memref<64xi32, #tpu.memory_space<vmem>>) semaphore(%dma_start3A_217 : memref<!tpu.dma_semaphore, #tpu.memory_space<semaphore_mem>>)
        } else {
        }
        %mul3A_143 = arith.constant 4 : i32
        %mul3A_144 = arith.muli %mul3A_143, %scan3A_89 : i32
        %add3A_145 = arith.constant 2 : i32
        %add3A_146 = arith.addi %mul3A_144, %add3A_145 : i32
        %dma_wait3A_147 = arith.constant 2 : i32
        %dma_wait3A_148 = arith.constant 2 : i32
        %dma_wait3A_149 = arith.constant 0 : i32
        %dma_wait3A_150 = arith.constant 0 : i32
        %dma_wait3A_151 = tpu.memref_slice %arg9[%dma_wait3A_147, %dma_wait3A_149, %dma_wait3A_150] : memref<4x64x128xf32, #tpu.memory_space<vmem>> -> memref<1x64x128xf32, #tpu.memory_space<vmem>>
        %dma_wait3A_152 = tpu.memref_squeeze %dma_wait3A_151 : memref<1x64x128xf32, #tpu.memory_space<vmem>> -> memref<64x128xf32, #tpu.memory_space<vmem>>
        %dma_wait3A_153 = arith.constant 0 : i32
        %dma_wait3A_154 = tpu.memref_slice %arg7[%add3A_146, %dma_wait3A_153] : memref<40x64xi32, #tpu.memory_space<vmem>> -> memref<1x64xi32, #tpu.memory_space<vmem>>
        %dma_wait3A_155 = tpu.memref_squeeze %dma_wait3A_154 : memref<1x64xi32, #tpu.memory_space<vmem>> -> memref<64xi32, #tpu.memory_space<vmem>>
        %dma_wait3A_156 = arith.constant 0 : i32
        %dma_wait3A_157 = arith.constant 0 : i32
        %dma_wait3A_158 = tpu.memref_slice %arg2[%dma_wait3A_156, %dma_wait3A_157] : memref<20000x128xf32, #tpu.memory_space<hbm>> -> memref<20000x128xf32, #tpu.memory_space<hbm>>
        %dma_wait3A_159 = tpu.memref_slice %arg10[%dma_wait3A_148] : memref<4x!tpu.dma_semaphore, #tpu.memory_space<semaphore_mem>> -> memref<1x!tpu.dma_semaphore, #tpu.memory_space<semaphore_mem>>
        %dma_wait3A_160 = tpu.memref_squeeze %dma_wait3A_159 : memref<1x!tpu.dma_semaphore, #tpu.memory_space<semaphore_mem>> -> memref<!tpu.dma_semaphore, #tpu.memory_space<semaphore_mem>>
        tpu.wait_indirect_dma semaphore(%dma_wait3A_160 : memref<!tpu.dma_semaphore, #tpu.memory_space<semaphore_mem>>) src(%dma_wait3A_158 : memref<20000x128xf32, #tpu.memory_space<hbm>>) dst(%dma_wait3A_152 : memref<64x128xf32, #tpu.memory_space<vmem>>)
        %run_scoped3A_161 = arith.constant 2 : i32
        "tpu.region"() ({
          %run_scoped3A_200 = tpu.sem_alloc : memref<!tpu.dma_semaphore, #tpu.memory_space<semaphore_mem>>
          %dma_start3A_201 = arith.constant 0 : i32
          %dma_start3A_202 = arith.constant 0 : i32
          %dma_start3A_203 = tpu.memref_slice %arg9[%run_scoped3A_161, %dma_start3A_201, %dma_start3A_202] : memref<4x64x128xf32, #tpu.memory_space<vmem>> -> memref<1x64x128xf32, #tpu.memory_space<vmem>>
          %dma_start3A_204 = tpu.memref_squeeze %dma_start3A_203 : memref<1x64x128xf32, #tpu.memory_space<vmem>> -> memref<64x128xf32, #tpu.memory_space<vmem>>
          %dma_start3A_205 = arith.constant 0 : i32
          %dma_start3A_206 = tpu.memref_slice %arg8[%add3A_146, %dma_start3A_205] : memref<40x64xi32, #tpu.memory_space<vmem>> -> memref<1x64xi32, #tpu.memory_space<vmem>>
          %dma_start3A_207 = tpu.memref_squeeze %dma_start3A_206 : memref<1x64xi32, #tpu.memory_space<vmem>> -> memref<64xi32, #tpu.memory_space<vmem>>
          %dma_start3A_208 = arith.constant 0 : i32
          %dma_start3A_209 = arith.constant 0 : i32
          %dma_start3A_210 = tpu.memref_slice %arg6[%dma_start3A_208, %dma_start3A_209] : memref<10016x128xf32, #tpu.memory_space<vmem_shared>> -> memref<10016x128xf32, #tpu.memory_space<vmem_shared>>
          tpu.enqueue_indirect_dma source(%dma_start3A_204 : memref<64x128xf32, #tpu.memory_space<vmem>>) target(%dma_start3A_210 : memref<10016x128xf32, #tpu.memory_space<vmem_shared>>) offsets(%dma_start3A_207 : memref<64xi32, #tpu.memory_space<vmem>>) semaphore(%run_scoped3A_200 : memref<!tpu.dma_semaphore, #tpu.memory_space<semaphore_mem>>) {add = true}
          %dma_wait3A_211 = arith.constant 0 : i32
          %dma_wait3A_212 = arith.constant 0 : i32
          %dma_wait3A_213 = tpu.memref_slice %arg9[%run_scoped3A_161, %dma_wait3A_211, %dma_wait3A_212] : memref<4x64x128xf32, #tpu.memory_space<vmem>> -> memref<1x64x128xf32, #tpu.memory_space<vmem>>
          %dma_wait3A_214 = tpu.memref_squeeze %dma_wait3A_213 : memref<1x64x128xf32, #tpu.memory_space<vmem>> -> memref<64x128xf32, #tpu.memory_space<vmem>>
          %dma_wait3A_215 = arith.constant 0 : i32
          %dma_wait3A_216 = tpu.memref_slice %arg8[%add3A_146, %dma_wait3A_215] : memref<40x64xi32, #tpu.memory_space<vmem>> -> memref<1x64xi32, #tpu.memory_space<vmem>>
          %dma_wait3A_217 = tpu.memref_squeeze %dma_wait3A_216 : memref<1x64xi32, #tpu.memory_space<vmem>> -> memref<64xi32, #tpu.memory_space<vmem>>
          %dma_wait3A_218 = arith.constant 0 : i32
          %dma_wait3A_219 = arith.constant 0 : i32
          %dma_wait3A_220 = tpu.memref_slice %arg6[%dma_wait3A_218, %dma_wait3A_219] : memref<10016x128xf32, #tpu.memory_space<vmem_shared>> -> memref<10016x128xf32, #tpu.memory_space<vmem_shared>>
          tpu.wait_indirect_dma semaphore(%run_scoped3A_200 : memref<!tpu.dma_semaphore, #tpu.memory_space<semaphore_mem>>) src(%dma_wait3A_214 : memref<64x128xf32, #tpu.memory_space<vmem>>) dst(%dma_wait3A_220 : memref<10016x128xf32, #tpu.memory_space<vmem_shared>>)
          tpu.yield
        }) : () -> ()
        %add3A_162 = arith.constant 4 : i32
        %add3A_163 = arith.addi %add3A_146, %add3A_162 : i32
        %sub3A_164 = arith.constant 1 : i32
        %sub3A_165 = arith.subi %add3A_163, %sub3A_164 : i32
        %lt3A_166 = arith.constant 40 : i32
        %lt3A_167 = arith.cmpi slt, %sub3A_165, %lt3A_166 : i32
        %convert_element_type3A_168 = arith.extui %lt3A_167 : i1 to i32
        %cond3A_169 = arith.constant 0 : i32
        %cond3A_170 = arith.cmpi ne, %convert_element_type3A_168, %cond3A_169 : i32
        scf.if %cond3A_170 {
          %add3A_200 = arith.constant 4 : i32
          %add3A_201 = arith.addi %add3A_146, %add3A_200 : i32
          %sub3A_202 = arith.constant 1 : i32
          %sub3A_203 = arith.subi %add3A_201, %sub3A_202 : i32
          %dma_start3A_204 = arith.constant 1 : i32
          %dma_start3A_205 = arith.constant 1 : i32
          %dma_start3A_206 = arith.constant 0 : i32
          %dma_start3A_207 = arith.constant 0 : i32
          %dma_start3A_208 = tpu.memref_slice %arg9[%dma_start3A_204, %dma_start3A_206, %dma_start3A_207] : memref<4x64x128xf32, #tpu.memory_space<vmem>> -> memref<1x64x128xf32, #tpu.memory_space<vmem>>
          %dma_start3A_209 = tpu.memref_squeeze %dma_start3A_208 : memref<1x64x128xf32, #tpu.memory_space<vmem>> -> memref<64x128xf32, #tpu.memory_space<vmem>>
          %dma_start3A_210 = arith.constant 0 : i32
          %dma_start3A_211 = tpu.memref_slice %arg7[%sub3A_203, %dma_start3A_210] : memref<40x64xi32, #tpu.memory_space<vmem>> -> memref<1x64xi32, #tpu.memory_space<vmem>>
          %dma_start3A_212 = tpu.memref_squeeze %dma_start3A_211 : memref<1x64xi32, #tpu.memory_space<vmem>> -> memref<64xi32, #tpu.memory_space<vmem>>
          %dma_start3A_213 = arith.constant 0 : i32
          %dma_start3A_214 = arith.constant 0 : i32
          %dma_start3A_215 = tpu.memref_slice %arg2[%dma_start3A_213, %dma_start3A_214] : memref<20000x128xf32, #tpu.memory_space<hbm>> -> memref<20000x128xf32, #tpu.memory_space<hbm>>
          %dma_start3A_216 = tpu.memref_slice %arg10[%dma_start3A_205] : memref<4x!tpu.dma_semaphore, #tpu.memory_space<semaphore_mem>> -> memref<1x!tpu.dma_semaphore, #tpu.memory_space<semaphore_mem>>
          %dma_start3A_217 = tpu.memref_squeeze %dma_start3A_216 : memref<1x!tpu.dma_semaphore, #tpu.memory_space<semaphore_mem>> -> memref<!tpu.dma_semaphore, #tpu.memory_space<semaphore_mem>>
          tpu.enqueue_indirect_dma source(%dma_start3A_215 : memref<20000x128xf32, #tpu.memory_space<hbm>>) target(%dma_start3A_209 : memref<64x128xf32, #tpu.memory_space<vmem>>) offsets(%dma_start3A_212 : memref<64xi32, #tpu.memory_space<vmem>>) semaphore(%dma_start3A_217 : memref<!tpu.dma_semaphore, #tpu.memory_space<semaphore_mem>>)
        } else {
        }
        %mul3A_171 = arith.constant 4 : i32
        %mul3A_172 = arith.muli %mul3A_171, %scan3A_89 : i32
        %add3A_173 = arith.constant 3 : i32
        %add3A_174 = arith.addi %mul3A_172, %add3A_173 : i32
        %dma_wait3A_175 = arith.constant 3 : i32
        %dma_wait3A_176 = arith.constant 3 : i32
        %dma_wait3A_177 = arith.constant 0 : i32
        %dma_wait3A_178 = arith.constant 0 : i32
        %dma_wait3A_179 = tpu.memref_slice %arg9[%dma_wait3A_175, %dma_wait3A_177, %dma_wait3A_178] : memref<4x64x128xf32, #tpu.memory_space<vmem>> -> memref<1x64x128xf32, #tpu.memory_space<vmem>>
        %dma_wait3A_180 = tpu.memref_squeeze %dma_wait3A_179 : memref<1x64x128xf32, #tpu.memory_space<vmem>> -> memref<64x128xf32, #tpu.memory_space<vmem>>
        %dma_wait3A_181 = arith.constant 0 : i32
        %dma_wait3A_182 = tpu.memref_slice %arg7[%add3A_174, %dma_wait3A_181] : memref<40x64xi32, #tpu.memory_space<vmem>> -> memref<1x64xi32, #tpu.memory_space<vmem>>
        %dma_wait3A_183 = tpu.memref_squeeze %dma_wait3A_182 : memref<1x64xi32, #tpu.memory_space<vmem>> -> memref<64xi32, #tpu.memory_space<vmem>>
        %dma_wait3A_184 = arith.constant 0 : i32
        %dma_wait3A_185 = arith.constant 0 : i32
        %dma_wait3A_186 = tpu.memref_slice %arg2[%dma_wait3A_184, %dma_wait3A_185] : memref<20000x128xf32, #tpu.memory_space<hbm>> -> memref<20000x128xf32, #tpu.memory_space<hbm>>
        %dma_wait3A_187 = tpu.memref_slice %arg10[%dma_wait3A_176] : memref<4x!tpu.dma_semaphore, #tpu.memory_space<semaphore_mem>> -> memref<1x!tpu.dma_semaphore, #tpu.memory_space<semaphore_mem>>
        %dma_wait3A_188 = tpu.memref_squeeze %dma_wait3A_187 : memref<1x!tpu.dma_semaphore, #tpu.memory_space<semaphore_mem>> -> memref<!tpu.dma_semaphore, #tpu.memory_space<semaphore_mem>>
        tpu.wait_indirect_dma semaphore(%dma_wait3A_188 : memref<!tpu.dma_semaphore, #tpu.memory_space<semaphore_mem>>) src(%dma_wait3A_186 : memref<20000x128xf32, #tpu.memory_space<hbm>>) dst(%dma_wait3A_180 : memref<64x128xf32, #tpu.memory_space<vmem>>)
        %run_scoped3A_189 = arith.constant 3 : i32
        "tpu.region"() ({
          %run_scoped3A_200 = tpu.sem_alloc : memref<!tpu.dma_semaphore, #tpu.memory_space<semaphore_mem>>
          %dma_start3A_201 = arith.constant 0 : i32
          %dma_start3A_202 = arith.constant 0 : i32
          %dma_start3A_203 = tpu.memref_slice %arg9[%run_scoped3A_189, %dma_start3A_201, %dma_start3A_202] : memref<4x64x128xf32, #tpu.memory_space<vmem>> -> memref<1x64x128xf32, #tpu.memory_space<vmem>>
          %dma_start3A_204 = tpu.memref_squeeze %dma_start3A_203 : memref<1x64x128xf32, #tpu.memory_space<vmem>> -> memref<64x128xf32, #tpu.memory_space<vmem>>
          %dma_start3A_205 = arith.constant 0 : i32
          %dma_start3A_206 = tpu.memref_slice %arg8[%add3A_174, %dma_start3A_205] : memref<40x64xi32, #tpu.memory_space<vmem>> -> memref<1x64xi32, #tpu.memory_space<vmem>>
          %dma_start3A_207 = tpu.memref_squeeze %dma_start3A_206 : memref<1x64xi32, #tpu.memory_space<vmem>> -> memref<64xi32, #tpu.memory_space<vmem>>
          %dma_start3A_208 = arith.constant 0 : i32
          %dma_start3A_209 = arith.constant 0 : i32
          %dma_start3A_210 = tpu.memref_slice %arg6[%dma_start3A_208, %dma_start3A_209] : memref<10016x128xf32, #tpu.memory_space<vmem_shared>> -> memref<10016x128xf32, #tpu.memory_space<vmem_shared>>
          tpu.enqueue_indirect_dma source(%dma_start3A_204 : memref<64x128xf32, #tpu.memory_space<vmem>>) target(%dma_start3A_210 : memref<10016x128xf32, #tpu.memory_space<vmem_shared>>) offsets(%dma_start3A_207 : memref<64xi32, #tpu.memory_space<vmem>>) semaphore(%run_scoped3A_200 : memref<!tpu.dma_semaphore, #tpu.memory_space<semaphore_mem>>) {add = true}
          %dma_wait3A_211 = arith.constant 0 : i32
          %dma_wait3A_212 = arith.constant 0 : i32
          %dma_wait3A_213 = tpu.memref_slice %arg9[%run_scoped3A_189, %dma_wait3A_211, %dma_wait3A_212] : memref<4x64x128xf32, #tpu.memory_space<vmem>> -> memref<1x64x128xf32, #tpu.memory_space<vmem>>
          %dma_wait3A_214 = tpu.memref_squeeze %dma_wait3A_213 : memref<1x64x128xf32, #tpu.memory_space<vmem>> -> memref<64x128xf32, #tpu.memory_space<vmem>>
          %dma_wait3A_215 = arith.constant 0 : i32
          %dma_wait3A_216 = tpu.memref_slice %arg8[%add3A_174, %dma_wait3A_215] : memref<40x64xi32, #tpu.memory_space<vmem>> -> memref<1x64xi32, #tpu.memory_space<vmem>>
          %dma_wait3A_217 = tpu.memref_squeeze %dma_wait3A_216 : memref<1x64xi32, #tpu.memory_space<vmem>> -> memref<64xi32, #tpu.memory_space<vmem>>
          %dma_wait3A_218 = arith.constant 0 : i32
          %dma_wait3A_219 = arith.constant 0 : i32
          %dma_wait3A_220 = tpu.memref_slice %arg6[%dma_wait3A_218, %dma_wait3A_219] : memref<10016x128xf32, #tpu.memory_space<vmem_shared>> -> memref<10016x128xf32, #tpu.memory_space<vmem_shared>>
          tpu.wait_indirect_dma semaphore(%run_scoped3A_200 : memref<!tpu.dma_semaphore, #tpu.memory_space<semaphore_mem>>) src(%dma_wait3A_214 : memref<64x128xf32, #tpu.memory_space<vmem>>) dst(%dma_wait3A_220 : memref<10016x128xf32, #tpu.memory_space<vmem_shared>>)
          tpu.yield
        }) : () -> ()
        %add3A_190 = arith.constant 4 : i32
        %add3A_191 = arith.addi %add3A_174, %add3A_190 : i32
        %sub3A_192 = arith.constant 1 : i32
        %sub3A_193 = arith.subi %add3A_191, %sub3A_192 : i32
        %lt3A_194 = arith.constant 40 : i32
        %lt3A_195 = arith.cmpi slt, %sub3A_193, %lt3A_194 : i32
        %convert_element_type3A_196 = arith.extui %lt3A_195 : i1 to i32
        %cond3A_197 = arith.constant 0 : i32
        %cond3A_198 = arith.cmpi ne, %convert_element_type3A_196, %cond3A_197 : i32
        scf.if %cond3A_198 {
          %add3A_200 = arith.constant 4 : i32
          %add3A_201 = arith.addi %add3A_174, %add3A_200 : i32
          %sub3A_202 = arith.constant 1 : i32
          %sub3A_203 = arith.subi %add3A_201, %sub3A_202 : i32
          %dma_start3A_204 = arith.constant 2 : i32
          %dma_start3A_205 = arith.constant 2 : i32
          %dma_start3A_206 = arith.constant 0 : i32
          %dma_start3A_207 = arith.constant 0 : i32
          %dma_start3A_208 = tpu.memref_slice %arg9[%dma_start3A_204, %dma_start3A_206, %dma_start3A_207] : memref<4x64x128xf32, #tpu.memory_space<vmem>> -> memref<1x64x128xf32, #tpu.memory_space<vmem>>
          %dma_start3A_209 = tpu.memref_squeeze %dma_start3A_208 : memref<1x64x128xf32, #tpu.memory_space<vmem>> -> memref<64x128xf32, #tpu.memory_space<vmem>>
          %dma_start3A_210 = arith.constant 0 : i32
          %dma_start3A_211 = tpu.memref_slice %arg7[%sub3A_203, %dma_start3A_210] : memref<40x64xi32, #tpu.memory_space<vmem>> -> memref<1x64xi32, #tpu.memory_space<vmem>>
          %dma_start3A_212 = tpu.memref_squeeze %dma_start3A_211 : memref<1x64xi32, #tpu.memory_space<vmem>> -> memref<64xi32, #tpu.memory_space<vmem>>
          %dma_start3A_213 = arith.constant 0 : i32
          %dma_start3A_214 = arith.constant 0 : i32
          %dma_start3A_215 = tpu.memref_slice %arg2[%dma_start3A_213, %dma_start3A_214] : memref<20000x128xf32, #tpu.memory_space<hbm>> -> memref<20000x128xf32, #tpu.memory_space<hbm>>
          %dma_start3A_216 = tpu.memref_slice %arg10[%dma_start3A_205] : memref<4x!tpu.dma_semaphore, #tpu.memory_space<semaphore_mem>> -> memref<1x!tpu.dma_semaphore, #tpu.memory_space<semaphore_mem>>
          %dma_start3A_217 = tpu.memref_squeeze %dma_start3A_216 : memref<1x!tpu.dma_semaphore, #tpu.memory_space<semaphore_mem>> -> memref<!tpu.dma_semaphore, #tpu.memory_space<semaphore_mem>>
          tpu.enqueue_indirect_dma source(%dma_start3A_215 : memref<20000x128xf32, #tpu.memory_space<hbm>>) target(%dma_start3A_209 : memref<64x128xf32, #tpu.memory_space<vmem>>) offsets(%dma_start3A_212 : memref<64xi32, #tpu.memory_space<vmem>>) semaphore(%dma_start3A_217 : memref<!tpu.dma_semaphore, #tpu.memory_space<semaphore_mem>>)
        } else {
        }
        %scan3A_199 = arith.constant 0 : i32
        scf.yield %scan3A_199 : i32
      }
      %scan3A_87 = arith.constant 10 : i32
      %scan3A_88 = arith.constant 0 : i32
      scf.yield %scan3A_88 : i32
    }
    %scan3A_12 = arith.constant 4 : i32
    %barrier3A_13 = arith.constant 0 : index
    tpu.barrier barrier_id(%barrier3A_13)
    %lt3A_14 = arith.constant 15 : i32
    %lt3A_15 = arith.cmpi slt, %arg1, %lt3A_14 : i32
    %convert_element_type3A_16 = arith.extui %lt3A_15 : i1 to i32
    %cond3A_17 = arith.constant 0 : i32
    %cond3A_18 = arith.cmpi ne, %convert_element_type3A_16, %cond3A_17 : i32
    scf.if %cond3A_18 {
      %mul3A_24 = arith.constant 632 : i32
      %mul3A_25 = arith.muli %arg1, %mul3A_24 : i32
      %mul3A_26 = arith.constant 632 : i32
      %mul3A_27 = arith.muli %arg1, %mul3A_26 : i32
      "tpu.region"() ({
        %run_scoped3A = tpu.sem_alloc : memref<!tpu.dma_semaphore, #tpu.memory_space<semaphore_mem>>
        %dma_start3A = arith.constant 0 : i32
        %dma_start3A_28 = tpu.memref_slice %arg5[%arg0, %mul3A_27, %dma_start3A] : memref<2x10000x128xf32, #tpu.memory_space<hbm>> -> memref<1x632x128xf32, #tpu.memory_space<hbm>>
        %dma_start3A_29 = tpu.memref_squeeze %dma_start3A_28 : memref<1x632x128xf32, #tpu.memory_space<hbm>> -> memref<632x128xf32, #tpu.memory_space<hbm>>
        %dma_start3A_30 = arith.constant 0 : i32
        %dma_start3A_31 = tpu.memref_slice %arg6[%mul3A_25, %dma_start3A_30] : memref<10016x128xf32, #tpu.memory_space<vmem_shared>> -> memref<632x128xf32, #tpu.memory_space<vmem_shared>>
        tpu.enqueue_dma source(%dma_start3A_31 : memref<632x128xf32, #tpu.memory_space<vmem_shared>>) target(%dma_start3A_29 : memref<632x128xf32, #tpu.memory_space<hbm>>) target_semaphore(%run_scoped3A : memref<!tpu.dma_semaphore, #tpu.memory_space<semaphore_mem>>)
        %dma_wait3A = arith.constant 0 : i32
        %dma_wait3A_32 = tpu.memref_slice %arg5[%arg0, %mul3A_27, %dma_wait3A] : memref<2x10000x128xf32, #tpu.memory_space<hbm>> -> memref<1x632x128xf32, #tpu.memory_space<hbm>>
        %dma_wait3A_33 = tpu.memref_squeeze %dma_wait3A_32 : memref<1x632x128xf32, #tpu.memory_space<hbm>> -> memref<632x128xf32, #tpu.memory_space<hbm>>
        %dma_wait3A_34 = arith.constant 0 : i32
        %dma_wait3A_35 = tpu.memref_slice %arg6[%mul3A_25, %dma_wait3A_34] : memref<10016x128xf32, #tpu.memory_space<vmem_shared>> -> memref<632x128xf32, #tpu.memory_space<vmem_shared>>
        tpu.wait_dma2 semaphore(%run_scoped3A : memref<!tpu.dma_semaphore, #tpu.memory_space<semaphore_mem>>) src(%dma_wait3A_35 : memref<632x128xf32, #tpu.memory_space<vmem_shared>>) dst(%dma_wait3A_33 : memref<632x128xf32, #tpu.memory_space<hbm>>)
        tpu.yield
      }) : () -> ()
    } else {
    }
    %eq3A_19 = arith.constant 15 : i32
    %eq3A_20 = arith.cmpi eq, %arg1, %eq3A_19 : i32
    %convert_element_type3A_21 = arith.extui %eq3A_20 : i1 to i32
    %cond3A_22 = arith.constant 0 : i32
    %cond3A_23 = arith.cmpi ne, %convert_element_type3A_21, %cond3A_22 : i32
    scf.if %cond3A_23 {
      "tpu.region"() ({
        %run_scoped3A = tpu.sem_alloc : memref<!tpu.dma_semaphore, #tpu.memory_space<semaphore_mem>>
        %dma_start3A = arith.constant 9480 : i32
        %dma_start3A_24 = arith.constant 0 : i32
        %dma_start3A_25 = tpu.memref_slice %arg5[%arg0, %dma_start3A, %dma_start3A_24] : memref<2x10000x128xf32, #tpu.memory_space<hbm>> -> memref<1x520x128xf32, #tpu.memory_space<hbm>>
        %dma_start3A_26 = tpu.memref_squeeze %dma_start3A_25 : memref<1x520x128xf32, #tpu.memory_space<hbm>> -> memref<520x128xf32, #tpu.memory_space<hbm>>
        %dma_start3A_27 = arith.constant 9480 : i32
        %dma_start3A_28 = arith.constant 0 : i32
        %dma_start3A_29 = tpu.memref_slice %arg6[%dma_start3A_27, %dma_start3A_28] : memref<10016x128xf32, #tpu.memory_space<vmem_shared>> -> memref<520x128xf32, #tpu.memory_space<vmem_shared>>
        tpu.enqueue_dma source(%dma_start3A_29 : memref<520x128xf32, #tpu.memory_space<vmem_shared>>) target(%dma_start3A_26 : memref<520x128xf32, #tpu.memory_space<hbm>>) target_semaphore(%run_scoped3A : memref<!tpu.dma_semaphore, #tpu.memory_space<semaphore_mem>>)
        %dma_wait3A = arith.constant 9480 : i32
        %dma_wait3A_30 = arith.constant 0 : i32
        %dma_wait3A_31 = tpu.memref_slice %arg5[%arg0, %dma_wait3A, %dma_wait3A_30] : memref<2x10000x128xf32, #tpu.memory_space<hbm>> -> memref<1x520x128xf32, #tpu.memory_space<hbm>>
        %dma_wait3A_32 = tpu.memref_squeeze %dma_wait3A_31 : memref<1x520x128xf32, #tpu.memory_space<hbm>> -> memref<520x128xf32, #tpu.memory_space<hbm>>
        %dma_wait3A_33 = arith.constant 9480 : i32
        %dma_wait3A_34 = arith.constant 0 : i32
        %dma_wait3A_35 = tpu.memref_slice %arg6[%dma_wait3A_33, %dma_wait3A_34] : memref<10016x128xf32, #tpu.memory_space<vmem_shared>> -> memref<520x128xf32, #tpu.memory_space<vmem_shared>>
        tpu.wait_dma2 semaphore(%run_scoped3A : memref<!tpu.dma_semaphore, #tpu.memory_space<semaphore_mem>>) src(%dma_wait3A_35 : memref<520x128xf32, #tpu.memory_space<vmem_shared>>) dst(%dma_wait3A_32 : memref<520x128xf32, #tpu.memory_space<hbm>>)
        tpu.yield
      }) : () -> ()
    } else {
    }
    return
  }
}

#map = affine_map<(d0, d1) -> (0, 0)>
#map1 = affine_map<(d0, d1) -> (0, 0, 0)>
module attributes {stable_mosaic.version = 14 : i64} {
  func.func @_sc_prop(%arg0: i32, %arg1: i32, %arg2: memref<20000x128xf32, #tpu.memory_space<hbm>>, %arg3: memref<16x160x64xi32, #tpu.memory_space<hbm>>, %arg4: memref<16x160x64xi32, #tpu.memory_space<hbm>>, %arg5: memref<2x10000x128xf32, #tpu.memory_space<hbm>>, %arg6: memref<10016x128xf32, #tpu.memory_space<vmem_shared>>, %arg7: memref<40x64xi32, #tpu.memory_space<vmem>>, %arg8: memref<40x64xi32, #tpu.memory_space<vmem>>, %arg9: memref<4x64x128xf32, #tpu.memory_space<vmem>>, %arg10: memref<4x!tpu.dma_semaphore, #tpu.memory_space<semaphore_mem>>) attributes {dimension_semantics = [#tpu.dimension_semantics<core_parallel>, #tpu.dimension_semantics<subcore_parallel>], iteration_bounds = array<i64: 2, 16>, scalar_prefetch = 0 : i64, scratch_operands = 5 : i64, tpu.core_type = #tpu.core_type<sc_vector_subcore>, window_params = [{transform_indices = #map}, {transform_indices = #map1}, {transform_indices = #map1}, {transform_indices = #map1}]} {
    %lt3A = arith.constant 15 : i32
    %lt3A_0 = arith.cmpi slt, %arg1, %lt3A : i32
    %convert_element_type3A = arith.extui %lt3A_0 : i1 to i32
    %cond3A = arith.constant 0 : i32
    %cond3A_1 = arith.cmpi ne, %convert_element_type3A, %cond3A : i32
    scf.if %cond3A_1 {
      %mul3A_24 = arith.constant 10000 : i32
      %mul3A_25 = arith.muli %arg0, %mul3A_24 : i32
      %mul3A_26 = arith.constant 632 : i32
      %mul3A_27 = arith.muli %arg1, %mul3A_26 : i32
      %add3A = arith.addi %mul3A_25, %mul3A_27 : i32
      %mul3A_28 = arith.constant 632 : i32
      %mul3A_29 = arith.muli %arg1, %mul3A_28 : i32
      "tpu.region"() ({
        %run_scoped3A = tpu.sem_alloc : memref<!tpu.dma_semaphore, #tpu.memory_space<semaphore_mem>>
        %dma_start3A = arith.constant 0 : i32
        %dma_start3A_30 = tpu.memref_slice %arg6[%mul3A_29, %dma_start3A] : memref<10016x128xf32, #tpu.memory_space<vmem_shared>> -> memref<632x128xf32, #tpu.memory_space<vmem_shared>>
        %dma_start3A_31 = arith.constant 0 : i32
        %dma_start3A_32 = tpu.memref_slice %arg2[%add3A, %dma_start3A_31] : memref<20000x128xf32, #tpu.memory_space<hbm>> -> memref<632x128xf32, #tpu.memory_space<hbm>>
        tpu.enqueue_dma source(%dma_start3A_32 : memref<632x128xf32, #tpu.memory_space<hbm>>) target(%dma_start3A_30 : memref<632x128xf32, #tpu.memory_space<vmem_shared>>) target_semaphore(%run_scoped3A : memref<!tpu.dma_semaphore, #tpu.memory_space<semaphore_mem>>)
        %dma_wait3A = arith.constant 0 : i32
        %dma_wait3A_33 = tpu.memref_slice %arg6[%mul3A_29, %dma_wait3A] : memref<10016x128xf32, #tpu.memory_space<vmem_shared>> -> memref<632x128xf32, #tpu.memory_space<vmem_shared>>
        %dma_wait3A_34 = arith.constant 0 : i32
        %dma_wait3A_35 = tpu.memref_slice %arg2[%add3A, %dma_wait3A_34] : memref<20000x128xf32, #tpu.memory_space<hbm>> -> memref<632x128xf32, #tpu.memory_space<hbm>>
        tpu.wait_dma2 semaphore(%run_scoped3A : memref<!tpu.dma_semaphore, #tpu.memory_space<semaphore_mem>>) src(%dma_wait3A_35 : memref<632x128xf32, #tpu.memory_space<hbm>>) dst(%dma_wait3A_33 : memref<632x128xf32, #tpu.memory_space<vmem_shared>>)
        tpu.yield
      }) : () -> ()
    } else {
    }
    %eq3A = arith.constant 15 : i32
    %eq3A_2 = arith.cmpi eq, %arg1, %eq3A : i32
    %convert_element_type3A_3 = arith.extui %eq3A_2 : i1 to i32
    %cond3A_4 = arith.constant 0 : i32
    %cond3A_5 = arith.cmpi ne, %convert_element_type3A_3, %cond3A_4 : i32
    scf.if %cond3A_5 {
      %mul3A_24 = arith.constant 10000 : i32
      %mul3A_25 = arith.muli %arg0, %mul3A_24 : i32
      %add3A = arith.constant 9480 : i32
      %add3A_26 = arith.addi %mul3A_25, %add3A : i32
      "tpu.region"() ({
        %run_scoped3A = tpu.sem_alloc : memref<!tpu.dma_semaphore, #tpu.memory_space<semaphore_mem>>
        %dma_start3A = arith.constant 9480 : i32
        %dma_start3A_27 = arith.constant 0 : i32
        %dma_start3A_28 = tpu.memref_slice %arg6[%dma_start3A, %dma_start3A_27] : memref<10016x128xf32, #tpu.memory_space<vmem_shared>> -> memref<520x128xf32, #tpu.memory_space<vmem_shared>>
        %dma_start3A_29 = arith.constant 0 : i32
        %dma_start3A_30 = tpu.memref_slice %arg2[%add3A_26, %dma_start3A_29] : memref<20000x128xf32, #tpu.memory_space<hbm>> -> memref<520x128xf32, #tpu.memory_space<hbm>>
        tpu.enqueue_dma source(%dma_start3A_30 : memref<520x128xf32, #tpu.memory_space<hbm>>) target(%dma_start3A_28 : memref<520x128xf32, #tpu.memory_space<vmem_shared>>) target_semaphore(%run_scoped3A : memref<!tpu.dma_semaphore, #tpu.memory_space<semaphore_mem>>)
        %dma_wait3A = arith.constant 9480 : i32
        %dma_wait3A_31 = arith.constant 0 : i32
        %dma_wait3A_32 = tpu.memref_slice %arg6[%dma_wait3A, %dma_wait3A_31] : memref<10016x128xf32, #tpu.memory_space<vmem_shared>> -> memref<520x128xf32, #tpu.memory_space<vmem_shared>>
        %dma_wait3A_33 = arith.constant 0 : i32
        %dma_wait3A_34 = tpu.memref_slice %arg2[%add3A_26, %dma_wait3A_33] : memref<20000x128xf32, #tpu.memory_space<hbm>> -> memref<520x128xf32, #tpu.memory_space<hbm>>
        tpu.wait_dma2 semaphore(%run_scoped3A : memref<!tpu.dma_semaphore, #tpu.memory_space<semaphore_mem>>) src(%dma_wait3A_34 : memref<520x128xf32, #tpu.memory_space<hbm>>) dst(%dma_wait3A_32 : memref<520x128xf32, #tpu.memory_space<vmem_shared>>)
        tpu.yield
      }) : () -> ()
    } else {
    }
    %barrier3A = arith.constant 0 : index
    tpu.barrier barrier_id(%barrier3A)
    %mul3A = arith.constant 10000 : i32
    %mul3A_6 = arith.muli %arg0, %mul3A : i32
    %scan3A = arith.constant 0 : i32
    %scan3A_7 = arith.constant 0 : i32
    %scan3A_8 = arith.constant 4 : i32
    %scan3A_9 = arith.addi %scan3A_7, %scan3A_8 : i32
    %scan3A_10 = arith.constant 1 : i32
    %scan3A_11 = scf.for %scan3A_24 = %scan3A_7 to %scan3A_9 step %scan3A_10 iter_args(%scan3A_25 = %scan3A) -> (i32)  : i32 {
      %mul3A_26 = arith.constant 40 : i32
      %mul3A_27 = arith.muli %scan3A_24, %mul3A_26 : i32
      "tpu.region"() ({
        %run_scoped3A = tpu.sem_alloc : memref<!tpu.dma_semaphore, #tpu.memory_space<semaphore_mem>>
        %dma_start3A_89 = arith.constant 0 : i32
        %dma_start3A_90 = tpu.memref_slice %arg3[%arg1, %mul3A_27, %dma_start3A_89] : memref<16x160x64xi32, #tpu.memory_space<hbm>> -> memref<1x40x64xi32, #tpu.memory_space<hbm>>
        %dma_start3A_91 = tpu.memref_squeeze %dma_start3A_90 : memref<1x40x64xi32, #tpu.memory_space<hbm>> -> memref<40x64xi32, #tpu.memory_space<hbm>>
        %dma_start3A_92 = arith.constant 0 : i32
        %dma_start3A_93 = tpu.memref_slice %arg3[%arg1, %mul3A_27, %dma_start3A_92] : memref<16x160x64xi32, #tpu.memory_space<hbm>> -> memref<1x40x64xi32, #tpu.memory_space<hbm>>
        %dma_start3A_94 = tpu.memref_squeeze %dma_start3A_93 : memref<1x40x64xi32, #tpu.memory_space<hbm>> -> memref<40x64xi32, #tpu.memory_space<hbm>>
        tpu.enqueue_dma source(%dma_start3A_94 : memref<40x64xi32, #tpu.memory_space<hbm>>) target(%arg7 : memref<40x64xi32, #tpu.memory_space<vmem>>) target_semaphore(%run_scoped3A : memref<!tpu.dma_semaphore, #tpu.memory_space<semaphore_mem>>)
        %dma_wait3A = arith.constant 0 : i32
        %dma_wait3A_95 = tpu.memref_slice %arg3[%arg1, %mul3A_27, %dma_wait3A] : memref<16x160x64xi32, #tpu.memory_space<hbm>> -> memref<1x40x64xi32, #tpu.memory_space<hbm>>
        %dma_wait3A_96 = tpu.memref_squeeze %dma_wait3A_95 : memref<1x40x64xi32, #tpu.memory_space<hbm>> -> memref<40x64xi32, #tpu.memory_space<hbm>>
        %dma_wait3A_97 = arith.constant 0 : i32
        %dma_wait3A_98 = tpu.memref_slice %arg3[%arg1, %mul3A_27, %dma_wait3A_97] : memref<16x160x64xi32, #tpu.memory_space<hbm>> -> memref<1x40x64xi32, #tpu.memory_space<hbm>>
        %dma_wait3A_99 = tpu.memref_squeeze %dma_wait3A_98 : memref<1x40x64xi32, #tpu.memory_space<hbm>> -> memref<40x64xi32, #tpu.memory_space<hbm>>
        tpu.wait_dma2 semaphore(%run_scoped3A : memref<!tpu.dma_semaphore, #tpu.memory_space<semaphore_mem>>) src(%dma_wait3A_99 : memref<40x64xi32, #tpu.memory_space<hbm>>) dst(%arg7 : memref<40x64xi32, #tpu.memory_space<vmem>>)
        tpu.yield
      }) : () -> ()
      %mul3A_28 = arith.constant 40 : i32
      %mul3A_29 = arith.muli %scan3A_24, %mul3A_28 : i32
      "tpu.region"() ({
        %run_scoped3A = tpu.sem_alloc : memref<!tpu.dma_semaphore, #tpu.memory_space<semaphore_mem>>
        %dma_start3A_89 = arith.constant 0 : i32
        %dma_start3A_90 = tpu.memref_slice %arg4[%arg1, %mul3A_29, %dma_start3A_89] : memref<16x160x64xi32, #tpu.memory_space<hbm>> -> memref<1x40x64xi32, #tpu.memory_space<hbm>>
        %dma_start3A_91 = tpu.memref_squeeze %dma_start3A_90 : memref<1x40x64xi32, #tpu.memory_space<hbm>> -> memref<40x64xi32, #tpu.memory_space<hbm>>
        %dma_start3A_92 = arith.constant 0 : i32
        %dma_start3A_93 = tpu.memref_slice %arg4[%arg1, %mul3A_29, %dma_start3A_92] : memref<16x160x64xi32, #tpu.memory_space<hbm>> -> memref<1x40x64xi32, #tpu.memory_space<hbm>>
        %dma_start3A_94 = tpu.memref_squeeze %dma_start3A_93 : memref<1x40x64xi32, #tpu.memory_space<hbm>> -> memref<40x64xi32, #tpu.memory_space<hbm>>
        tpu.enqueue_dma source(%dma_start3A_94 : memref<40x64xi32, #tpu.memory_space<hbm>>) target(%arg8 : memref<40x64xi32, #tpu.memory_space<vmem>>) target_semaphore(%run_scoped3A : memref<!tpu.dma_semaphore, #tpu.memory_space<semaphore_mem>>)
        %dma_wait3A = arith.constant 0 : i32
        %dma_wait3A_95 = tpu.memref_slice %arg4[%arg1, %mul3A_29, %dma_wait3A] : memref<16x160x64xi32, #tpu.memory_space<hbm>> -> memref<1x40x64xi32, #tpu.memory_space<hbm>>
        %dma_wait3A_96 = tpu.memref_squeeze %dma_wait3A_95 : memref<1x40x64xi32, #tpu.memory_space<hbm>> -> memref<40x64xi32, #tpu.memory_space<hbm>>
        %dma_wait3A_97 = arith.constant 0 : i32
        %dma_wait3A_98 = tpu.memref_slice %arg4[%arg1, %mul3A_29, %dma_wait3A_97] : memref<16x160x64xi32, #tpu.memory_space<hbm>> -> memref<1x40x64xi32, #tpu.memory_space<hbm>>
        %dma_wait3A_99 = tpu.memref_squeeze %dma_wait3A_98 : memref<1x40x64xi32, #tpu.memory_space<hbm>> -> memref<40x64xi32, #tpu.memory_space<hbm>>
        tpu.wait_dma2 semaphore(%run_scoped3A : memref<!tpu.dma_semaphore, #tpu.memory_space<semaphore_mem>>) src(%dma_wait3A_99 : memref<40x64xi32, #tpu.memory_space<hbm>>) dst(%arg8 : memref<40x64xi32, #tpu.memory_space<vmem>>)
        tpu.yield
      }) : () -> ()
      %scan3A_30 = arith.constant 0 : i32
      %scan3A_31 = arith.constant 0 : i32
      %scan3A_32 = arith.constant 160 : i32
      %scan3A_33 = arith.addi %scan3A_31, %scan3A_32 : i32
      %scan3A_34 = arith.constant 1 : i32
      %scan3A_35 = scf.for %scan3A_89 = %scan3A_31 to %scan3A_33 step %scan3A_34 iter_args(%scan3A_90 = %scan3A_30) -> (i32)  : i32 {
        %jit3A = arith.constant 4 : i32
        %div3A = arith.divsi %scan3A_89, %jit3A : i32
        %sign3A = arith.constant 0 : i32
        %sign3A_91 = arith.cmpi sgt, %scan3A_89, %sign3A : i32
        %sign3A_92 = arith.extui %sign3A_91 : i1 to i32
        %sign3A_93 = arith.constant 0 : i32
        %sign3A_94 = arith.cmpi slt, %scan3A_89, %sign3A_93 : i32
        %sign3A_95 = arith.extui %sign3A_94 : i1 to i32
        %sign3A_96 = arith.subi %sign3A_92, %sign3A_95 : i32
        %sign3A_97 = arith.constant 0 : i32
        %sign3A_98 = arith.cmpi sgt, %jit3A, %sign3A_97 : i32
        %sign3A_99 = arith.extui %sign3A_98 : i1 to i32
        %sign3A_100 = arith.constant 0 : i32
        %sign3A_101 = arith.cmpi slt, %jit3A, %sign3A_100 : i32
        %sign3A_102 = arith.extui %sign3A_101 : i1 to i32
        %sign3A_103 = arith.subi %sign3A_99, %sign3A_102 : i32
        %ne3A = arith.cmpi ne, %sign3A_96, %sign3A_103 : i32
        %rem3A = arith.remsi %scan3A_89, %jit3A : i32
        %ne3A_104 = arith.constant 0 : i32
        %ne3A_105 = arith.cmpi ne, %rem3A, %ne3A_104 : i32
        %and3A = arith.andi %ne3A, %ne3A_105 : i1
        %sub3A = arith.constant 1 : i32
        %sub3A_106 = arith.subi %div3A, %sub3A : i32
        %select_n3A = arith.select %and3A, %sub3A_106, %div3A : i32
        %jit3A_107 = arith.constant 4 : i32
        %eq3A_108 = arith.constant 0 : i32
        %eq3A_109 = arith.cmpi eq, %jit3A_107, %eq3A_108 : i32
        %jit3A_110 = arith.constant 1 : i32
        %select_n3A_111 = arith.select %eq3A_109, %jit3A_110, %jit3A_107 : i32
        %rem3A_112 = arith.remsi %scan3A_89, %select_n3A_111 : i32
        %ne3A_113 = arith.constant 0 : i32
        %ne3A_114 = arith.cmpi ne, %rem3A_112, %ne3A_113 : i32
        %lt3A_115 = arith.constant 0 : i32
        %lt3A_116 = arith.cmpi slt, %rem3A_112, %lt3A_115 : i32
        %lt3A_117 = arith.constant 0 : i32
        %lt3A_118 = arith.cmpi slt, %select_n3A_111, %lt3A_117 : i32
        %ne3A_119 = arith.xori %lt3A_116, %lt3A_118 : i1
        %and3A_120 = arith.andi %ne3A_119, %ne3A_114 : i1
        %add3A = arith.addi %rem3A_112, %select_n3A_111 : i32
        %select_n3A_121 = arith.select %and3A_120, %add3A, %rem3A_112 : i32
        %mul3A_122 = arith.constant 16 : i32
        %mul3A_123 = arith.muli %select_n3A_121, %mul3A_122 : i32
        %get3A = arith.index_cast %select_n3A : i32 to index
        %get3A_124 = arith.index_cast %mul3A_123 : i32 to index
        %get3A_125 = tpu.vector_load %arg7[%get3A, %get3A_124] {strides = array<i32>} : memref<40x64xi32, #tpu.memory_space<vmem>>, vector<1x16xi32>,
        %get3A_126 = vector.shape_cast %get3A_125 : vector<1x16xi32> to vector<16xi32>
        %add3A_127 = vector.broadcast %mul3A_6 : i32 to vector<16xi32>
        %add3A_128 = arith.addi %get3A_126, %add3A_127 : vector<16xi32>
        %swap3A = arith.index_cast %select_n3A : i32 to index
        %swap3A_129 = arith.index_cast %mul3A_123 : i32 to index
        %swap3A_130 = tpu.vector_load %arg7[%swap3A, %swap3A_129] {strides = array<i32>} : memref<40x64xi32, #tpu.memory_space<vmem>>, vector<1x16xi32>,
        %swap3A_131 = vector.shape_cast %swap3A_130 : vector<1x16xi32> to vector<16xi32>
        %swap3A_132 = vector.shape_cast %add3A_128 : vector<16xi32> to vector<1x16xi32>
        tpu.vector_store %arg7[%swap3A, %swap3A_129], %swap3A_132 {strides = array<i32>} : memref<40x64xi32, #tpu.memory_space<vmem>>, vector<1x16xi32>,
        %scan3A_133 = arith.constant 0 : i32
        scf.yield %scan3A_133 : i32
      }
      %scan3A_36 = arith.constant 160 : i32
      %dma_start3A = arith.constant 0 : i32
      %dma_start3A_37 = arith.constant 0 : i32
      %dma_start3A_38 = arith.constant 0 : i32
      %dma_start3A_39 = arith.constant 0 : i32
      %dma_start3A_40 = arith.constant 0 : i32
      %dma_start3A_41 = tpu.memref_slice %arg9[%dma_start3A_37, %dma_start3A_39, %dma_start3A_40] : memref<4x64x128xf32, #tpu.memory_space<vmem>> -> memref<1x64x128xf32, #tpu.memory_space<vmem>>
      %dma_start3A_42 = tpu.memref_squeeze %dma_start3A_41 : memref<1x64x128xf32, #tpu.memory_space<vmem>> -> memref<64x128xf32, #tpu.memory_space<vmem>>
      %dma_start3A_43 = arith.constant 0 : i32
      %dma_start3A_44 = tpu.memref_slice %arg7[%dma_start3A, %dma_start3A_43] : memref<40x64xi32, #tpu.memory_space<vmem>> -> memref<1x64xi32, #tpu.memory_space<vmem>>
      %dma_start3A_45 = tpu.memref_squeeze %dma_start3A_44 : memref<1x64xi32, #tpu.memory_space<vmem>> -> memref<64xi32, #tpu.memory_space<vmem>>
      %dma_start3A_46 = arith.constant 0 : i32
      %dma_start3A_47 = arith.constant 0 : i32
      %dma_start3A_48 = tpu.memref_slice %arg2[%dma_start3A_46, %dma_start3A_47] : memref<20000x128xf32, #tpu.memory_space<hbm>> -> memref<20000x128xf32, #tpu.memory_space<hbm>>
      %dma_start3A_49 = tpu.memref_slice %arg10[%dma_start3A_38] : memref<4x!tpu.dma_semaphore, #tpu.memory_space<semaphore_mem>> -> memref<1x!tpu.dma_semaphore, #tpu.memory_space<semaphore_mem>>
      %dma_start3A_50 = tpu.memref_squeeze %dma_start3A_49 : memref<1x!tpu.dma_semaphore, #tpu.memory_space<semaphore_mem>> -> memref<!tpu.dma_semaphore, #tpu.memory_space<semaphore_mem>>
      tpu.enqueue_indirect_dma source(%dma_start3A_48 : memref<20000x128xf32, #tpu.memory_space<hbm>>) target(%dma_start3A_42 : memref<64x128xf32, #tpu.memory_space<vmem>>) offsets(%dma_start3A_45 : memref<64xi32, #tpu.memory_space<vmem>>) semaphore(%dma_start3A_50 : memref<!tpu.dma_semaphore, #tpu.memory_space<semaphore_mem>>)
      %dma_start3A_51 = arith.constant 1 : i32
      %dma_start3A_52 = arith.constant 1 : i32
      %dma_start3A_53 = arith.constant 1 : i32
      %dma_start3A_54 = arith.constant 0 : i32
      %dma_start3A_55 = arith.constant 0 : i32
      %dma_start3A_56 = tpu.memref_slice %arg9[%dma_start3A_52, %dma_start3A_54, %dma_start3A_55] : memref<4x64x128xf32, #tpu.memory_space<vmem>> -> memref<1x64x128xf32, #tpu.memory_space<vmem>>
      %dma_start3A_57 = tpu.memref_squeeze %dma_start3A_56 : memref<1x64x128xf32, #tpu.memory_space<vmem>> -> memref<64x128xf32, #tpu.memory_space<vmem>>
      %dma_start3A_58 = arith.constant 0 : i32
      %dma_start3A_59 = tpu.memref_slice %arg7[%dma_start3A_51, %dma_start3A_58] : memref<40x64xi32, #tpu.memory_space<vmem>> -> memref<1x64xi32, #tpu.memory_space<vmem>>
      %dma_start3A_60 = tpu.memref_squeeze %dma_start3A_59 : memref<1x64xi32, #tpu.memory_space<vmem>> -> memref<64xi32, #tpu.memory_space<vmem>>
      %dma_start3A_61 = arith.constant 0 : i32
      %dma_start3A_62 = arith.constant 0 : i32
      %dma_start3A_63 = tpu.memref_slice %arg2[%dma_start3A_61, %dma_start3A_62] : memref<20000x128xf32, #tpu.memory_space<hbm>> -> memref<20000x128xf32, #tpu.memory_space<hbm>>
      %dma_start3A_64 = tpu.memref_slice %arg10[%dma_start3A_53] : memref<4x!tpu.dma_semaphore, #tpu.memory_space<semaphore_mem>> -> memref<1x!tpu.dma_semaphore, #tpu.memory_space<semaphore_mem>>
      %dma_start3A_65 = tpu.memref_squeeze %dma_start3A_64 : memref<1x!tpu.dma_semaphore, #tpu.memory_space<semaphore_mem>> -> memref<!tpu.dma_semaphore, #tpu.memory_space<semaphore_mem>>
      tpu.enqueue_indirect_dma source(%dma_start3A_63 : memref<20000x128xf32, #tpu.memory_space<hbm>>) target(%dma_start3A_57 : memref<64x128xf32, #tpu.memory_space<vmem>>) offsets(%dma_start3A_60 : memref<64xi32, #tpu.memory_space<vmem>>) semaphore(%dma_start3A_65 : memref<!tpu.dma_semaphore, #tpu.memory_space<semaphore_mem>>)
      %dma_start3A_66 = arith.constant 2 : i32
      %dma_start3A_67 = arith.constant 2 : i32
      %dma_start3A_68 = arith.constant 2 : i32
      %dma_start3A_69 = arith.constant 0 : i32
      %dma_start3A_70 = arith.constant 0 : i32
      %dma_start3A_71 = tpu.memref_slice %arg9[%dma_start3A_67, %dma_start3A_69, %dma_start3A_70] : memref<4x64x128xf32, #tpu.memory_space<vmem>> -> memref<1x64x128xf32, #tpu.memory_space<vmem>>
      %dma_start3A_72 = tpu.memref_squeeze %dma_start3A_71 : memref<1x64x128xf32, #tpu.memory_space<vmem>> -> memref<64x128xf32, #tpu.memory_space<vmem>>
      %dma_start3A_73 = arith.constant 0 : i32
      %dma_start3A_74 = tpu.memref_slice %arg7[%dma_start3A_66, %dma_start3A_73] : memref<40x64xi32, #tpu.memory_space<vmem>> -> memref<1x64xi32, #tpu.memory_space<vmem>>
      %dma_start3A_75 = tpu.memref_squeeze %dma_start3A_74 : memref<1x64xi32, #tpu.memory_space<vmem>> -> memref<64xi32, #tpu.memory_space<vmem>>
      %dma_start3A_76 = arith.constant 0 : i32
      %dma_start3A_77 = arith.constant 0 : i32
      %dma_start3A_78 = tpu.memref_slice %arg2[%dma_start3A_76, %dma_start3A_77] : memref<20000x128xf32, #tpu.memory_space<hbm>> -> memref<20000x128xf32, #tpu.memory_space<hbm>>
      %dma_start3A_79 = tpu.memref_slice %arg10[%dma_start3A_68] : memref<4x!tpu.dma_semaphore, #tpu.memory_space<semaphore_mem>> -> memref<1x!tpu.dma_semaphore, #tpu.memory_space<semaphore_mem>>
      %dma_start3A_80 = tpu.memref_squeeze %dma_start3A_79 : memref<1x!tpu.dma_semaphore, #tpu.memory_space<semaphore_mem>> -> memref<!tpu.dma_semaphore, #tpu.memory_space<semaphore_mem>>
      tpu.enqueue_indirect_dma source(%dma_start3A_78 : memref<20000x128xf32, #tpu.memory_space<hbm>>) target(%dma_start3A_72 : memref<64x128xf32, #tpu.memory_space<vmem>>) offsets(%dma_start3A_75 : memref<64xi32, #tpu.memory_space<vmem>>) semaphore(%dma_start3A_80 : memref<!tpu.dma_semaphore, #tpu.memory_space<semaphore_mem>>)
      %scan3A_81 = arith.constant 0 : i32
      %scan3A_82 = arith.constant 0 : i32
      %scan3A_83 = arith.constant 10 : i32
      %scan3A_84 = arith.addi %scan3A_82, %scan3A_83 : i32
      %scan3A_85 = arith.constant 1 : i32
      %scan3A_86 = scf.for %scan3A_89 = %scan3A_82 to %scan3A_84 step %scan3A_85 iter_args(%scan3A_90 = %scan3A_81) -> (i32)  : i32 {
        %mul3A_91 = arith.constant 4 : i32
        %mul3A_92 = arith.muli %mul3A_91, %scan3A_89 : i32
        %add3A = arith.constant 0 : i32
        %add3A_93 = arith.addi %mul3A_92, %add3A : i32
        %dma_wait3A = arith.constant 0 : i32
        %dma_wait3A_94 = arith.constant 0 : i32
        %dma_wait3A_95 = arith.constant 0 : i32
        %dma_wait3A_96 = arith.constant 0 : i32
        %dma_wait3A_97 = tpu.memref_slice %arg9[%dma_wait3A, %dma_wait3A_95, %dma_wait3A_96] : memref<4x64x128xf32, #tpu.memory_space<vmem>> -> memref<1x64x128xf32, #tpu.memory_space<vmem>>
        %dma_wait3A_98 = tpu.memref_squeeze %dma_wait3A_97 : memref<1x64x128xf32, #tpu.memory_space<vmem>> -> memref<64x128xf32, #tpu.memory_space<vmem>>
        %dma_wait3A_99 = arith.constant 0 : i32
        %dma_wait3A_100 = tpu.memref_slice %arg7[%add3A_93, %dma_wait3A_99] : memref<40x64xi32, #tpu.memory_space<vmem>> -> memref<1x64xi32, #tpu.memory_space<vmem>>
        %dma_wait3A_101 = tpu.memref_squeeze %dma_wait3A_100 : memref<1x64xi32, #tpu.memory_space<vmem>> -> memref<64xi32, #tpu.memory_space<vmem>>
        %dma_wait3A_102 = arith.constant 0 : i32
        %dma_wait3A_103 = arith.constant 0 : i32
        %dma_wait3A_104 = tpu.memref_slice %arg2[%dma_wait3A_102, %dma_wait3A_103] : memref<20000x128xf32, #tpu.memory_space<hbm>> -> memref<20000x128xf32, #tpu.memory_space<hbm>>
        %dma_wait3A_105 = tpu.memref_slice %arg10[%dma_wait3A_94] : memref<4x!tpu.dma_semaphore, #tpu.memory_space<semaphore_mem>> -> memref<1x!tpu.dma_semaphore, #tpu.memory_space<semaphore_mem>>
        %dma_wait3A_106 = tpu.memref_squeeze %dma_wait3A_105 : memref<1x!tpu.dma_semaphore, #tpu.memory_space<semaphore_mem>> -> memref<!tpu.dma_semaphore, #tpu.memory_space<semaphore_mem>>
        tpu.wait_indirect_dma semaphore(%dma_wait3A_106 : memref<!tpu.dma_semaphore, #tpu.memory_space<semaphore_mem>>) src(%dma_wait3A_104 : memref<20000x128xf32, #tpu.memory_space<hbm>>) dst(%dma_wait3A_98 : memref<64x128xf32, #tpu.memory_space<vmem>>)
        %run_scoped3A = arith.constant 0 : i32
        "tpu.region"() ({
          %run_scoped3A_200 = tpu.sem_alloc : memref<!tpu.dma_semaphore, #tpu.memory_space<semaphore_mem>>
          %dma_start3A_201 = arith.constant 0 : i32
          %dma_start3A_202 = arith.constant 0 : i32
          %dma_start3A_203 = tpu.memref_slice %arg9[%run_scoped3A, %dma_start3A_201, %dma_start3A_202] : memref<4x64x128xf32, #tpu.memory_space<vmem>> -> memref<1x64x128xf32, #tpu.memory_space<vmem>>
          %dma_start3A_204 = tpu.memref_squeeze %dma_start3A_203 : memref<1x64x128xf32, #tpu.memory_space<vmem>> -> memref<64x128xf32, #tpu.memory_space<vmem>>
          %dma_start3A_205 = arith.constant 0 : i32
          %dma_start3A_206 = tpu.memref_slice %arg8[%add3A_93, %dma_start3A_205] : memref<40x64xi32, #tpu.memory_space<vmem>> -> memref<1x64xi32, #tpu.memory_space<vmem>>
          %dma_start3A_207 = tpu.memref_squeeze %dma_start3A_206 : memref<1x64xi32, #tpu.memory_space<vmem>> -> memref<64xi32, #tpu.memory_space<vmem>>
          %dma_start3A_208 = arith.constant 0 : i32
          %dma_start3A_209 = arith.constant 0 : i32
          %dma_start3A_210 = tpu.memref_slice %arg6[%dma_start3A_208, %dma_start3A_209] : memref<10016x128xf32, #tpu.memory_space<vmem_shared>> -> memref<10016x128xf32, #tpu.memory_space<vmem_shared>>
          tpu.enqueue_indirect_dma source(%dma_start3A_204 : memref<64x128xf32, #tpu.memory_space<vmem>>) target(%dma_start3A_210 : memref<10016x128xf32, #tpu.memory_space<vmem_shared>>) offsets(%dma_start3A_207 : memref<64xi32, #tpu.memory_space<vmem>>) semaphore(%run_scoped3A_200 : memref<!tpu.dma_semaphore, #tpu.memory_space<semaphore_mem>>) {add = true}
          %dma_wait3A_211 = arith.constant 0 : i32
          %dma_wait3A_212 = arith.constant 0 : i32
          %dma_wait3A_213 = tpu.memref_slice %arg9[%run_scoped3A, %dma_wait3A_211, %dma_wait3A_212] : memref<4x64x128xf32, #tpu.memory_space<vmem>> -> memref<1x64x128xf32, #tpu.memory_space<vmem>>
          %dma_wait3A_214 = tpu.memref_squeeze %dma_wait3A_213 : memref<1x64x128xf32, #tpu.memory_space<vmem>> -> memref<64x128xf32, #tpu.memory_space<vmem>>
          %dma_wait3A_215 = arith.constant 0 : i32
          %dma_wait3A_216 = tpu.memref_slice %arg8[%add3A_93, %dma_wait3A_215] : memref<40x64xi32, #tpu.memory_space<vmem>> -> memref<1x64xi32, #tpu.memory_space<vmem>>
          %dma_wait3A_217 = tpu.memref_squeeze %dma_wait3A_216 : memref<1x64xi32, #tpu.memory_space<vmem>> -> memref<64xi32, #tpu.memory_space<vmem>>
          %dma_wait3A_218 = arith.constant 0 : i32
          %dma_wait3A_219 = arith.constant 0 : i32
          %dma_wait3A_220 = tpu.memref_slice %arg6[%dma_wait3A_218, %dma_wait3A_219] : memref<10016x128xf32, #tpu.memory_space<vmem_shared>> -> memref<10016x128xf32, #tpu.memory_space<vmem_shared>>
          tpu.wait_indirect_dma semaphore(%run_scoped3A_200 : memref<!tpu.dma_semaphore, #tpu.memory_space<semaphore_mem>>) src(%dma_wait3A_214 : memref<64x128xf32, #tpu.memory_space<vmem>>) dst(%dma_wait3A_220 : memref<10016x128xf32, #tpu.memory_space<vmem_shared>>)
          tpu.yield
        }) : () -> ()
        %add3A_107 = arith.constant 4 : i32
        %add3A_108 = arith.addi %add3A_93, %add3A_107 : i32
        %sub3A = arith.constant 1 : i32
        %sub3A_109 = arith.subi %add3A_108, %sub3A : i32
        %lt3A_110 = arith.constant 40 : i32
        %lt3A_111 = arith.cmpi slt, %sub3A_109, %lt3A_110 : i32
        %convert_element_type3A_112 = arith.extui %lt3A_111 : i1 to i32
        %cond3A_113 = arith.constant 0 : i32
        %cond3A_114 = arith.cmpi ne, %convert_element_type3A_112, %cond3A_113 : i32
        scf.if %cond3A_114 {
          %add3A_200 = arith.constant 4 : i32
          %add3A_201 = arith.addi %add3A_93, %add3A_200 : i32
          %sub3A_202 = arith.constant 1 : i32
          %sub3A_203 = arith.subi %add3A_201, %sub3A_202 : i32
          %dma_start3A_204 = arith.constant 3 : i32
          %dma_start3A_205 = arith.constant 3 : i32
          %dma_start3A_206 = arith.constant 0 : i32
          %dma_start3A_207 = arith.constant 0 : i32
          %dma_start3A_208 = tpu.memref_slice %arg9[%dma_start3A_204, %dma_start3A_206, %dma_start3A_207] : memref<4x64x128xf32, #tpu.memory_space<vmem>> -> memref<1x64x128xf32, #tpu.memory_space<vmem>>
          %dma_start3A_209 = tpu.memref_squeeze %dma_start3A_208 : memref<1x64x128xf32, #tpu.memory_space<vmem>> -> memref<64x128xf32, #tpu.memory_space<vmem>>
          %dma_start3A_210 = arith.constant 0 : i32
          %dma_start3A_211 = tpu.memref_slice %arg7[%sub3A_203, %dma_start3A_210] : memref<40x64xi32, #tpu.memory_space<vmem>> -> memref<1x64xi32, #tpu.memory_space<vmem>>
          %dma_start3A_212 = tpu.memref_squeeze %dma_start3A_211 : memref<1x64xi32, #tpu.memory_space<vmem>> -> memref<64xi32, #tpu.memory_space<vmem>>
          %dma_start3A_213 = arith.constant 0 : i32
          %dma_start3A_214 = arith.constant 0 : i32
          %dma_start3A_215 = tpu.memref_slice %arg2[%dma_start3A_213, %dma_start3A_214] : memref<20000x128xf32, #tpu.memory_space<hbm>> -> memref<20000x128xf32, #tpu.memory_space<hbm>>
          %dma_start3A_216 = tpu.memref_slice %arg10[%dma_start3A_205] : memref<4x!tpu.dma_semaphore, #tpu.memory_space<semaphore_mem>> -> memref<1x!tpu.dma_semaphore, #tpu.memory_space<semaphore_mem>>
          %dma_start3A_217 = tpu.memref_squeeze %dma_start3A_216 : memref<1x!tpu.dma_semaphore, #tpu.memory_space<semaphore_mem>> -> memref<!tpu.dma_semaphore, #tpu.memory_space<semaphore_mem>>
          tpu.enqueue_indirect_dma source(%dma_start3A_215 : memref<20000x128xf32, #tpu.memory_space<hbm>>) target(%dma_start3A_209 : memref<64x128xf32, #tpu.memory_space<vmem>>) offsets(%dma_start3A_212 : memref<64xi32, #tpu.memory_space<vmem>>) semaphore(%dma_start3A_217 : memref<!tpu.dma_semaphore, #tpu.memory_space<semaphore_mem>>)
        } else {
        }
        %mul3A_115 = arith.constant 4 : i32
        %mul3A_116 = arith.muli %mul3A_115, %scan3A_89 : i32
        %add3A_117 = arith.constant 1 : i32
        %add3A_118 = arith.addi %mul3A_116, %add3A_117 : i32
        %dma_wait3A_119 = arith.constant 1 : i32
        %dma_wait3A_120 = arith.constant 1 : i32
        %dma_wait3A_121 = arith.constant 0 : i32
        %dma_wait3A_122 = arith.constant 0 : i32
        %dma_wait3A_123 = tpu.memref_slice %arg9[%dma_wait3A_119, %dma_wait3A_121, %dma_wait3A_122] : memref<4x64x128xf32, #tpu.memory_space<vmem>> -> memref<1x64x128xf32, #tpu.memory_space<vmem>>
        %dma_wait3A_124 = tpu.memref_squeeze %dma_wait3A_123 : memref<1x64x128xf32, #tpu.memory_space<vmem>> -> memref<64x128xf32, #tpu.memory_space<vmem>>
        %dma_wait3A_125 = arith.constant 0 : i32
        %dma_wait3A_126 = tpu.memref_slice %arg7[%add3A_118, %dma_wait3A_125] : memref<40x64xi32, #tpu.memory_space<vmem>> -> memref<1x64xi32, #tpu.memory_space<vmem>>
        %dma_wait3A_127 = tpu.memref_squeeze %dma_wait3A_126 : memref<1x64xi32, #tpu.memory_space<vmem>> -> memref<64xi32, #tpu.memory_space<vmem>>
        %dma_wait3A_128 = arith.constant 0 : i32
        %dma_wait3A_129 = arith.constant 0 : i32
        %dma_wait3A_130 = tpu.memref_slice %arg2[%dma_wait3A_128, %dma_wait3A_129] : memref<20000x128xf32, #tpu.memory_space<hbm>> -> memref<20000x128xf32, #tpu.memory_space<hbm>>
        %dma_wait3A_131 = tpu.memref_slice %arg10[%dma_wait3A_120] : memref<4x!tpu.dma_semaphore, #tpu.memory_space<semaphore_mem>> -> memref<1x!tpu.dma_semaphore, #tpu.memory_space<semaphore_mem>>
        %dma_wait3A_132 = tpu.memref_squeeze %dma_wait3A_131 : memref<1x!tpu.dma_semaphore, #tpu.memory_space<semaphore_mem>> -> memref<!tpu.dma_semaphore, #tpu.memory_space<semaphore_mem>>
        tpu.wait_indirect_dma semaphore(%dma_wait3A_132 : memref<!tpu.dma_semaphore, #tpu.memory_space<semaphore_mem>>) src(%dma_wait3A_130 : memref<20000x128xf32, #tpu.memory_space<hbm>>) dst(%dma_wait3A_124 : memref<64x128xf32, #tpu.memory_space<vmem>>)
        %run_scoped3A_133 = arith.constant 1 : i32
        "tpu.region"() ({
          %run_scoped3A_200 = tpu.sem_alloc : memref<!tpu.dma_semaphore, #tpu.memory_space<semaphore_mem>>
          %dma_start3A_201 = arith.constant 0 : i32
          %dma_start3A_202 = arith.constant 0 : i32
          %dma_start3A_203 = tpu.memref_slice %arg9[%run_scoped3A_133, %dma_start3A_201, %dma_start3A_202] : memref<4x64x128xf32, #tpu.memory_space<vmem>> -> memref<1x64x128xf32, #tpu.memory_space<vmem>>
          %dma_start3A_204 = tpu.memref_squeeze %dma_start3A_203 : memref<1x64x128xf32, #tpu.memory_space<vmem>> -> memref<64x128xf32, #tpu.memory_space<vmem>>
          %dma_start3A_205 = arith.constant 0 : i32
          %dma_start3A_206 = tpu.memref_slice %arg8[%add3A_118, %dma_start3A_205] : memref<40x64xi32, #tpu.memory_space<vmem>> -> memref<1x64xi32, #tpu.memory_space<vmem>>
          %dma_start3A_207 = tpu.memref_squeeze %dma_start3A_206 : memref<1x64xi32, #tpu.memory_space<vmem>> -> memref<64xi32, #tpu.memory_space<vmem>>
          %dma_start3A_208 = arith.constant 0 : i32
          %dma_start3A_209 = arith.constant 0 : i32
          %dma_start3A_210 = tpu.memref_slice %arg6[%dma_start3A_208, %dma_start3A_209] : memref<10016x128xf32, #tpu.memory_space<vmem_shared>> -> memref<10016x128xf32, #tpu.memory_space<vmem_shared>>
          tpu.enqueue_indirect_dma source(%dma_start3A_204 : memref<64x128xf32, #tpu.memory_space<vmem>>) target(%dma_start3A_210 : memref<10016x128xf32, #tpu.memory_space<vmem_shared>>) offsets(%dma_start3A_207 : memref<64xi32, #tpu.memory_space<vmem>>) semaphore(%run_scoped3A_200 : memref<!tpu.dma_semaphore, #tpu.memory_space<semaphore_mem>>) {add = true}
          %dma_wait3A_211 = arith.constant 0 : i32
          %dma_wait3A_212 = arith.constant 0 : i32
          %dma_wait3A_213 = tpu.memref_slice %arg9[%run_scoped3A_133, %dma_wait3A_211, %dma_wait3A_212] : memref<4x64x128xf32, #tpu.memory_space<vmem>> -> memref<1x64x128xf32, #tpu.memory_space<vmem>>
          %dma_wait3A_214 = tpu.memref_squeeze %dma_wait3A_213 : memref<1x64x128xf32, #tpu.memory_space<vmem>> -> memref<64x128xf32, #tpu.memory_space<vmem>>
          %dma_wait3A_215 = arith.constant 0 : i32
          %dma_wait3A_216 = tpu.memref_slice %arg8[%add3A_118, %dma_wait3A_215] : memref<40x64xi32, #tpu.memory_space<vmem>> -> memref<1x64xi32, #tpu.memory_space<vmem>>
          %dma_wait3A_217 = tpu.memref_squeeze %dma_wait3A_216 : memref<1x64xi32, #tpu.memory_space<vmem>> -> memref<64xi32, #tpu.memory_space<vmem>>
          %dma_wait3A_218 = arith.constant 0 : i32
          %dma_wait3A_219 = arith.constant 0 : i32
          %dma_wait3A_220 = tpu.memref_slice %arg6[%dma_wait3A_218, %dma_wait3A_219] : memref<10016x128xf32, #tpu.memory_space<vmem_shared>> -> memref<10016x128xf32, #tpu.memory_space<vmem_shared>>
          tpu.wait_indirect_dma semaphore(%run_scoped3A_200 : memref<!tpu.dma_semaphore, #tpu.memory_space<semaphore_mem>>) src(%dma_wait3A_214 : memref<64x128xf32, #tpu.memory_space<vmem>>) dst(%dma_wait3A_220 : memref<10016x128xf32, #tpu.memory_space<vmem_shared>>)
          tpu.yield
        }) : () -> ()
        %add3A_134 = arith.constant 4 : i32
        %add3A_135 = arith.addi %add3A_118, %add3A_134 : i32
        %sub3A_136 = arith.constant 1 : i32
        %sub3A_137 = arith.subi %add3A_135, %sub3A_136 : i32
        %lt3A_138 = arith.constant 40 : i32
        %lt3A_139 = arith.cmpi slt, %sub3A_137, %lt3A_138 : i32
        %convert_element_type3A_140 = arith.extui %lt3A_139 : i1 to i32
        %cond3A_141 = arith.constant 0 : i32
        %cond3A_142 = arith.cmpi ne, %convert_element_type3A_140, %cond3A_141 : i32
        scf.if %cond3A_142 {
          %add3A_200 = arith.constant 4 : i32
          %add3A_201 = arith.addi %add3A_118, %add3A_200 : i32
          %sub3A_202 = arith.constant 1 : i32
          %sub3A_203 = arith.subi %add3A_201, %sub3A_202 : i32
          %dma_start3A_204 = arith.constant 0 : i32
          %dma_start3A_205 = arith.constant 0 : i32
          %dma_start3A_206 = arith.constant 0 : i32
          %dma_start3A_207 = arith.constant 0 : i32
          %dma_start3A_208 = tpu.memref_slice %arg9[%dma_start3A_204, %dma_start3A_206, %dma_start3A_207] : memref<4x64x128xf32, #tpu.memory_space<vmem>> -> memref<1x64x128xf32, #tpu.memory_space<vmem>>
          %dma_start3A_209 = tpu.memref_squeeze %dma_start3A_208 : memref<1x64x128xf32, #tpu.memory_space<vmem>> -> memref<64x128xf32, #tpu.memory_space<vmem>>
          %dma_start3A_210 = arith.constant 0 : i32
          %dma_start3A_211 = tpu.memref_slice %arg7[%sub3A_203, %dma_start3A_210] : memref<40x64xi32, #tpu.memory_space<vmem>> -> memref<1x64xi32, #tpu.memory_space<vmem>>
          %dma_start3A_212 = tpu.memref_squeeze %dma_start3A_211 : memref<1x64xi32, #tpu.memory_space<vmem>> -> memref<64xi32, #tpu.memory_space<vmem>>
          %dma_start3A_213 = arith.constant 0 : i32
          %dma_start3A_214 = arith.constant 0 : i32
          %dma_start3A_215 = tpu.memref_slice %arg2[%dma_start3A_213, %dma_start3A_214] : memref<20000x128xf32, #tpu.memory_space<hbm>> -> memref<20000x128xf32, #tpu.memory_space<hbm>>
          %dma_start3A_216 = tpu.memref_slice %arg10[%dma_start3A_205] : memref<4x!tpu.dma_semaphore, #tpu.memory_space<semaphore_mem>> -> memref<1x!tpu.dma_semaphore, #tpu.memory_space<semaphore_mem>>
          %dma_start3A_217 = tpu.memref_squeeze %dma_start3A_216 : memref<1x!tpu.dma_semaphore, #tpu.memory_space<semaphore_mem>> -> memref<!tpu.dma_semaphore, #tpu.memory_space<semaphore_mem>>
          tpu.enqueue_indirect_dma source(%dma_start3A_215 : memref<20000x128xf32, #tpu.memory_space<hbm>>) target(%dma_start3A_209 : memref<64x128xf32, #tpu.memory_space<vmem>>) offsets(%dma_start3A_212 : memref<64xi32, #tpu.memory_space<vmem>>) semaphore(%dma_start3A_217 : memref<!tpu.dma_semaphore, #tpu.memory_space<semaphore_mem>>)
        } else {
        }
        %mul3A_143 = arith.constant 4 : i32
        %mul3A_144 = arith.muli %mul3A_143, %scan3A_89 : i32
        %add3A_145 = arith.constant 2 : i32
        %add3A_146 = arith.addi %mul3A_144, %add3A_145 : i32
        %dma_wait3A_147 = arith.constant 2 : i32
        %dma_wait3A_148 = arith.constant 2 : i32
        %dma_wait3A_149 = arith.constant 0 : i32
        %dma_wait3A_150 = arith.constant 0 : i32
        %dma_wait3A_151 = tpu.memref_slice %arg9[%dma_wait3A_147, %dma_wait3A_149, %dma_wait3A_150] : memref<4x64x128xf32, #tpu.memory_space<vmem>> -> memref<1x64x128xf32, #tpu.memory_space<vmem>>
        %dma_wait3A_152 = tpu.memref_squeeze %dma_wait3A_151 : memref<1x64x128xf32, #tpu.memory_space<vmem>> -> memref<64x128xf32, #tpu.memory_space<vmem>>
        %dma_wait3A_153 = arith.constant 0 : i32
        %dma_wait3A_154 = tpu.memref_slice %arg7[%add3A_146, %dma_wait3A_153] : memref<40x64xi32, #tpu.memory_space<vmem>> -> memref<1x64xi32, #tpu.memory_space<vmem>>
        %dma_wait3A_155 = tpu.memref_squeeze %dma_wait3A_154 : memref<1x64xi32, #tpu.memory_space<vmem>> -> memref<64xi32, #tpu.memory_space<vmem>>
        %dma_wait3A_156 = arith.constant 0 : i32
        %dma_wait3A_157 = arith.constant 0 : i32
        %dma_wait3A_158 = tpu.memref_slice %arg2[%dma_wait3A_156, %dma_wait3A_157] : memref<20000x128xf32, #tpu.memory_space<hbm>> -> memref<20000x128xf32, #tpu.memory_space<hbm>>
        %dma_wait3A_159 = tpu.memref_slice %arg10[%dma_wait3A_148] : memref<4x!tpu.dma_semaphore, #tpu.memory_space<semaphore_mem>> -> memref<1x!tpu.dma_semaphore, #tpu.memory_space<semaphore_mem>>
        %dma_wait3A_160 = tpu.memref_squeeze %dma_wait3A_159 : memref<1x!tpu.dma_semaphore, #tpu.memory_space<semaphore_mem>> -> memref<!tpu.dma_semaphore, #tpu.memory_space<semaphore_mem>>
        tpu.wait_indirect_dma semaphore(%dma_wait3A_160 : memref<!tpu.dma_semaphore, #tpu.memory_space<semaphore_mem>>) src(%dma_wait3A_158 : memref<20000x128xf32, #tpu.memory_space<hbm>>) dst(%dma_wait3A_152 : memref<64x128xf32, #tpu.memory_space<vmem>>)
        %run_scoped3A_161 = arith.constant 2 : i32
        "tpu.region"() ({
          %run_scoped3A_200 = tpu.sem_alloc : memref<!tpu.dma_semaphore, #tpu.memory_space<semaphore_mem>>
          %dma_start3A_201 = arith.constant 0 : i32
          %dma_start3A_202 = arith.constant 0 : i32
          %dma_start3A_203 = tpu.memref_slice %arg9[%run_scoped3A_161, %dma_start3A_201, %dma_start3A_202] : memref<4x64x128xf32, #tpu.memory_space<vmem>> -> memref<1x64x128xf32, #tpu.memory_space<vmem>>
          %dma_start3A_204 = tpu.memref_squeeze %dma_start3A_203 : memref<1x64x128xf32, #tpu.memory_space<vmem>> -> memref<64x128xf32, #tpu.memory_space<vmem>>
          %dma_start3A_205 = arith.constant 0 : i32
          %dma_start3A_206 = tpu.memref_slice %arg8[%add3A_146, %dma_start3A_205] : memref<40x64xi32, #tpu.memory_space<vmem>> -> memref<1x64xi32, #tpu.memory_space<vmem>>
          %dma_start3A_207 = tpu.memref_squeeze %dma_start3A_206 : memref<1x64xi32, #tpu.memory_space<vmem>> -> memref<64xi32, #tpu.memory_space<vmem>>
          %dma_start3A_208 = arith.constant 0 : i32
          %dma_start3A_209 = arith.constant 0 : i32
          %dma_start3A_210 = tpu.memref_slice %arg6[%dma_start3A_208, %dma_start3A_209] : memref<10016x128xf32, #tpu.memory_space<vmem_shared>> -> memref<10016x128xf32, #tpu.memory_space<vmem_shared>>
          tpu.enqueue_indirect_dma source(%dma_start3A_204 : memref<64x128xf32, #tpu.memory_space<vmem>>) target(%dma_start3A_210 : memref<10016x128xf32, #tpu.memory_space<vmem_shared>>) offsets(%dma_start3A_207 : memref<64xi32, #tpu.memory_space<vmem>>) semaphore(%run_scoped3A_200 : memref<!tpu.dma_semaphore, #tpu.memory_space<semaphore_mem>>) {add = true}
          %dma_wait3A_211 = arith.constant 0 : i32
          %dma_wait3A_212 = arith.constant 0 : i32
          %dma_wait3A_213 = tpu.memref_slice %arg9[%run_scoped3A_161, %dma_wait3A_211, %dma_wait3A_212] : memref<4x64x128xf32, #tpu.memory_space<vmem>> -> memref<1x64x128xf32, #tpu.memory_space<vmem>>
          %dma_wait3A_214 = tpu.memref_squeeze %dma_wait3A_213 : memref<1x64x128xf32, #tpu.memory_space<vmem>> -> memref<64x128xf32, #tpu.memory_space<vmem>>
          %dma_wait3A_215 = arith.constant 0 : i32
          %dma_wait3A_216 = tpu.memref_slice %arg8[%add3A_146, %dma_wait3A_215] : memref<40x64xi32, #tpu.memory_space<vmem>> -> memref<1x64xi32, #tpu.memory_space<vmem>>
          %dma_wait3A_217 = tpu.memref_squeeze %dma_wait3A_216 : memref<1x64xi32, #tpu.memory_space<vmem>> -> memref<64xi32, #tpu.memory_space<vmem>>
          %dma_wait3A_218 = arith.constant 0 : i32
          %dma_wait3A_219 = arith.constant 0 : i32
          %dma_wait3A_220 = tpu.memref_slice %arg6[%dma_wait3A_218, %dma_wait3A_219] : memref<10016x128xf32, #tpu.memory_space<vmem_shared>> -> memref<10016x128xf32, #tpu.memory_space<vmem_shared>>
          tpu.wait_indirect_dma semaphore(%run_scoped3A_200 : memref<!tpu.dma_semaphore, #tpu.memory_space<semaphore_mem>>) src(%dma_wait3A_214 : memref<64x128xf32, #tpu.memory_space<vmem>>) dst(%dma_wait3A_220 : memref<10016x128xf32, #tpu.memory_space<vmem_shared>>)
          tpu.yield
        }) : () -> ()
        %add3A_162 = arith.constant 4 : i32
        %add3A_163 = arith.addi %add3A_146, %add3A_162 : i32
        %sub3A_164 = arith.constant 1 : i32
        %sub3A_165 = arith.subi %add3A_163, %sub3A_164 : i32
        %lt3A_166 = arith.constant 40 : i32
        %lt3A_167 = arith.cmpi slt, %sub3A_165, %lt3A_166 : i32
        %convert_element_type3A_168 = arith.extui %lt3A_167 : i1 to i32
        %cond3A_169 = arith.constant 0 : i32
        %cond3A_170 = arith.cmpi ne, %convert_element_type3A_168, %cond3A_169 : i32
        scf.if %cond3A_170 {
          %add3A_200 = arith.constant 4 : i32
          %add3A_201 = arith.addi %add3A_146, %add3A_200 : i32
          %sub3A_202 = arith.constant 1 : i32
          %sub3A_203 = arith.subi %add3A_201, %sub3A_202 : i32
          %dma_start3A_204 = arith.constant 1 : i32
          %dma_start3A_205 = arith.constant 1 : i32
          %dma_start3A_206 = arith.constant 0 : i32
          %dma_start3A_207 = arith.constant 0 : i32
          %dma_start3A_208 = tpu.memref_slice %arg9[%dma_start3A_204, %dma_start3A_206, %dma_start3A_207] : memref<4x64x128xf32, #tpu.memory_space<vmem>> -> memref<1x64x128xf32, #tpu.memory_space<vmem>>
          %dma_start3A_209 = tpu.memref_squeeze %dma_start3A_208 : memref<1x64x128xf32, #tpu.memory_space<vmem>> -> memref<64x128xf32, #tpu.memory_space<vmem>>
          %dma_start3A_210 = arith.constant 0 : i32
          %dma_start3A_211 = tpu.memref_slice %arg7[%sub3A_203, %dma_start3A_210] : memref<40x64xi32, #tpu.memory_space<vmem>> -> memref<1x64xi32, #tpu.memory_space<vmem>>
          %dma_start3A_212 = tpu.memref_squeeze %dma_start3A_211 : memref<1x64xi32, #tpu.memory_space<vmem>> -> memref<64xi32, #tpu.memory_space<vmem>>
          %dma_start3A_213 = arith.constant 0 : i32
          %dma_start3A_214 = arith.constant 0 : i32
          %dma_start3A_215 = tpu.memref_slice %arg2[%dma_start3A_213, %dma_start3A_214] : memref<20000x128xf32, #tpu.memory_space<hbm>> -> memref<20000x128xf32, #tpu.memory_space<hbm>>
          %dma_start3A_216 = tpu.memref_slice %arg10[%dma_start3A_205] : memref<4x!tpu.dma_semaphore, #tpu.memory_space<semaphore_mem>> -> memref<1x!tpu.dma_semaphore, #tpu.memory_space<semaphore_mem>>
          %dma_start3A_217 = tpu.memref_squeeze %dma_start3A_216 : memref<1x!tpu.dma_semaphore, #tpu.memory_space<semaphore_mem>> -> memref<!tpu.dma_semaphore, #tpu.memory_space<semaphore_mem>>
          tpu.enqueue_indirect_dma source(%dma_start3A_215 : memref<20000x128xf32, #tpu.memory_space<hbm>>) target(%dma_start3A_209 : memref<64x128xf32, #tpu.memory_space<vmem>>) offsets(%dma_start3A_212 : memref<64xi32, #tpu.memory_space<vmem>>) semaphore(%dma_start3A_217 : memref<!tpu.dma_semaphore, #tpu.memory_space<semaphore_mem>>)
        } else {
        }
        %mul3A_171 = arith.constant 4 : i32
        %mul3A_172 = arith.muli %mul3A_171, %scan3A_89 : i32
        %add3A_173 = arith.constant 3 : i32
        %add3A_174 = arith.addi %mul3A_172, %add3A_173 : i32
        %dma_wait3A_175 = arith.constant 3 : i32
        %dma_wait3A_176 = arith.constant 3 : i32
        %dma_wait3A_177 = arith.constant 0 : i32
        %dma_wait3A_178 = arith.constant 0 : i32
        %dma_wait3A_179 = tpu.memref_slice %arg9[%dma_wait3A_175, %dma_wait3A_177, %dma_wait3A_178] : memref<4x64x128xf32, #tpu.memory_space<vmem>> -> memref<1x64x128xf32, #tpu.memory_space<vmem>>
        %dma_wait3A_180 = tpu.memref_squeeze %dma_wait3A_179 : memref<1x64x128xf32, #tpu.memory_space<vmem>> -> memref<64x128xf32, #tpu.memory_space<vmem>>
        %dma_wait3A_181 = arith.constant 0 : i32
        %dma_wait3A_182 = tpu.memref_slice %arg7[%add3A_174, %dma_wait3A_181] : memref<40x64xi32, #tpu.memory_space<vmem>> -> memref<1x64xi32, #tpu.memory_space<vmem>>
        %dma_wait3A_183 = tpu.memref_squeeze %dma_wait3A_182 : memref<1x64xi32, #tpu.memory_space<vmem>> -> memref<64xi32, #tpu.memory_space<vmem>>
        %dma_wait3A_184 = arith.constant 0 : i32
        %dma_wait3A_185 = arith.constant 0 : i32
        %dma_wait3A_186 = tpu.memref_slice %arg2[%dma_wait3A_184, %dma_wait3A_185] : memref<20000x128xf32, #tpu.memory_space<hbm>> -> memref<20000x128xf32, #tpu.memory_space<hbm>>
        %dma_wait3A_187 = tpu.memref_slice %arg10[%dma_wait3A_176] : memref<4x!tpu.dma_semaphore, #tpu.memory_space<semaphore_mem>> -> memref<1x!tpu.dma_semaphore, #tpu.memory_space<semaphore_mem>>
        %dma_wait3A_188 = tpu.memref_squeeze %dma_wait3A_187 : memref<1x!tpu.dma_semaphore, #tpu.memory_space<semaphore_mem>> -> memref<!tpu.dma_semaphore, #tpu.memory_space<semaphore_mem>>
        tpu.wait_indirect_dma semaphore(%dma_wait3A_188 : memref<!tpu.dma_semaphore, #tpu.memory_space<semaphore_mem>>) src(%dma_wait3A_186 : memref<20000x128xf32, #tpu.memory_space<hbm>>) dst(%dma_wait3A_180 : memref<64x128xf32, #tpu.memory_space<vmem>>)
        %run_scoped3A_189 = arith.constant 3 : i32
        "tpu.region"() ({
          %run_scoped3A_200 = tpu.sem_alloc : memref<!tpu.dma_semaphore, #tpu.memory_space<semaphore_mem>>
          %dma_start3A_201 = arith.constant 0 : i32
          %dma_start3A_202 = arith.constant 0 : i32
          %dma_start3A_203 = tpu.memref_slice %arg9[%run_scoped3A_189, %dma_start3A_201, %dma_start3A_202] : memref<4x64x128xf32, #tpu.memory_space<vmem>> -> memref<1x64x128xf32, #tpu.memory_space<vmem>>
          %dma_start3A_204 = tpu.memref_squeeze %dma_start3A_203 : memref<1x64x128xf32, #tpu.memory_space<vmem>> -> memref<64x128xf32, #tpu.memory_space<vmem>>
          %dma_start3A_205 = arith.constant 0 : i32
          %dma_start3A_206 = tpu.memref_slice %arg8[%add3A_174, %dma_start3A_205] : memref<40x64xi32, #tpu.memory_space<vmem>> -> memref<1x64xi32, #tpu.memory_space<vmem>>
          %dma_start3A_207 = tpu.memref_squeeze %dma_start3A_206 : memref<1x64xi32, #tpu.memory_space<vmem>> -> memref<64xi32, #tpu.memory_space<vmem>>
          %dma_start3A_208 = arith.constant 0 : i32
          %dma_start3A_209 = arith.constant 0 : i32
          %dma_start3A_210 = tpu.memref_slice %arg6[%dma_start3A_208, %dma_start3A_209] : memref<10016x128xf32, #tpu.memory_space<vmem_shared>> -> memref<10016x128xf32, #tpu.memory_space<vmem_shared>>
          tpu.enqueue_indirect_dma source(%dma_start3A_204 : memref<64x128xf32, #tpu.memory_space<vmem>>) target(%dma_start3A_210 : memref<10016x128xf32, #tpu.memory_space<vmem_shared>>) offsets(%dma_start3A_207 : memref<64xi32, #tpu.memory_space<vmem>>) semaphore(%run_scoped3A_200 : memref<!tpu.dma_semaphore, #tpu.memory_space<semaphore_mem>>) {add = true}
          %dma_wait3A_211 = arith.constant 0 : i32
          %dma_wait3A_212 = arith.constant 0 : i32
          %dma_wait3A_213 = tpu.memref_slice %arg9[%run_scoped3A_189, %dma_wait3A_211, %dma_wait3A_212] : memref<4x64x128xf32, #tpu.memory_space<vmem>> -> memref<1x64x128xf32, #tpu.memory_space<vmem>>
          %dma_wait3A_214 = tpu.memref_squeeze %dma_wait3A_213 : memref<1x64x128xf32, #tpu.memory_space<vmem>> -> memref<64x128xf32, #tpu.memory_space<vmem>>
          %dma_wait3A_215 = arith.constant 0 : i32
          %dma_wait3A_216 = tpu.memref_slice %arg8[%add3A_174, %dma_wait3A_215] : memref<40x64xi32, #tpu.memory_space<vmem>> -> memref<1x64xi32, #tpu.memory_space<vmem>>
          %dma_wait3A_217 = tpu.memref_squeeze %dma_wait3A_216 : memref<1x64xi32, #tpu.memory_space<vmem>> -> memref<64xi32, #tpu.memory_space<vmem>>
          %dma_wait3A_218 = arith.constant 0 : i32
          %dma_wait3A_219 = arith.constant 0 : i32
          %dma_wait3A_220 = tpu.memref_slice %arg6[%dma_wait3A_218, %dma_wait3A_219] : memref<10016x128xf32, #tpu.memory_space<vmem_shared>> -> memref<10016x128xf32, #tpu.memory_space<vmem_shared>>
          tpu.wait_indirect_dma semaphore(%run_scoped3A_200 : memref<!tpu.dma_semaphore, #tpu.memory_space<semaphore_mem>>) src(%dma_wait3A_214 : memref<64x128xf32, #tpu.memory_space<vmem>>) dst(%dma_wait3A_220 : memref<10016x128xf32, #tpu.memory_space<vmem_shared>>)
          tpu.yield
        }) : () -> ()
        %add3A_190 = arith.constant 4 : i32
        %add3A_191 = arith.addi %add3A_174, %add3A_190 : i32
        %sub3A_192 = arith.constant 1 : i32
        %sub3A_193 = arith.subi %add3A_191, %sub3A_192 : i32
        %lt3A_194 = arith.constant 40 : i32
        %lt3A_195 = arith.cmpi slt, %sub3A_193, %lt3A_194 : i32
        %convert_element_type3A_196 = arith.extui %lt3A_195 : i1 to i32
        %cond3A_197 = arith.constant 0 : i32
        %cond3A_198 = arith.cmpi ne, %convert_element_type3A_196, %cond3A_197 : i32
        scf.if %cond3A_198 {
          %add3A_200 = arith.constant 4 : i32
          %add3A_201 = arith.addi %add3A_174, %add3A_200 : i32
          %sub3A_202 = arith.constant 1 : i32
          %sub3A_203 = arith.subi %add3A_201, %sub3A_202 : i32
          %dma_start3A_204 = arith.constant 2 : i32
          %dma_start3A_205 = arith.constant 2 : i32
          %dma_start3A_206 = arith.constant 0 : i32
          %dma_start3A_207 = arith.constant 0 : i32
          %dma_start3A_208 = tpu.memref_slice %arg9[%dma_start3A_204, %dma_start3A_206, %dma_start3A_207] : memref<4x64x128xf32, #tpu.memory_space<vmem>> -> memref<1x64x128xf32, #tpu.memory_space<vmem>>
          %dma_start3A_209 = tpu.memref_squeeze %dma_start3A_208 : memref<1x64x128xf32, #tpu.memory_space<vmem>> -> memref<64x128xf32, #tpu.memory_space<vmem>>
          %dma_start3A_210 = arith.constant 0 : i32
          %dma_start3A_211 = tpu.memref_slice %arg7[%sub3A_203, %dma_start3A_210] : memref<40x64xi32, #tpu.memory_space<vmem>> -> memref<1x64xi32, #tpu.memory_space<vmem>>
          %dma_start3A_212 = tpu.memref_squeeze %dma_start3A_211 : memref<1x64xi32, #tpu.memory_space<vmem>> -> memref<64xi32, #tpu.memory_space<vmem>>
          %dma_start3A_213 = arith.constant 0 : i32
          %dma_start3A_214 = arith.constant 0 : i32
          %dma_start3A_215 = tpu.memref_slice %arg2[%dma_start3A_213, %dma_start3A_214] : memref<20000x128xf32, #tpu.memory_space<hbm>> -> memref<20000x128xf32, #tpu.memory_space<hbm>>
          %dma_start3A_216 = tpu.memref_slice %arg10[%dma_start3A_205] : memref<4x!tpu.dma_semaphore, #tpu.memory_space<semaphore_mem>> -> memref<1x!tpu.dma_semaphore, #tpu.memory_space<semaphore_mem>>
          %dma_start3A_217 = tpu.memref_squeeze %dma_start3A_216 : memref<1x!tpu.dma_semaphore, #tpu.memory_space<semaphore_mem>> -> memref<!tpu.dma_semaphore, #tpu.memory_space<semaphore_mem>>
          tpu.enqueue_indirect_dma source(%dma_start3A_215 : memref<20000x128xf32, #tpu.memory_space<hbm>>) target(%dma_start3A_209 : memref<64x128xf32, #tpu.memory_space<vmem>>) offsets(%dma_start3A_212 : memref<64xi32, #tpu.memory_space<vmem>>) semaphore(%dma_start3A_217 : memref<!tpu.dma_semaphore, #tpu.memory_space<semaphore_mem>>)
        } else {
        }
        %scan3A_199 = arith.constant 0 : i32
        scf.yield %scan3A_199 : i32
      }
      %scan3A_87 = arith.constant 10 : i32
      %scan3A_88 = arith.constant 0 : i32
      scf.yield %scan3A_88 : i32
    }
    %scan3A_12 = arith.constant 4 : i32
    %barrier3A_13 = arith.constant 0 : index
    tpu.barrier barrier_id(%barrier3A_13)
    %lt3A_14 = arith.constant 15 : i32
    %lt3A_15 = arith.cmpi slt, %arg1, %lt3A_14 : i32
    %convert_element_type3A_16 = arith.extui %lt3A_15 : i1 to i32
    %cond3A_17 = arith.constant 0 : i32
    %cond3A_18 = arith.cmpi ne, %convert_element_type3A_16, %cond3A_17 : i32
    scf.if %cond3A_18 {
      %mul3A_24 = arith.constant 632 : i32
      %mul3A_25 = arith.muli %arg1, %mul3A_24 : i32
      %mul3A_26 = arith.constant 632 : i32
      %mul3A_27 = arith.muli %arg1, %mul3A_26 : i32
      "tpu.region"() ({
        %run_scoped3A = tpu.sem_alloc : memref<!tpu.dma_semaphore, #tpu.memory_space<semaphore_mem>>
        %dma_start3A = arith.constant 0 : i32
        %dma_start3A_28 = tpu.memref_slice %arg5[%arg0, %mul3A_27, %dma_start3A] : memref<2x10000x128xf32, #tpu.memory_space<hbm>> -> memref<1x632x128xf32, #tpu.memory_space<hbm>>
        %dma_start3A_29 = tpu.memref_squeeze %dma_start3A_28 : memref<1x632x128xf32, #tpu.memory_space<hbm>> -> memref<632x128xf32, #tpu.memory_space<hbm>>
        %dma_start3A_30 = arith.constant 0 : i32
        %dma_start3A_31 = tpu.memref_slice %arg6[%mul3A_25, %dma_start3A_30] : memref<10016x128xf32, #tpu.memory_space<vmem_shared>> -> memref<632x128xf32, #tpu.memory_space<vmem_shared>>
        tpu.enqueue_dma source(%dma_start3A_31 : memref<632x128xf32, #tpu.memory_space<vmem_shared>>) target(%dma_start3A_29 : memref<632x128xf32, #tpu.memory_space<hbm>>) target_semaphore(%run_scoped3A : memref<!tpu.dma_semaphore, #tpu.memory_space<semaphore_mem>>)
        %dma_wait3A = arith.constant 0 : i32
        %dma_wait3A_32 = tpu.memref_slice %arg5[%arg0, %mul3A_27, %dma_wait3A] : memref<2x10000x128xf32, #tpu.memory_space<hbm>> -> memref<1x632x128xf32, #tpu.memory_space<hbm>>
        %dma_wait3A_33 = tpu.memref_squeeze %dma_wait3A_32 : memref<1x632x128xf32, #tpu.memory_space<hbm>> -> memref<632x128xf32, #tpu.memory_space<hbm>>
        %dma_wait3A_34 = arith.constant 0 : i32
        %dma_wait3A_35 = tpu.memref_slice %arg6[%mul3A_25, %dma_wait3A_34] : memref<10016x128xf32, #tpu.memory_space<vmem_shared>> -> memref<632x128xf32, #tpu.memory_space<vmem_shared>>
        tpu.wait_dma2 semaphore(%run_scoped3A : memref<!tpu.dma_semaphore, #tpu.memory_space<semaphore_mem>>) src(%dma_wait3A_35 : memref<632x128xf32, #tpu.memory_space<vmem_shared>>) dst(%dma_wait3A_33 : memref<632x128xf32, #tpu.memory_space<hbm>>)
        tpu.yield
      }) : () -> ()
    } else {
    }
    %eq3A_19 = arith.constant 15 : i32
    %eq3A_20 = arith.cmpi eq, %arg1, %eq3A_19 : i32
    %convert_element_type3A_21 = arith.extui %eq3A_20 : i1 to i32
    %cond3A_22 = arith.constant 0 : i32
    %cond3A_23 = arith.cmpi ne, %convert_element_type3A_21, %cond3A_22 : i32
    scf.if %cond3A_23 {
      "tpu.region"() ({
        %run_scoped3A = tpu.sem_alloc : memref<!tpu.dma_semaphore, #tpu.memory_space<semaphore_mem>>
        %dma_start3A = arith.constant 9480 : i32
        %dma_start3A_24 = arith.constant 0 : i32
        %dma_start3A_25 = tpu.memref_slice %arg5[%arg0, %dma_start3A, %dma_start3A_24] : memref<2x10000x128xf32, #tpu.memory_space<hbm>> -> memref<1x520x128xf32, #tpu.memory_space<hbm>>
        %dma_start3A_26 = tpu.memref_squeeze %dma_start3A_25 : memref<1x520x128xf32, #tpu.memory_space<hbm>> -> memref<520x128xf32, #tpu.memory_space<hbm>>
        %dma_start3A_27 = arith.constant 9480 : i32
        %dma_start3A_28 = arith.constant 0 : i32
        %dma_start3A_29 = tpu.memref_slice %arg6[%dma_start3A_27, %dma_start3A_28] : memref<10016x128xf32, #tpu.memory_space<vmem_shared>> -> memref<520x128xf32, #tpu.memory_space<vmem_shared>>
        tpu.enqueue_dma source(%dma_start3A_29 : memref<520x128xf32, #tpu.memory_space<vmem_shared>>) target(%dma_start3A_26 : memref<520x128xf32, #tpu.memory_space<hbm>>) target_semaphore(%run_scoped3A : memref<!tpu.dma_semaphore, #tpu.memory_space<semaphore_mem>>)
        %dma_wait3A = arith.constant 9480 : i32
        %dma_wait3A_30 = arith.constant 0 : i32
        %dma_wait3A_31 = tpu.memref_slice %arg5[%arg0, %dma_wait3A, %dma_wait3A_30] : memref<2x10000x128xf32, #tpu.memory_space<hbm>> -> memref<1x520x128xf32, #tpu.memory_space<hbm>>
        %dma_wait3A_32 = tpu.memref_squeeze %dma_wait3A_31 : memref<1x520x128xf32, #tpu.memory_space<hbm>> -> memref<520x128xf32, #tpu.memory_space<hbm>>
        %dma_wait3A_33 = arith.constant 9480 : i32
        %dma_wait3A_34 = arith.constant 0 : i32
        %dma_wait3A_35 = tpu.memref_slice %arg6[%dma_wait3A_33, %dma_wait3A_34] : memref<10016x128xf32, #tpu.memory_space<vmem_shared>> -> memref<520x128xf32, #tpu.memory_space<vmem_shared>>
        tpu.wait_dma2 semaphore(%run_scoped3A : memref<!tpu.dma_semaphore, #tpu.memory_space<semaphore_mem>>) src(%dma_wait3A_35 : memref<520x128xf32, #tpu.memory_space<vmem_shared>>) dst(%dma_wait3A_32 : memref<520x128xf32, #tpu.memory_space<hbm>>)
        tpu.yield
      }) : () -> ()
    } else {
    }
    return
  }
}

module attributes {stable_mosaic.version = 14 : i64} {
  func.func @_prep_body(%arg0: i32, %arg1: memref<10000x128xf32, #tpu.memory_space<vmem>>, %arg2: memref<2x10000x128xf32, #tpu.memory_space<vmem>>, %arg3: memref<1x10000x128xf32, #tpu.memory_space<vmem>>) attributes {dimension_semantics = [#tpu.dimension_semantics<arbitrary>], iteration_bounds = array<i64: 2>, scalar_prefetch = 0 : i64, scratch_operands = 0 : i64, tpu.core_type = #tpu.core_type<tc>, window_params = [{transform_indices = @transform_0, window_bounds = array<i64: 10000, 128>}, {pipeline_mode = #tpu.pipeline_mode<synchronous>, transform_indices = @transform_1, window_bounds = array<i64: 2, 10000, 128>}, {transform_indices = @transform_2, window_bounds = array<i64: 1, 10000, 128>}]} {
    %get3A = arith.constant 0 : index
    %get3A_0 = arith.constant 0 : index
    %get3A_1 = arith.constant 0 : index
    %get3A_2 = vector.load %arg2[%get3A, %get3A_0, %get3A_1] : memref<2x10000x128xf32, #tpu.memory_space<vmem>>, vector<1x10000x128xf32>
    %get3A_3 = vector.shape_cast %get3A_2 : vector<1x10000x128xf32> to vector<10000x128xf32>
    %get3A_4 = arith.constant 1 : index
    %get3A_5 = arith.constant 0 : index
    %get3A_6 = arith.constant 0 : index
    %get3A_7 = vector.load %arg2[%get3A_4, %get3A_5, %get3A_6] : memref<2x10000x128xf32, #tpu.memory_space<vmem>>, vector<1x10000x128xf32>
    %get3A_8 = vector.shape_cast %get3A_7 : vector<1x10000x128xf32> to vector<10000x128xf32>
    %add3A = arith.addf %get3A_3, %get3A_8 : vector<10000x128xf32>
    %add3A_9 = arith.constant 1.000000e+00 : f32
    %add3A_10 = vector.broadcast %add3A_9 : f32 to vector<10000x128xf32>
    %add3A_11 = arith.addf %add3A, %add3A_10 : vector<10000x128xf32>
    %rsqrt3A = math.rsqrt %add3A_11 : vector<10000x128xf32>
    %get3A_12 = arith.constant 0 : index
    %get3A_13 = arith.constant 0 : index
    %get3A_14 = vector.load %arg1[%get3A_12, %get3A_13] : memref<10000x128xf32, #tpu.memory_space<vmem>>, vector<10000x128xf32>
    %mul3A = arith.mulf %get3A_14, %rsqrt3A : vector<10000x128xf32>
    %swap3A = arith.constant 0 : index
    %swap3A_15 = arith.constant 0 : index
    %swap3A_16 = arith.constant 0 : index
    %swap3A_17 = vector.load %arg3[%swap3A, %swap3A_15, %swap3A_16] : memref<1x10000x128xf32, #tpu.memory_space<vmem>>, vector<1x10000x128xf32>
    %swap3A_18 = vector.shape_cast %swap3A_17 : vector<1x10000x128xf32> to vector<10000x128xf32>
    %swap3A_19 = vector.shape_cast %mul3A : vector<10000x128xf32> to vector<1x10000x128xf32>
    tpu.vector_store %arg3[%swap3A, %swap3A_15, %swap3A_16], %swap3A_19 {strides = array<i32>} : memref<1x10000x128xf32, #tpu.memory_space<vmem>>, vector<1x10000x128xf32>,
    return
  }
  func.func @transform_0(%arg0: i32) -> (i32, i32) {
    %c0_i32 = arith.constant 0 : i32
    %c0_i32_0 = arith.constant 0 : i32
    return %c0_i32, %arg0 : i32, i32
  }
  func.func @transform_1(%arg0: i32) -> (i32, i32, i32) {
    %c0_i32 = arith.constant 0 : i32
    %c0_i32_0 = arith.constant 0 : i32
    %c0_i32_1 = arith.constant 0 : i32
    %c0_i32_2 = arith.constant 0 : i32
    return %c0_i32, %c0_i32_0, %c0_i32_1 : i32, i32, i32
  }
  func.func @transform_2(%arg0: i32) -> (i32, i32, i32) {
    %c0_i32 = arith.constant 0 : i32
    %c0_i32_0 = arith.constant 0 : i32
    %c0_i32_1 = arith.constant 0 : i32
    return %arg0, %c0_i32, %c0_i32_0 : i32, i32, i32
  }
}

module attributes {stable_mosaic.version = 14 : i64} {
  func.func @_mm1_body(%arg0: i32, %arg1: memref<2x2000x128xf32, #tpu.memory_space<vmem>>, %arg2: memref<2x2000x128xf32, #tpu.memory_space<vmem>>, %arg3: memref<256x512xf32, #tpu.memory_space<vmem>>, %arg4: memref<1x512xf32, #tpu.memory_space<vmem>>, %arg5: memref<512x256xf32, #tpu.memory_space<vmem>>, %arg6: memref<2x2000x128xf32, #tpu.memory_space<vmem>>) attributes {dimension_semantics = [#tpu.dimension_semantics<arbitrary>], iteration_bounds = array<i64: 5>, scalar_prefetch = 0 : i64, scratch_operands = 0 : i64, tpu.core_type = #tpu.core_type<tc>, window_params = [{transform_indices = @transform_0, window_bounds = array<i64: 2, 2000, 128>}, {transform_indices = @transform_1, window_bounds = array<i64: 2, 2000, 128>}, {pipeline_mode = #tpu.pipeline_mode<synchronous>, transform_indices = @transform_2, window_bounds = array<i64: 256, 512>}, {pipeline_mode = #tpu.pipeline_mode<synchronous>, transform_indices = @transform_3, window_bounds = array<i64: 1, 512>}, {pipeline_mode = #tpu.pipeline_mode<synchronous>, transform_indices = @transform_4, window_bounds = array<i64: 512, 256>}, {transform_indices = @transform_5, window_bounds = array<i64: 2, 2000, 128>}]} {
    %get3A = arith.constant 0 : index
    %get3A_0 = arith.constant 0 : index
    %get3A_1 = arith.constant 0 : index
    %get3A_2 = vector.load %arg2[%get3A, %get3A_0, %get3A_1] : memref<2x2000x128xf32, #tpu.memory_space<vmem>>, vector<1x2000x128xf32>
    %get3A_3 = vector.shape_cast %get3A_2 : vector<1x2000x128xf32> to vector<2000x128xf32>
    %get3A_4 = arith.constant 1 : index
    %get3A_5 = arith.constant 0 : index
    %get3A_6 = arith.constant 0 : index
    %get3A_7 = vector.load %arg2[%get3A_4, %get3A_5, %get3A_6] : memref<2x2000x128xf32, #tpu.memory_space<vmem>>, vector<1x2000x128xf32>
    %get3A_8 = vector.shape_cast %get3A_7 : vector<1x2000x128xf32> to vector<2000x128xf32>
    %add3A = arith.addf %get3A_3, %get3A_8 : vector<2000x128xf32>
    %add3A_9 = arith.constant 1.000000e+00 : f32
    %add3A_10 = vector.broadcast %add3A_9 : f32 to vector<2000x128xf32>
    %add3A_11 = arith.addf %add3A, %add3A_10 : vector<2000x128xf32>
    %rsqrt3A = math.rsqrt %add3A_11 : vector<2000x128xf32>
    %get3A_12 = arith.constant 0 : index
    %get3A_13 = arith.constant 0 : index
    %get3A_14 = arith.constant 0 : index
    %get3A_15 = vector.load %arg1[%get3A_12, %get3A_13, %get3A_14] : memref<2x2000x128xf32, #tpu.memory_space<vmem>>, vector<1x2000x128xf32>
    %get3A_16 = vector.shape_cast %get3A_15 : vector<1x2000x128xf32> to vector<2000x128xf32>
    %mul3A = arith.mulf %get3A_16, %rsqrt3A : vector<2000x128xf32>
    %get3A_17 = arith.constant 1 : index
    %get3A_18 = arith.constant 0 : index
    %get3A_19 = arith.constant 0 : index
    %get3A_20 = vector.load %arg1[%get3A_17, %get3A_18, %get3A_19] : memref<2x2000x128xf32, #tpu.memory_space<vmem>>, vector<1x2000x128xf32>
    %get3A_21 = vector.shape_cast %get3A_20 : vector<1x2000x128xf32> to vector<2000x128xf32>
    %mul3A_22 = arith.mulf %get3A_21, %rsqrt3A : vector<2000x128xf32>
    %get3A_23 = arith.constant 0 : index
    %get3A_24 = arith.constant 0 : index
    %get3A_25 = vector.load %arg3[%get3A_23, %get3A_24] : memref<256x512xf32, #tpu.memory_space<vmem>>, vector<128x512xf32>
    %dot_general3A = arith.constant dense<0.000000e+00> : vector<2000x512xf32>
    %dot_general3A_26 = tpu.matmul %mul3A, %get3A_25, %dot_general3A {dimension_numbers = #tpu.dot_dimension_numbers<[1], [0], [0], [1], [0, 0, 1, 1], [], []>, transpose_lhs_hint = false} : vector<2000x128xf32>, vector<128x512xf32>, vector<2000x512xf32> -> vector<2000x512xf32>
    %get3A_27 = arith.constant 128 : index
    %get3A_28 = arith.constant 0 : index
    %get3A_29 = vector.load %arg3[%get3A_27, %get3A_28] : memref<256x512xf32, #tpu.memory_space<vmem>>, vector<128x512xf32>
    %dot_general3A_30 = arith.constant dense<0.000000e+00> : vector<2000x512xf32>
    %dot_general3A_31 = tpu.matmul %mul3A_22, %get3A_29, %dot_general3A_30 {dimension_numbers = #tpu.dot_dimension_numbers<[1], [0], [0], [1], [0, 0, 1, 1], [], []>, transpose_lhs_hint = false} : vector<2000x128xf32>, vector<128x512xf32>, vector<2000x512xf32> -> vector<2000x512xf32>
    %add3A_32 = arith.addf %dot_general3A_26, %dot_general3A_31 : vector<2000x512xf32>
    %get3A_33 = arith.constant 0 : index
    %get3A_34 = arith.constant 0 : index
    %get3A_35 = vector.load %arg4[%get3A_33, %get3A_34] : memref<1x512xf32, #tpu.memory_space<vmem>>, vector<1x512xf32>
    %add3A_36 = vector.broadcast %get3A_35 : vector<1x512xf32> to vector<2000x512xf32>
    %add3A_37 = arith.addf %add3A_32, %add3A_36 : vector<2000x512xf32>
    %max3A = arith.constant 0.000000e+00 : f32
    %max3A_38 = vector.broadcast %max3A : f32 to vector<2000x512xf32>
    %max3A_39 = arith.maximumf %add3A_37, %max3A_38 : vector<2000x512xf32>
    %get3A_40 = arith.constant 0 : index
    %get3A_41 = arith.constant 0 : index
    %get3A_42 = vector.load %arg5[%get3A_40, %get3A_41] : memref<512x256xf32, #tpu.memory_space<vmem>>, vector<512x256xf32>
    %dot_general3A_43 = arith.constant dense<0.000000e+00> : vector<2000x256xf32>
    %dot_general3A_44 = tpu.matmul %max3A_39, %get3A_42, %dot_general3A_43 {dimension_numbers = #tpu.dot_dimension_numbers<[1], [0], [0], [1], [0, 0, 1, 1], [], []>, transpose_lhs_hint = false} : vector<2000x512xf32>, vector<512x256xf32>, vector<2000x256xf32> -> vector<2000x256xf32>
    %slice3A = vector.extract_strided_slice %dot_general3A_44 {offsets = [0, 0], sizes = [2000, 128], strides = [1, 1]} : vector<2000x256xf32> to vector<2000x128xf32>
    %mul3A_45 = arith.mulf %slice3A, %rsqrt3A : vector<2000x128xf32>
    %swap3A = arith.constant 0 : index
    %swap3A_46 = arith.constant 0 : index
    %swap3A_47 = arith.constant 0 : index
    %swap3A_48 = vector.load %arg6[%swap3A, %swap3A_46, %swap3A_47] : memref<2x2000x128xf32, #tpu.memory_space<vmem>>, vector<1x2000x128xf32>
    %swap3A_49 = vector.shape_cast %swap3A_48 : vector<1x2000x128xf32> to vector<2000x128xf32>
    %swap3A_50 = vector.shape_cast %mul3A_45 : vector<2000x128xf32> to vector<1x2000x128xf32>
    tpu.vector_store %arg6[%swap3A, %swap3A_46, %swap3A_47], %swap3A_50 {strides = array<i32>} : memref<2x2000x128xf32, #tpu.memory_space<vmem>>, vector<1x2000x128xf32>,
    %slice3A_51 = vector.extract_strided_slice %dot_general3A_44 {offsets = [0, 128], sizes = [2000, 128], strides = [1, 1]} : vector<2000x256xf32> to vector<2000x128xf32>
    %mul3A_52 = arith.mulf %slice3A_51, %rsqrt3A : vector<2000x128xf32>
    %swap3A_53 = arith.constant 1 : index
    %swap3A_54 = arith.constant 0 : index
    %swap3A_55 = arith.constant 0 : index
    %swap3A_56 = vector.load %arg6[%swap3A_53, %swap3A_54, %swap3A_55] : memref<2x2000x128xf32, #tpu.memory_space<vmem>>, vector<1x2000x128xf32>
    %swap3A_57 = vector.shape_cast %swap3A_56 : vector<1x2000x128xf32> to vector<2000x128xf32>
    %swap3A_58 = vector.shape_cast %mul3A_52 : vector<2000x128xf32> to vector<1x2000x128xf32>
    tpu.vector_store %arg6[%swap3A_53, %swap3A_54, %swap3A_55], %swap3A_58 {strides = array<i32>} : memref<2x2000x128xf32, #tpu.memory_space<vmem>>, vector<1x2000x128xf32>,
    return
  }
  func.func @transform_0(%arg0: i32) -> (i32, i32, i32) {
    %c0_i32 = arith.constant 0 : i32
    %c0_i32_0 = arith.constant 0 : i32
    %c0_i32_1 = arith.constant 0 : i32
    return %c0_i32, %arg0, %c0_i32_0 : i32, i32, i32
  }
  func.func @transform_1(%arg0: i32) -> (i32, i32, i32) {
    %c0_i32 = arith.constant 0 : i32
    %c0_i32_0 = arith.constant 0 : i32
    %c0_i32_1 = arith.constant 0 : i32
    return %c0_i32, %arg0, %c0_i32_0 : i32, i32, i32
  }
  func.func @transform_2(%arg0: i32) -> (i32, i32) {
    %c0_i32 = arith.constant 0 : i32
    %c0_i32_0 = arith.constant 0 : i32
    %c0_i32_1 = arith.constant 0 : i32
    return %c0_i32, %c0_i32_0 : i32, i32
  }
  func.func @transform_3(%arg0: i32) -> (i32, i32) {
    %c0_i32 = arith.constant 0 : i32
    %c0_i32_0 = arith.constant 0 : i32
    %c0_i32_1 = arith.constant 0 : i32
    return %c0_i32, %c0_i32_0 : i32, i32
  }
  func.func @transform_4(%arg0: i32) -> (i32, i32) {
    %c0_i32 = arith.constant 0 : i32
    %c0_i32_0 = arith.constant 0 : i32
    %c0_i32_1 = arith.constant 0 : i32
    return %c0_i32, %c0_i32_0 : i32, i32
  }
  func.func @transform_5(%arg0: i32) -> (i32, i32, i32) {
    %c0_i32 = arith.constant 0 : i32
    %c0_i32_0 = arith.constant 0 : i32
    %c0_i32_1 = arith.constant 0 : i32
    return %c0_i32, %arg0, %c0_i32_0 : i32, i32, i32
  }
}

module attributes {stable_mosaic.version = 14 : i64} {
  func.func @_fin_body(%arg0: i32, %arg1: memref<2x2000x128xf32, #tpu.memory_space<vmem>>, %arg2: memref<2x2000x128xf32, #tpu.memory_space<vmem>>, %arg3: memref<1x256xf32, #tpu.memory_space<vmem>>, %arg4: memref<256x1xf32, #tpu.memory_space<vmem>>, %arg5: memref<1x1xf32, #tpu.memory_space<vmem>>, %arg6: memref<2000x1xf32, #tpu.memory_space<vmem>>) attributes {dimension_semantics = [#tpu.dimension_semantics<arbitrary>], iteration_bounds = array<i64: 5>, scalar_prefetch = 0 : i64, scratch_operands = 0 : i64, tpu.core_type = #tpu.core_type<tc>, window_params = [{transform_indices = @transform_0, window_bounds = array<i64: 2, 2000, 128>}, {transform_indices = @transform_1, window_bounds = array<i64: 2, 2000, 128>}, {pipeline_mode = #tpu.pipeline_mode<synchronous>, transform_indices = @transform_2, window_bounds = array<i64: 1, 256>}, {pipeline_mode = #tpu.pipeline_mode<synchronous>, transform_indices = @transform_3, window_bounds = array<i64: 256, 1>}, {pipeline_mode = #tpu.pipeline_mode<synchronous>, transform_indices = @transform_4, window_bounds = array<i64: 1, 1>}, {transform_indices = @transform_5, window_bounds = array<i64: 2000, 1>}]} {
    %get3A = arith.constant 0 : index
    %get3A_0 = arith.constant 0 : index
    %get3A_1 = arith.constant 0 : index
    %get3A_2 = vector.load %arg2[%get3A, %get3A_0, %get3A_1] : memref<2x2000x128xf32, #tpu.memory_space<vmem>>, vector<1x2000x128xf32>
    %get3A_3 = vector.shape_cast %get3A_2 : vector<1x2000x128xf32> to vector<2000x128xf32>
    %get3A_4 = arith.constant 1 : index
    %get3A_5 = arith.constant 0 : index
    %get3A_6 = arith.constant 0 : index
    %get3A_7 = vector.load %arg2[%get3A_4, %get3A_5, %get3A_6] : memref<2x2000x128xf32, #tpu.memory_space<vmem>>, vector<1x2000x128xf32>
    %get3A_8 = vector.shape_cast %get3A_7 : vector<1x2000x128xf32> to vector<2000x128xf32>
    %add3A = arith.addf %get3A_3, %get3A_8 : vector<2000x128xf32>
    %add3A_9 = arith.constant 1.000000e+00 : f32
    %add3A_10 = vector.broadcast %add3A_9 : f32 to vector<2000x128xf32>
    %add3A_11 = arith.addf %add3A, %add3A_10 : vector<2000x128xf32>
    %rsqrt3A = math.rsqrt %add3A_11 : vector<2000x128xf32>
    %get3A_12 = arith.constant 0 : index
    %get3A_13 = arith.constant 0 : index
    %get3A_14 = vector.load %arg3[%get3A_12, %get3A_13] : memref<1x256xf32, #tpu.memory_space<vmem>>, vector<1x256xf32>
    %get3A_15 = arith.constant 0 : index
    %get3A_16 = arith.constant 0 : index
    %get3A_17 = arith.constant 0 : index
    %get3A_18 = vector.load %arg1[%get3A_15, %get3A_16, %get3A_17] : memref<2x2000x128xf32, #tpu.memory_space<vmem>>, vector<1x2000x128xf32>
    %get3A_19 = vector.shape_cast %get3A_18 : vector<1x2000x128xf32> to vector<2000x128xf32>
    %mul3A = arith.mulf %get3A_19, %rsqrt3A : vector<2000x128xf32>
    %slice3A = vector.extract_strided_slice %get3A_14 {offsets = [0, 0], sizes = [1, 128], strides = [1, 1]} : vector<1x256xf32> to vector<1x128xf32>
    %add3A_20 = vector.broadcast %slice3A : vector<1x128xf32> to vector<2000x128xf32>
    %add3A_21 = arith.addf %mul3A, %add3A_20 : vector<2000x128xf32>
    %max3A = arith.constant 0.000000e+00 : f32
    %max3A_22 = vector.broadcast %max3A : f32 to vector<2000x128xf32>
    %max3A_23 = arith.maximumf %add3A_21, %max3A_22 : vector<2000x128xf32>
    %get3A_24 = arith.constant 1 : index
    %get3A_25 = arith.constant 0 : index
    %get3A_26 = arith.constant 0 : index
    %get3A_27 = vector.load %arg1[%get3A_24, %get3A_25, %get3A_26] : memref<2x2000x128xf32, #tpu.memory_space<vmem>>, vector<1x2000x128xf32>
    %get3A_28 = vector.shape_cast %get3A_27 : vector<1x2000x128xf32> to vector<2000x128xf32>
    %mul3A_29 = arith.mulf %get3A_28, %rsqrt3A : vector<2000x128xf32>
    %slice3A_30 = vector.extract_strided_slice %get3A_14 {offsets = [0, 128], sizes = [1, 128], strides = [1, 1]} : vector<1x256xf32> to vector<1x128xf32>
    %add3A_31 = vector.broadcast %slice3A_30 : vector<1x128xf32> to vector<2000x128xf32>
    %add3A_32 = arith.addf %mul3A_29, %add3A_31 : vector<2000x128xf32>
    %max3A_33 = arith.constant 0.000000e+00 : f32
    %max3A_34 = vector.broadcast %max3A_33 : f32 to vector<2000x128xf32>
    %max3A_35 = arith.maximumf %add3A_32, %max3A_34 : vector<2000x128xf32>
    %get3A_36 = arith.constant 0 : index
    %get3A_37 = arith.constant 0 : index
    %get3A_38 = vector.load %arg4[%get3A_36, %get3A_37] : memref<256x1xf32, #tpu.memory_space<vmem>>, vector<128x1xf32>
    %dot_general3A = arith.constant dense<0.000000e+00> : vector<2000x1xf32>
    %dot_general3A_39 = tpu.matmul %max3A_23, %get3A_38, %dot_general3A {dimension_numbers = #tpu.dot_dimension_numbers<[1], [0], [0], [1], [0, 0, 1, 1], [], []>, precision = #tpu.contract_precision<fp32>, transpose_lhs_hint = false} : vector<2000x128xf32>, vector<128x1xf32>, vector<2000x1xf32> -> vector<2000x1xf32>
    %get3A_40 = arith.constant 128 : index
    %get3A_41 = arith.constant 0 : index
    %get3A_42 = vector.load %arg4[%get3A_40, %get3A_41] : memref<256x1xf32, #tpu.memory_space<vmem>>, vector<128x1xf32>
    %dot_general3A_43 = arith.constant dense<0.000000e+00> : vector<2000x1xf32>
    %dot_general3A_44 = tpu.matmul %max3A_35, %get3A_42, %dot_general3A_43 {dimension_numbers = #tpu.dot_dimension_numbers<[1], [0], [0], [1], [0, 0, 1, 1], [], []>, precision = #tpu.contract_precision<fp32>, transpose_lhs_hint = false} : vector<2000x128xf32>, vector<128x1xf32>, vector<2000x1xf32> -> vector<2000x1xf32>
    %add3A_45 = arith.addf %dot_general3A_39, %dot_general3A_44 : vector<2000x1xf32>
    %get3A_46 = arith.constant 0 : index
    %get3A_47 = arith.constant 0 : index
    %get3A_48 = vector.load %arg5[%get3A_46, %get3A_47] : memref<1x1xf32, #tpu.memory_space<vmem>>, vector<1x1xf32>
    %add3A_49 = vector.broadcast %get3A_48 : vector<1x1xf32> to vector<2000x1xf32>
    %add3A_50 = arith.addf %add3A_45, %add3A_49 : vector<2000x1xf32>
    %swap3A = arith.constant 0 : index
    %swap3A_51 = arith.constant 0 : index
    %swap3A_52 = vector.load %arg6[%swap3A, %swap3A_51] : memref<2000x1xf32, #tpu.memory_space<vmem>>, vector<2000x1xf32>
    tpu.vector_store %arg6[%swap3A, %swap3A_51], %add3A_50 {strides = array<i32>} : memref<2000x1xf32, #tpu.memory_space<vmem>>, vector<2000x1xf32>,
    return
  }
  func.func @transform_0(%arg0: i32) -> (i32, i32, i32) {
    %c0_i32 = arith.constant 0 : i32
    %c0_i32_0 = arith.constant 0 : i32
    %c0_i32_1 = arith.constant 0 : i32
    return %c0_i32, %arg0, %c0_i32_0 : i32, i32, i32
  }
  func.func @transform_1(%arg0: i32) -> (i32, i32, i32) {
    %c0_i32 = arith.constant 0 : i32
    %c0_i32_0 = arith.constant 0 : i32
    %c0_i32_1 = arith.constant 0 : i32
    return %c0_i32, %arg0, %c0_i32_0 : i32, i32, i32
  }
  func.func @transform_2(%arg0: i32) -> (i32, i32) {
    %c0_i32 = arith.constant 0 : i32
    %c0_i32_0 = arith.constant 0 : i32
    %c0_i32_1 = arith.constant 0 : i32
    return %c0_i32, %c0_i32_0 : i32, i32
  }
  func.func @transform_3(%arg0: i32) -> (i32, i32) {
    %c0_i32 = arith.constant 0 : i32
    %c0_i32_0 = arith.constant 0 : i32
    %c0_i32_1 = arith.constant 0 : i32
    return %c0_i32, %c0_i32_0 : i32, i32
  }
  func.func @transform_4(%arg0: i32) -> (i32, i32) {
    %c0_i32 = arith.constant 0 : i32
    %c0_i32_0 = arith.constant 0 : i32
    %c0_i32_1 = arith.constant 0 : i32
    return %c0_i32, %c0_i32_0 : i32, i32
  }
  func.func @transform_5(%arg0: i32) -> (i32, i32) {
    %c0_i32 = arith.constant 0 : i32
    %c0_i32_0 = arith.constant 0 : i32
    return %arg0, %c0_i32 : i32, i32
  }
}

</mosaic_0001>

<sc_bundles>
// kernel: kernel.11.cloned.1.call-start
scs
__scs_entry_jumppad:
0x0: {  	(pc) =	sbr.rel $0x88, $3  }
0x1: {  	(tag) =	ssettag $0x0;
	lr =	simm.s32 $0x1  }
0x2: {  	[smem:$0x3F99] =	sst lr;
	_ =	strace $0xD0000000  }
0x3: {  	_ = 	snop  }
0x4: {  	_ = 	snop  }
0x5: {  	_ = 	snop  }
0x6: {  	_ = 	snop  }
0x7: {  	_ = 	snop  }
__scs_overlays_trampoline_lowered:
0x8: {  	[smem:$0x3FA8] =	sst s0  }
0x9: {  	[smem:$0x3FA9] =	sst s1  }
0xa: {  	[smem:$0x3FAA] =	sst s2  }
0xb: {  	[smem:$0x3FAB] =	sst s3  }
0xc: {  	[smem:$0x3FAC] =	sst s4  }
0xd: {  	[smem:$0x3FAD] =	sst s5  }
0xe: {  	[smem:$0x3FAE] =	sst s6  }
0xf: {  	[smem:$0x3FAF] =	sst s7  }
0x10: {  	[smem:$0x3FB0] =	sst s8  }
0x11: {  	[smem:$0x3FB1] =	sst s9;
	s0 =	simm.s32 @!p0 $0x0  }
0x12: {  	s1 =	sld [smem:$0x3F97];
	s0 =	simm.s32 @p0 $0x1  }
0x13: {  	[smem:$0x3FB2] =	sst s0;
	s0 =	simm.s32 @!p1 $0x0  }
0x14: {  	s2 =	sld [smem:$0x3F96];
	s0 =	simm.s32 @p1 $0x1  }
0x15: {  	[smem:$0x3FB3] =	sst s0;
	s0 =	simm.s32 @!p2 $0x0  }
0x16: {  	s3 =	sld [smem:$0x3FDB];
	s0 =	simm.s32 @p2 $0x1  }
0x17: {  	s4 =	simm.s32 $0x1BF5;
	[smem:$0x3FB5] =	sst s0  }
0x18: {  	s0 =	sld [smem:$0x3F98];
	_ =	swait.ge [sflag:s4], $0x0  }
0x19: {  	s7 =	sld [smem:$0x3F99]  }
0x1a: {  	s8 =	sadd.s32 $0xFFFFE003, lr  }
0x1b: {  	s9 =	sadd.s32 $0xFFFFFEF7, lr;
	s5 =	simm.s32 $0xFFFFFFFF;
	p2 =	slt.u32 s8, $0xFFFFF086  }
0x1c: {  	p1 =	slt.u32 s9, $0xF7A;
	s5 =	simm.s32 @!p2 $0x0  }
0x1d: {  	s5 =	simm.s32 @p1 $0x1;
	p0 =	seq.s32 s7, s2  }
0x1e: {  	s7 =	smul.u32 @!p0 $0xF7A, s2;
	p2 =	seq.s32 @!p0 s5, $0x0  }
0x1f: {  	s9 =	smul.u32 $0xF7A, s1;
	s8 =	simm.s32 @!p0 $0x1BF5;
	p2 =	por !p2, p0  }
0x20: {  	[sflag:s8] =	ssyncset.s32 @!p0 $0xFFFFF086;
	s6 =	sadd.s32 @!p0 s3, s7;
	s7 =	simm.s32 @!p0 $0x108  }
0x21: {  	s3 =	sadd.s32 s3, s9;
	s6 =	sadd.s32 @!p0 $0x88, s6;
	s7 =	simm.s32 @p2 $0x1082  }
0x22: {  	[simem:s7], [sflag:s8] =	dma.local @!p0 [hbm:s6], $0xF7A  }
0x23: {  	s9 =	sor.u32 $0xD0000000, s2;
	s6 =	simm.s32 $0x108;
	_ =	swait.ge @!p0 [sflag:s8], $0x0  }
0x24: {  	s3 =	sadd.s32 $0x88, s3;
	s6 =	simm.s32 @!p1 $0x1082;
	[sflag:s4] =	ssyncset.s32 $0xFFFFF086  }
0x25: {  	[simem:s6], [sflag:s4] =	dma.local [hbm:s3], $0xF7A  }
0x26: {  	[smem:$0x3F99] =	sst s1;
	(tag) =	ssettag s2;
	_ =	strace s9  }
0x27: {  	s1 =	sld [smem:$0x3FA9]  }
0x28: {  	s2 =	sld [smem:$0x3FAA]  }
0x29: {  	s4 =	sld [smem:$0x3FAC]  }
0x2a: {  	p0 =	seq.s32 s5, $0x0;
	s5 =	sld [smem:$0x3FAD]  }
0x2b: {  	s6 =	sld [smem:$0x3FAE]  }
0x2c: {  	s7 =	sld [smem:$0x3FAF]  }
0x2d: {  	s3 =	simm.s32 $0x108;
	s8 =	sld [smem:$0x3FB0]  }
0x2e: {  	s3 =	simm.s32 @!p0 $0x1082;
	s9 =	sld [smem:$0x3FB1]  }
0x2f: {  	lr =	sadd.s32 s0, s3;
	s0 =	sld [smem:$0x3FA8]  }
0x30: {  	s3 =	sld [smem:$0x3FAB]  }
0x31: {  	[smem:$0x3FB4] =	sst s10  }
0x32: {  	s10 =	sld [smem:$0x3FB2];
	_ =	sdelay $0x3  }
0x33: {  	p0 =	seq.s32 s10, $0x1;
	s10 =	sld [smem:$0x3FB4];
	_ =	sdelay $0x3  }
0x34: {  	[smem:$0x3FB4] =	sst s10  }
0x35: {  	s10 =	sld [smem:$0x3FB3];
	_ =	sdelay $0x3  }
0x36: {  	p1 =	seq.s32 s10, $0x1;
	s10 =	sld [smem:$0x3FB4];
	_ =	sdelay $0x3  }
0x37: {  	[smem:$0x3FB4] =	sst s10  }
0x38: {  	s10 =	sld [smem:$0x3FB5]  }
0x39: {  	_ = 	snop;
	(pc) =	sbr.ind lr, $3  }
0x3a: {  	_ = 	snop  }
0x3b: {  	_ = 	snop  }
0x3c: {  	p2 =	seq.s32 s10, $0x1;
	s10 =	sld [smem:$0x3FB4]  }
0x3d: {  	_ =	shalt  }
0x3e: {  	_ =	shalt  }
0x3f: {  	_ =	shalt  }
0x40: {  	_ =	shalt  }
0x41: {  	_ =	shalt  }
0x42: {  	_ =	shalt  }
0x43: {  	_ =	shalt  }
0x44: {  	_ =	shalt  }
0x45: {  	_ =	shalt  }
0x46: {  	_ =	shalt  }
0x47: {  	_ =	shalt  }
0x48: {  	_ =	shalt  }
0x49: {  	_ =	shalt  }
0x4a: {  	_ =	shalt  }
0x4b: {  	_ =	shalt  }
0x4c: {  	_ =	shalt  }
0x4d: {  	_ =	shalt  }
0x4e: {  	_ =	shalt  }
0x4f: {  	_ =	shalt  }
0x50: {  	_ =	shalt  }
0x51: {  	_ =	shalt  }
0x52: {  	_ =	shalt  }
0x53: {  	_ =	shalt  }
0x54: {  	_ =	shalt  }
0x55: {  	_ =	shalt  }
0x56: {  	_ =	shalt  }
0x57: {  	_ =	shalt  }
0x58: {  	_ =	shalt  }
0x59: {  	_ =	shalt  }
0x5a: {  	_ =	shalt  }
0x5b: {  	_ =	shalt  }
0x5c: {  	_ =	shalt  }
0x5d: {  	_ =	shalt  }
0x5e: {  	_ =	shalt  }
0x5f: {  	_ =	shalt  }
0x60: {  	_ =	shalt  }
0x61: {  	_ =	shalt  }
0x62: {  	_ =	shalt  }
0x63: {  	_ =	shalt  }
0x64: {  	_ =	shalt  }
0x65: {  	_ =	shalt  }
0x66: {  	_ =	shalt  }
0x67: {  	_ =	shalt  }
0x68: {  	_ =	shalt  }
0x69: {  	_ =	shalt  }
0x6a: {  	_ =	shalt  }
0x6b: {  	_ =	shalt  }
0x6c: {  	_ =	shalt  }
0x6d: {  	_ =	shalt  }
0x6e: {  	_ =	shalt  }
0x6f: {  	_ =	shalt  }
0x70: {  	_ =	shalt  }
0x71: {  	_ =	shalt  }
0x72: {  	_ =	shalt  }
0x73: {  	_ =	shalt  }
0x74: {  	_ =	shalt  }
0x75: {  	_ =	shalt  }
0x76: {  	_ =	shalt  }
0x77: {  	_ =	shalt  }
0x78: {  	_ =	shalt  }
0x79: {  	_ =	shalt  }
0x7a: {  	_ =	shalt  }
0x7b: {  	_ =	shalt  }
0x7c: {  	_ =	shalt  }
0x7d: {  	_ =	shalt  }
0x7e: {  	_ =	shalt  }
0x7f: {  	_ =	shalt  }
0x80: {  	_ =	shalt  }
0x81: {  	_ =	shalt  }
0x82: {  	_ =	shalt  }
0x83: {  	_ =	shalt  }
0x84: {  	_ =	shalt  }
0x85: {  	_ =	shalt  }
0x86: {  	_ =	shalt  }
0x87: {  	_ =	shalt  }
.Lfunc_end0:
.L_simem_size_0:
called_computation.1_lowered:
.L_overlay_start_0:
0x88: {  	s2 =	sld [smem:$0x3FD9]  }
0x89: {  	s3 =	sld [smem:$0x3FFE];
	_ =	sdelay $0x1  }
0x8a: {  	s1 =	srdreg.scid  }
0x8b: {  	s0 =	sand.u32 $0x1, s1  }
0x8c: {  	s16 =	sshll.u32 s0, $0xA;
	s2 =	sadd.s32 s3, s2  }
0x8d: {  	s2 =	sadd.s32 s2, s16  }
0x8e: {  	[smem:$0x3FC0] =	sst s2  }
0x8f: {  	_ = 	snop  }
0x90: {  	(tm) =	ssettm $0x1  }
0x91: {  	s17 =	sld [smem:$0x3FFB];
	_ =	sdelay $0x3  }
0x92: {  	_ =	strace s17  }
0x93: {  	s2 =	sld [smem:$0x3FFC];
	_ =	sdelay $0x3  }
0x94: {  	_ =	strace s2  }
0x95: {  	s2 =	sld [smem:$0x3FFD];
	_ =	sdelay $0x3  }
0x96: {  	_ =	strace s2  }
0x97: {  	_ =	strace $0x8FFFFFFF  }
0x98: {  	s18 =	sld [smem:$0x3FDB];
	_ =	sdelay $0x1  }
0x99: {  	s19 =	simm.s32 $_scs_section_size  }
0x9a: {  	s4 =	simm.s32 $_size__tile_overlayer_lowered;
	s5 =	simm.s32 $_tile_overlayer_lowered  }
0x9b: {  	s22 =	simm.s32 $0x1BFF;
	s21 =	sshll.u32 s5, $0x1;
	s2 =	sadd.s32 s19, s18  }
0x9c: {  	s6 =	simm.s32 $0x0;
	s20 =	sshll.u32 s4, $0x1;
	s4 =	sadd.s32 s21, s2  }
0x9d: {  	[timem:s6], [sflag:s22] =	dma.local [hbm:s4], s20  }
0x9e: {  	_ =	swait.ge [sflag:s22], s20  }
0x9f: {  	s3 =	ssub.s32 $0x0, s20;
	[sflag:s22] =	ssyncset.done $0x0  }
0xa0: {  	[sflag:s22] =	ssyncadd.s32 s3;
	_ =	sdelay $0x1  }
0xa1: {  	s23 =	simm.s32 $0x1B8B  }
0xa2: {  	_ =	swait.ge [sflag:s23], $0x1  }
0xa3: {  	[sflag:s23] =	ssyncset.done $0x0  }
0xa4: {  	s25 =	simm.s32 $0x1B8E;
	s24 =	sld [smem:$0x3FFE];
	[sflag:s23] =	ssyncadd.s32 $0xFFFFFFFF  }
0xa5: {  	s26 =	simm.s32 $execute0_lowered;
	[smem:$0x3FD2] =	sst s25  }
0xa6: {  	s4 =	sshll.u32 s26, $0x1;
	_ =	strace $0x80000049;
	[dreg:$0x1] =	wrdreg $0xFFFFFFFF  }
0xa7: {  	s28 =	simm.s32 $_size_execute0_lowered;
	s2 =	sadd.s32 s2, s4;
	[dreg:$0x0] =	wrdreg $0x0  }
0xa8: {  	s4 =	sshll.u32 s28, $0x1;
	[dreg:$0x2] =	wrdreg s2  }
0xa9: {  	[dreg:$0x3] =	wrdreg s4  }
0xaa: {  	[dreg:$0x4] =	wrdreg $0xC0  }
0xab: {  	_ =	task [dreg:s6], $0x5FFFF  }
0xac: {  	[dreg:$0x1] =	wrdreg $0xFFFFFFFF  }
0xad: {  	[dreg:$0x0] =	wrdreg $0x60  }
0xae: {  	[dreg:$0x2] =	wrdreg s24  }
0xaf: {  	[dreg:$0x3] =	wrdreg $0x0  }
0xb0: {  	[dreg:$0x4] =	wrdreg $0x9  }
0xb1: {  	_ =	task.clear_ibuf [dreg:s6], $0x5FFFF;
	_ =	strace $0x90000049  }
0xb2: {  	s29 =	simm.s32 $0x9;
	_ =	strace $0x8000004B  }
0xb3: {  	_ =	swait.ge [sflag:s29], $0x1  }
0xb4: {  	[sflag:s29] =	ssyncadd.s32 $0xFFFFFFFF  }
0xb5: {  	_ =	strace $0x9000004B  }
0xb6: {  	_ =	sfence  }
0xb7: {  	s30 =	sld [smem:$0x0];
	_ =	sdelay $0x2  }
0xb8: {  	s31 =	sshll.u32 s1, $0xD;
	s1 =	sshrl.u32 s1, $0x2  }
0xb9: {  	s3 =	sand.u32 $0x4000, s31;
	s1 =	sadd.s32 s1, s30  }
0xba: {  	s0 =	sor.u32 s3, s0;
	s1 =	sshll.u32 s1, $0x11  }
0xbb: {  	s0 =	sor.u32 s1, s0  }
0xbc: {  	s0 =	sadd.s32 $0x8F2B, s0  }
0xbd: {  	[sflag:s0] =	ssyncadd.remote.s32 $0x1  }
0xbe: {  	_ =	sfence.sel $0xFFFF  }
0xbf: {  	[dreg:$0x0] =	wrdreg $0xFFFFFFFF;
	(pc) =	sbr.abs _section_cstart, $3  }
0xc0: {  	[dreg:$0x1] =	wrdreg $0xFFFFFFFF  }
0xc1: {  	_ =	task.clear_ibuf [dreg:s6], $0x2FFFF;
	_ =	strace $0x9FFFFFFF  }
0xc2: {  	(tm) =	ssettm $0x7FFFFFFF  }
0xc3: {  	_ =	shalt  }
tec
execute0_lowered:
.L_overlay_start_1:
0x0: {  	(tag) =	ssettag $0x1  }
0x1: {  	s0 =	rddreg [dreg:$0x0]  }
0x2: {  	s1 =	rddreg [dreg:$0x1];
	s2 =	simm.s32 $0x0;
	s3 =	srdreg.scid  }
0x3: {  	s14 =	stileid.u32;
	s16 =	simm.s32 $0x13900;
	s17 =	simm.s32 $0x5  }
0x4: {  	s18 =	simm.s32 $0x14D00;
	s19 =	simm.s32 $0x40;
	s20 =	simm.s32 $0x16100  }
0x5: {  	s21 =	simm.s32 $0x13980;
	s22 =	simm.s32 $0x18100;
	s28 =	simm.s32 $0x2  }
0x6: {  	s29 =	simm.s32 $0x3;
	s30 =	simm.s32 $0x4;
	s31 =	simm.s32 $0x15F00  }
0x7: {  	[smem:$0x7FF] =	sst s2;
	s4 =	sadd.s32 $0x69800, s0;
	s7 =	smul.u32 $0x4F000, s14  }
0x8: {  	s5 =	sadd.s32 $0x5F800, s0;
	s3 =	sand.u32 $0x1, s3;
	s11 =	smul.u32 $0x2780, s14  }
0x9: {  	s6 =	sadd.s32 $0x55800, s0;
	s0 =	sadd.s32 $0xB7A00, s0;
	s24 =	smul.u32 $0x13C00, s14  }
0xa: {  	s12 =	sadd.s32 $0x128400, s1;
	p0 =	seq.s32 s14, $0xF;
	s9 =	smul.u32 $0x27100, s3  }
0xb: {  	_ =	strace $0x8000004A;
	s8 =	ssub.s32 $0x2, s3;
	s23 =	smul.u32 $0x138800, s3  }
0xc: {  	s3 =	smul.u32 $0x2710, s3;
	s12 =	sshrl.u32 @p0 s12, $0x3;
	s10 =	sshrl.u32 s8, $0x1  }
0xd: {  	s7 =	sshrl.u32 s7, $0x2;
	[dreg:$0x8] =	wrdreg s12;
	s8 =	ssub.s32 s8, s10  }
0xe: {  	s7 =	sadd.s32 s7, s1;
	s9 =	sadd.s32 s11, s9;
	s25 =	sshrl.u32 s23, $0x3  }
0xf: {  	s10 =	sadd.s32 s24, s23;
	s23 =	simm.s32 $0x13A00;
	s24 =	simm.s32 $0x1A100  }
0x10: {  	v0 =	vmov s3;
	s3 =	simm.s32 $0x15F80;
	s9 =	sadd.s32 s4, s9;
	s13 =	sadd.s32 $0x25080, s25  }
0x11: {  	s10 =	sshrl.u32 s10, $0x3;
	s26 =	smax.u32 s8, $0x1;
	[dreg:$0x3] =	wrdreg s9  }
0x12: {  	s25 =	simm.s32 $0x1;
	s9 =	sadd.s32 s4, s13;
	[dreg:$0x7] =	wrdreg s26  }
0x13: {  	s8 =	simm.s32 $0x16080;
	s10 =	sadd.s32 s0, s10;
	[dreg:$0x4] =	wrdreg s9  }
0x14: {  	s0 =	sadd.s32 s0, s13;
	s9 =	smul.u32 $0x5000, s14;
	[dreg:$0x5] =	wrdreg s10  }
0x15: {  	[dreg:$0x6] =	wrdreg s0;
	s0 =	sshll.u32 @!p0 s14, $0x6;
	s14 =	sshrl.u32 @!p0 s7, $0x3  }
0x16: {  	s26 =	simm.s32 $0x1C100;
	s13 =	sor.u32 @!p0 $0x1C05, s0;
	[dreg:$0xa] =	wrdreg s14  }
0x17: {  	s7 =	simm.s32 $0x16000;
	s0 =	simm.s32 $0x14C80;
	[dreg:$0x9] =	wrdreg s13  }
.LBB2_1:
0x18: {  	s10 =	simm.s32 @p0 $0x1FC5;
	s11 =	rddreg [dreg:$0x4]  }
0x19: {  	[spmem:s12], [sflag:s10] =	dma.local @p0 [hbm:s11], $0x2080  }
0x1a: {  	s10 =	simm.s32 @p0 $0x5  }
0x1b: {  	_ =	swait.ge @p0 [sflag:s10], $0x2080  }
0x1c: {  	[sflag:s10] =	ssyncset.done @p0 $0x0  }
0x1d: {  	[sflag:s10] =	ssyncadd.s32 @p0 $0xFFFFDF80;
	s10 =	rddreg [dreg:$0x3]  }
0x1e: {  	[spmem:s14], [sflag:s13] =	dma.local @!p0 [hbm:s10], $0x2780  }
0x1f: {  	s10 =	simm.s32 @!p0 $0x5  }
0x20: {  	_ =	swait.ge @!p0 [sflag:s10], $0x2780  }
0x21: {  	[sflag:s10] =	ssyncset.done @!p0 $0x0  }
0x22: {  	[sflag:s10] =	ssyncadd.s32 @!p0 $0xFFFFD880  }
0x23: {  	s10 =	simm.s32 $0x0;
	[bflag:$0x0] =	sbarrier.arrive $0xFFFF  }
.LBB2_2:
0x24: {  	s11 =	smul.u32 $0x1400, s10;
	_ =	sdelay $0x1  }
0x25: {  	s11 =	sadd.s32 s9, s11  }
0x26: {  	s11 =	sshrl.u32 s11, $0x3  }
0x27: {  	s13 =	simm.s32 $0x0;
	s12 =	sadd.s32 s5, s11  }
0x28: {  	[tilespmem:s16], [sflag:$0x5] =	stream.linear.gather [hbm4b:s12+s13], $0x1400, $0x38;
	[tilespmem:$0x1E100] =	vst v63  }
0x29: {  	_ =	swait.ge [sflag:s17], $0x1400  }
0x2a: {  	[sflag:s17] =	ssyncset.done $0x0  }
0x2b: {  	s11 =	sadd.s32 s6, s11;
	[sflag:s17] =	ssyncadd.s32 $0xFFFFEC00  }
0x2c: {  	[tilespmem:s18], [sflag:$0x5] =	stream.linear.gather [hbm4b:s11+s13], $0x1400, $0x38;
	[tilespmem:$0x1E100] =	vst v63  }
0x2d: {  	s12 =	sand.u32 $0x7E00, s13;
	_ =	swait.ge [sflag:s17], $0x1400  }
0x2e: {  	s14 =	sand.u32 $0x30, s13;
	s11 =	sshrl.u32 s12, $0x2;
	[sflag:s17] =	ssyncset.done $0x0  }
0x2f: {  	s11 =	sor.u32 s14, s11;
	[sflag:s17] =	ssyncadd.s32 $0xFFFFEC00  }
0x30: {  	v1 =	vld [tilespmem:s11+$0x13900];
	_ =	sdelay $0x2  }
0x31: {  	s15 =	simm.s32 $0x80  }
0x32: {  	s13 =	simm.s32 $0x100;
	s12 =	simm.s32 $0x10;
	s14 =	sand.u32 $0x7E00, s15  }
.LBB2_3:
0x33: {  	p1 =	sne.s32 s13, $0x4F80;
	s15 =	sand.u32 $0x30, s12;
	s14 =	sshrl.u32 s14, $0x2;
	v1 =	vadd.s32 v0, v1  }
0x34: {  	[tilespmem:s11+$0x13900] =	vst v1;
	s11 =	sor.u32 s15, s14  }
.Ltmp0:
0x35: {  	v1 =	vld [tilespmem:s11+$0x13900];
	(pc) =	sbr.rel @p1 .LBB2_3-.Ltmp0, $2  }
0x36: {  	_ =	sdelay $0x2  }
0x37: {  	s12 =	sadd.s32 $0x10, s12;
	s14 =	sand.u32 $0x7E00, s13;
	s13 =	sadd.s32 $0x80, s13  }
0x38: {  	s12 =	sand.u32 $0x30, s12;
	s13 =	sshrl.u32 s14, $0x2;
	v1 =	vadd.s32 v0, v1  }
0x39: {  	s12 =	sor.u32 s12, s13;
	[tilespmem:s11+$0x13900] =	vst v1  }
0x3a: {  	v1 =	vld [tilespmem:s12+$0x13900];
	_ =	sdelay $0x4  }
0x3b: {  	v1 =	vadd.s32 v0, v1  }
0x3c: {  	[tilespmem:s12+$0x13900] =	vst v1  }
0x3d: {  	[tilespmem:s20], [sflag:$0x1] =	stream.indirect.gather [hbm4b:s4+s19], $0x80, s16, s19, $0xb8;
	[tilespmem:$0x1E100] =	vst v63  }
0x3e: {  	_ = 	snop  }
0x3f: {  	[tilespmem:s22], [sflag:$0x2] =	stream.indirect.gather [hbm4b:s4+s19], $0x80, s21, s19, $0xb8;
	[tilespmem:$0x1E100] =	vst v63  }
0x40: {  	_ = 	snop  }
0x41: {  	[tilespmem:s24], [sflag:$0x3] =	stream.indirect.gather [hbm4b:s4+s19], $0x80, s23, s19, $0xb8;
	[tilespmem:$0x1E100] =	vst v63  }
0x42: {  	_ =	swait.ge [sflag:s25], $0x2000  }
0x43: {  	[sflag:s25] =	ssyncset.done $0x0  }
0x44: {  	s13 =	simm.s32 $0x14D00;
	[sflag:s25] =	ssyncadd.s32 $0xFFFFE000  }
0x45: {  	[spmem:s1] =	stream.indirect.scatter.add.f32 [tilespmem:s20], [sflag:$0x5], $0x80, s13, s19, $0xb8;
	[tilespmem:$0x1E100] =	vst v63  }
0x46: {  	_ =	swait.ge [sflag:s17], $0x2000  }
0x47: {  	[sflag:s17] =	ssyncset.done $0x0  }
0x48: {  	s14 =	simm.s32 $0x13A80;
	[sflag:s17] =	ssyncadd.s32 $0xFFFFE000  }
0x49: {  	[tilespmem:s26], [sflag:$0x4] =	stream.indirect.gather [hbm4b:s4+s19], $0x80, s14, s19, $0xb8;
	[tilespmem:$0x1E100] =	vst v63  }
0x4a: {  	_ =	swait.ge [sflag:s28], $0x2000  }
0x4b: {  	[sflag:s28] =	ssyncset.done $0x0  }
0x4c: {  	s15 =	simm.s32 $0x14D80;
	[sflag:s28] =	ssyncadd.s32 $0xFFFFE000  }
0x4d: {  	[spmem:s1] =	stream.indirect.scatter.add.f32 [tilespmem:s22], [sflag:$0x5], $0x80, s15, s19, $0xb8;
	[tilespmem:$0x1E100] =	vst v63  }
0x4e: {  	_ =	swait.ge [sflag:s17], $0x2000  }
0x4f: {  	[sflag:s17] =	ssyncset.done $0x0  }
0x50: {  	s12 =	simm.s32 $0x13B00;
	[sflag:s17] =	ssyncadd.s32 $0xFFFFE000  }
0x51: {  	[tilespmem:s20], [sflag:$0x1] =	stream.indirect.gather [hbm4b:s4+s19], $0x80, s12, s19, $0xb8;
	[tilespmem:$0x1E100] =	vst v63  }
0x52: {  	_ =	swait.ge [sflag:s29], $0x2000  }
0x53: {  	[sflag:s29] =	ssyncset.done $0x0  }
0x54: {  	s13 =	simm.s32 $0x14E00;
	[sflag:s29] =	ssyncadd.s32 $0xFFFFE000  }
0x55: {  	[spmem:s1] =	stream.indirect.scatter.add.f32 [tilespmem:s24], [sflag:$0x5], $0x80, s13, s19, $0xb8;
	[tilespmem:$0x1E100] =	vst v63  }
0x56: {  	_ =	swait.ge [sflag:s17], $0x2000  }
0x57: {  	[sflag:s17] =	ssyncset.done $0x0  }
0x58: {  	s14 =	simm.s32 $0x13B80;
	[sflag:s17] =	ssyncadd.s32 $0xFFFFE000  }
0x59: {  	[tilespmem:s22], [sflag:$0x2] =	stream.indirect.gather [hbm4b:s4+s19], $0x80, s14, s19, $0xb8;
	[tilespmem:$0x1E100] =	vst v63  }
0x5a: {  	_ =	swait.ge [sflag:s30], $0x2000  }
0x5b: {  	[sflag:s30] =	ssyncset.done $0x0  }
0x5c: {  	s15 =	simm.s32 $0x14E80;
	[sflag:s30] =	ssyncadd.s32 $0xFFFFE000  }
0x5d: {  	[spmem:s1] =	stream.indirect.scatter.add.f32 [tilespmem:s26], [sflag:$0x5], $0x80, s15, s19, $0xb8;
	[tilespmem:$0x1E100] =	vst v63  }
0x5e: {  	_ =	swait.ge [sflag:s17], $0x2000  }
0x5f: {  	[sflag:s17] =	ssyncset.done $0x0  }
0x60: {  	s11 =	simm.s32 $0x800;
	s12 =	simm.s32 $0x13C00;
	[sflag:s17] =	ssyncadd.s32 $0xFFFFE000  }
.LBB2_5:
0x61: {  	[tilespmem:s24], [sflag:$0x3] =	stream.indirect.gather [hbm4b:s4+s19], $0x80, s12, s19, $0xb8;
	[tilespmem:$0x1E100] =	vst v63  }
0x62: {  	s12 =	smov.u32 s11  }
0x63: {  	p1 =	sne.s32 s11, $0x4000;
	s11 =	sadd.s32 $0x800, s11;
	_ =	swait.ge [sflag:s25], $0x2000  }
0x64: {  	s12 =	sshra.s32 s12, $0x2;
	[sflag:s25] =	ssyncset.done $0x0  }
0x65: {  	s13 =	sadd.s32 $0x14D00, s12;
	[sflag:s25] =	ssyncadd.s32 $0xFFFFE000  }
0x66: {  	[spmem:s1] =	stream.indirect.scatter.add.f32 [tilespmem:s20], [sflag:$0x5], $0x80, s13, s19, $0xb8;
	[tilespmem:$0x1E100] =	vst v63  }
0x67: {  	_ =	swait.ge [sflag:s17], $0x2000  }
0x68: {  	[sflag:s17] =	ssyncset.done $0x0  }
0x69: {  	s13 =	sadd.s32 $0x13A80, s12;
	[sflag:s17] =	ssyncadd.s32 $0xFFFFE000  }
0x6a: {  	[tilespmem:s26], [sflag:$0x4] =	stream.indirect.gather [hbm4b:s4+s19], $0x80, s13, s19, $0xb8;
	[tilespmem:$0x1E100] =	vst v63  }
0x6b: {  	_ =	swait.ge [sflag:s28], $0x2000  }
0x6c: {  	[sflag:s28] =	ssyncset.done $0x0  }
0x6d: {  	s13 =	sadd.s32 $0x14D80, s12;
	[sflag:s28] =	ssyncadd.s32 $0xFFFFE000  }
0x6e: {  	[spmem:s1] =	stream.indirect.scatter.add.f32 [tilespmem:s22], [sflag:$0x5], $0x80, s13, s19, $0xb8;
	[tilespmem:$0x1E100] =	vst v63  }
0x6f: {  	_ =	swait.ge [sflag:s17], $0x2000  }
0x70: {  	[sflag:s17] =	ssyncset.done $0x0  }
0x71: {  	s13 =	sadd.s32 $0x13B00, s12;
	[sflag:s17] =	ssyncadd.s32 $0xFFFFE000  }
0x72: {  	[tilespmem:s20], [sflag:$0x1] =	stream.indirect.gather [hbm4b:s4+s19], $0x80, s13, s19, $0xb8;
	[tilespmem:$0x1E100] =	vst v63  }
0x73: {  	_ =	swait.ge [sflag:s29], $0x2000  }
0x74: {  	[sflag:s29] =	ssyncset.done $0x0  }
0x75: {  	s13 =	sadd.s32 $0x14E00, s12;
	[sflag:s29] =	ssyncadd.s32 $0xFFFFE000  }
0x76: {  	[spmem:s1] =	stream.indirect.scatter.add.f32 [tilespmem:s24], [sflag:$0x5], $0x80, s13, s19, $0xb8;
	[tilespmem:$0x1E100] =	vst v63  }
0x77: {  	_ =	swait.ge [sflag:s17], $0x2000  }
0x78: {  	[sflag:s17] =	ssyncset.done $0x0  }
0x79: {  	s13 =	sadd.s32 $0x13B80, s12;
	[sflag:s17] =	ssyncadd.s32 $0xFFFFE000  }
0x7a: {  	[tilespmem:s22], [sflag:$0x2] =	stream.indirect.gather [hbm4b:s4+s19], $0x80, s13, s19, $0xb8;
	[tilespmem:$0x1E100] =	vst v63  }
0x7b: {  	_ =	swait.ge [sflag:s30], $0x2000  }
0x7c: {  	[sflag:s30] =	ssyncset.done $0x0  }
.Ltmp1:
0x7d: {  	s13 =	sadd.s32 $0x14E80, s12;
	[sflag:s30] =	ssyncadd.s32 $0xFFFFE000;
	(pc) =	sbr.rel @p1 .LBB2_5-.Ltmp1, $4  }
0x7e: {  	[spmem:s1] =	stream.indirect.scatter.add.f32 [tilespmem:s26], [sflag:$0x5], $0x80, s13, s19, $0xb8;
	[tilespmem:$0x1E100] =	vst v63  }
0x7f: {  	_ =	swait.ge [sflag:s17], $0x2000  }
0x80: {  	[sflag:s17] =	ssyncset.done $0x0  }
0x81: {  	s12 =	sadd.s32 $0x13C00, s12;
	[sflag:s17] =	ssyncadd.s32 $0xFFFFE000  }
0x82: {  	[tilespmem:s24], [sflag:$0x3] =	stream.indirect.gather [hbm4b:s4+s19], $0x80, s12, s19, $0xb8;
	[tilespmem:$0x1E100] =	vst v63  }
0x83: {  	_ =	swait.ge [sflag:s25], $0x2000  }
0x84: {  	[sflag:s25] =	ssyncset.done $0x0  }
0x85: {  	[sflag:s25] =	ssyncadd.s32 $0xFFFFE000  }
0x86: {  	[spmem:s1] =	stream.indirect.scatter.add.f32 [tilespmem:s20], [sflag:$0x5], $0x80, s31, s19, $0xb8;
	[tilespmem:$0x1E100] =	vst v63  }
0x87: {  	_ =	swait.ge [sflag:s17], $0x2000  }
0x88: {  	[sflag:s17] =	ssyncset.done $0x0  }
0x89: {  	[sflag:s17] =	ssyncadd.s32 $0xFFFFE000  }
0x8a: {  	[tilespmem:s26], [sflag:$0x4] =	stream.indirect.gather [hbm4b:s4+s19], $0x80, s0, s19, $0xb8;
	[tilespmem:$0x1E100] =	vst v63  }
0x8b: {  	_ =	swait.ge [sflag:s28], $0x2000  }
0x8c: {  	[sflag:s28] =	ssyncset.done $0x0  }
0x8d: {  	[sflag:s28] =	ssyncadd.s32 $0xFFFFE000  }
0x8e: {  	[spmem:s1] =	stream.indirect.scatter.add.f32 [tilespmem:s22], [sflag:$0x5], $0x80, s3, s19, $0xb8;
	[tilespmem:$0x1E100] =	vst v63  }
0x8f: {  	_ =	swait.ge [sflag:s17], $0x2000  }
0x90: {  	[sflag:s17] =	ssyncset.done $0x0  }
0x91: {  	[sflag:s17] =	ssyncadd.s32 $0xFFFFE000  }
0x92: {  	_ =	swait.ge [sflag:s29], $0x2000  }
0x93: {  	[sflag:s29] =	ssyncset.done $0x0  }
0x94: {  	[sflag:s29] =	ssyncadd.s32 $0xFFFFE000  }
0x95: {  	[spmem:s1] =	stream.indirect.scatter.add.f32 [tilespmem:s24], [sflag:$0x5], $0x80, s7, s19, $0xb8;
	[tilespmem:$0x1E100] =	vst v63  }
0x96: {  	_ =	swait.ge [sflag:s17], $0x2000  }
0x97: {  	[sflag:s17] =	ssyncset.done $0x0  }
0x98: {  	[sflag:s17] =	ssyncadd.s32 $0xFFFFE000  }
0x99: {  	s10 =	sadd.s32 $0x1, s10;
	_ =	swait.ge [sflag:s30], $0x2000  }
0x9a: {  	p1 =	sne.s32 s10, $0x4;
	[sflag:s30] =	ssyncset.done $0x0  }
.Ltmp2:
0x9b: {  	[sflag:s30] =	ssyncadd.s32 $0xFFFFE000;
	(pc) =	sbr.rel @p1 .LBB2_2-.Ltmp2, $4  }
0x9c: {  	[spmem:s1] =	stream.indirect.scatter.add.f32 [tilespmem:s26], [sflag:$0x5], $0x80, s8, s19, $0xb8;
	[tilespmem:$0x1E100] =	vst v63  }
0x9d: {  	_ =	swait.ge [sflag:s17], $0x2000  }
0x9e: {  	[sflag:s17] =	ssyncset.done $0x0  }
0x9f: {  	[sflag:s17] =	ssyncadd.s32 $0xFFFFE000  }
0xa0: {  	[bflag:$0x0] =	sbarrier.arrive $0xFFFF  }
0xa1: {  	s11 =	rddreg [dreg:$0x6]  }
0xa2: {  	s10 =	simm.s32 @p0 $0x1FC5;
	s12 =	rddreg [dreg:$0x8]  }
0xa3: {  	[hbm:s11], [sflag:s10] =	dma.local @p0 [spmem:s12], $0x2080  }
0xa4: {  	s10 =	simm.s32 @p0 $0x5  }
0xa5: {  	_ =	swait.ge @p0 [sflag:s10], $0x2080  }
0xa6: {  	s13 =	rddreg [dreg:$0x9]  }
0xa7: {  	[sflag:s10] =	ssyncset.done @p0 $0x0;
	s14 =	rddreg [dreg:$0xa]  }
0xa8: {  	[sflag:s10] =	ssyncadd.s32 @p0 $0xFFFFDF80;
	s10 =	rddreg [dreg:$0x5]  }
0xa9: {  	[hbm:s10], [sflag:s13] =	dma.local @!p0 [spmem:s14], $0x2780  }
0xaa: {  	s10 =	simm.s32 @!p0 $0x5  }
0xab: {  	_ =	swait.ge @!p0 [sflag:s10], $0x2780  }
0xac: {  	s2 =	sadd.s32 $0x1, s2;
	s15 =	rddreg [dreg:$0x7]  }
0xad: {  	p1 =	sne.s32 s2, s15  }
.Ltmp3:
0xae: {  	_ = 	snop;
	(pc) =	sbr.rel @p1 .LBB2_1-.Ltmp3, $3  }
0xaf: {  	_ =	sdelay $0x1  }
0xb0: {  	[sflag:s10] =	ssyncset.done @!p0 $0x0  }
0xb1: {  	[sflag:s10] =	ssyncadd.s32 @!p0 $0xFFFFD880  }
0xb2: {  	_ =	sfence.sel $0x180000  }
0xb3: {  	[bflag:$0x0] =	sbarrier.arrive $0xFFFF  }
0xb4: {  	_ =	strace $0x9000004A  }
0xb5: {  	s0 =	stileid.u32;
	[bflag:$0x2] =	sbarrier.arrive $0xFFFF  }
0xb6: {  	p0 =	sne.s32 s0, $0x0;
	s0 =	rddreg [dreg:$0x2]  }
0xb7: {  	s0 =	sadd.s32 @!p0 $0x100000, s0  }
0xb8: {  	[sflag:s0] =	ssyncadd.tile.s32 @!p0 $0x1;
	_ =	shalt  }
.Lfunc_end2:
_tile_overlayer_lowered:
.L_overlay_start_2:
0xb9: {  	(tag) =	ssettag $0x2  }
0xba: {  	s0 =	rddreg [dreg:$0x0];
	s2 =	stileid.u32  }
0xbb: {  	s1 =	rddreg [dreg:$0x1];
	p0 =	sne.s32 s2, $0x0  }
0xbc: {  	s3 =	rddreg [dreg:$0x2];
	[bflag:$0x3] =	sbarrier.arrive $0xFFFF;
	s2 =	simm.s32 @!p0 $0x1C05  }
0xbd: {  	[timem:s3], [sflag:s2] =	dma.local @!p0 [hbm:s0], s1  }
0xbe: {  	s0 =	simm.s32 @!p0 $0x5  }
0xbf: {  	_ =	swait.ge @!p0 [sflag:s0], s1  }
0xc0: {  	s1 =	ssub.s32 @!p0 $0x0, s1;
	[sflag:s0] =	ssyncset.done @!p0 $0x0  }
0xc1: {  	[sflag:s0] =	ssyncadd.s32 @!p0 s1  }
0xc2: {  	[bflag:$0x3] =	sbarrier.arrive $0xFFFF  }
0xc3: {  	_ =	shalt  }

// kernel: kernel.14.cloned.1.call-start
scs
__scs_entry_jumppad:
0x0: {  	(pc) =	sbr.rel $0x88, $3  }
0x1: {  	(tag) =	ssettag $0x0;
	lr =	simm.s32 $0x1  }
0x2: {  	[smem:$0x3F99] =	sst lr;
	_ =	strace $0xD0000000  }
0x3: {  	_ = 	snop  }
0x4: {  	_ = 	snop  }
0x5: {  	_ = 	snop  }
0x6: {  	_ = 	snop  }
0x7: {  	_ = 	snop  }
__scs_overlays_trampoline_lowered:
0x8: {  	[smem:$0x3FA8] =	sst s0  }
0x9: {  	[smem:$0x3FA9] =	sst s1  }
0xa: {  	[smem:$0x3FAA] =	sst s2  }
0xb: {  	[smem:$0x3FAB] =	sst s3  }
0xc: {  	[smem:$0x3FAC] =	sst s4  }
0xd: {  	[smem:$0x3FAD] =	sst s5  }
0xe: {  	[smem:$0x3FAE] =	sst s6  }
0xf: {  	[smem:$0x3FAF] =	sst s7  }
0x10: {  	[smem:$0x3FB0] =	sst s8  }
0x11: {  	[smem:$0x3FB1] =	sst s9;
	s0 =	simm.s32 @!p0 $0x0  }
0x12: {  	s1 =	sld [smem:$0x3F97];
	s0 =	simm.s32 @p0 $0x1  }
0x13: {  	[smem:$0x3FB2] =	sst s0;
	s0 =	simm.s32 @!p1 $0x0  }
0x14: {  	s2 =	sld [smem:$0x3F96];
	s0 =	simm.s32 @p1 $0x1  }
0x15: {  	[smem:$0x3FB3] =	sst s0;
	s0 =	simm.s32 @!p2 $0x0  }
0x16: {  	s3 =	sld [smem:$0x3FDB];
	s0 =	simm.s32 @p2 $0x1  }
0x17: {  	s4 =	simm.s32 $0x1BF5;
	[smem:$0x3FB5] =	sst s0  }
0x18: {  	s0 =	sld [smem:$0x3F98];
	_ =	swait.ge [sflag:s4], $0x0  }
0x19: {  	s7 =	sld [smem:$0x3F99]  }
0x1a: {  	s8 =	sadd.s32 $0xFFFFE003, lr  }
0x1b: {  	s9 =	sadd.s32 $0xFFFFFEF7, lr;
	s5 =	simm.s32 $0xFFFFFFFF;
	p2 =	slt.u32 s8, $0xFFFFF086  }
0x1c: {  	p1 =	slt.u32 s9, $0xF7A;
	s5 =	simm.s32 @!p2 $0x0  }
0x1d: {  	s5 =	simm.s32 @p1 $0x1;
	p0 =	seq.s32 s7, s2  }
0x1e: {  	s7 =	smul.u32 @!p0 $0xF7A, s2;
	p2 =	seq.s32 @!p0 s5, $0x0  }
0x1f: {  	s9 =	smul.u32 $0xF7A, s1;
	s8 =	simm.s32 @!p0 $0x1BF5;
	p2 =	por !p2, p0  }
0x20: {  	[sflag:s8] =	ssyncset.s32 @!p0 $0xFFFFF086;
	s6 =	sadd.s32 @!p0 s3, s7;
	s7 =	simm.s32 @!p0 $0x108  }
0x21: {  	s3 =	sadd.s32 s3, s9;
	s6 =	sadd.s32 @!p0 $0x88, s6;
	s7 =	simm.s32 @p2 $0x1082  }
0x22: {  	[simem:s7], [sflag:s8] =	dma.local @!p0 [hbm:s6], $0xF7A  }
0x23: {  	s9 =	sor.u32 $0xD0000000, s2;
	s6 =	simm.s32 $0x108;
	_ =	swait.ge @!p0 [sflag:s8], $0x0  }
0x24: {  	s3 =	sadd.s32 $0x88, s3;
	s6 =	simm.s32 @!p1 $0x1082;
	[sflag:s4] =	ssyncset.s32 $0xFFFFF086  }
0x25: {  	[simem:s6], [sflag:s4] =	dma.local [hbm:s3], $0xF7A  }
0x26: {  	[smem:$0x3F99] =	sst s1;
	(tag) =	ssettag s2;
	_ =	strace s9  }
0x27: {  	s1 =	sld [smem:$0x3FA9]  }
0x28: {  	s2 =	sld [smem:$0x3FAA]  }
0x29: {  	s4 =	sld [smem:$0x3FAC]  }
0x2a: {  	p0 =	seq.s32 s5, $0x0;
	s5 =	sld [smem:$0x3FAD]  }
0x2b: {  	s6 =	sld [smem:$0x3FAE]  }
0x2c: {  	s7 =	sld [smem:$0x3FAF]  }
0x2d: {  	s3 =	simm.s32 $0x108;
	s8 =	sld [smem:$0x3FB0]  }
0x2e: {  	s3 =	simm.s32 @!p0 $0x1082;
	s9 =	sld [smem:$0x3FB1]  }
0x2f: {  	lr =	sadd.s32 s0, s3;
	s0 =	sld [smem:$0x3FA8]  }
0x30: {  	s3 =	sld [smem:$0x3FAB]  }
0x31: {  	[smem:$0x3FB4] =	sst s10  }
0x32: {  	s10 =	sld [smem:$0x3FB2];
	_ =	sdelay $0x3  }
0x33: {  	p0 =	seq.s32 s10, $0x1;
	s10 =	sld [smem:$0x3FB4];
	_ =	sdelay $0x3  }
0x34: {  	[smem:$0x3FB4] =	sst s10  }
0x35: {  	s10 =	sld [smem:$0x3FB3];
	_ =	sdelay $0x3  }
0x36: {  	p1 =	seq.s32 s10, $0x1;
	s10 =	sld [smem:$0x3FB4];
	_ =	sdelay $0x3  }
0x37: {  	[smem:$0x3FB4] =	sst s10  }
0x38: {  	s10 =	sld [smem:$0x3FB5]  }
0x39: {  	_ = 	snop;
	(pc) =	sbr.ind lr, $3  }
0x3a: {  	_ = 	snop  }
0x3b: {  	_ = 	snop  }
0x3c: {  	p2 =	seq.s32 s10, $0x1;
	s10 =	sld [smem:$0x3FB4]  }
0x3d: {  	_ =	shalt  }
0x3e: {  	_ =	shalt  }
0x3f: {  	_ =	shalt  }
0x40: {  	_ =	shalt  }
0x41: {  	_ =	shalt  }
0x42: {  	_ =	shalt  }
0x43: {  	_ =	shalt  }
0x44: {  	_ =	shalt  }
0x45: {  	_ =	shalt  }
0x46: {  	_ =	shalt  }
0x47: {  	_ =	shalt  }
0x48: {  	_ =	shalt  }
0x49: {  	_ =	shalt  }
0x4a: {  	_ =	shalt  }
0x4b: {  	_ =	shalt  }
0x4c: {  	_ =	shalt  }
0x4d: {  	_ =	shalt  }
0x4e: {  	_ =	shalt  }
0x4f: {  	_ =	shalt  }
0x50: {  	_ =	shalt  }
0x51: {  	_ =	shalt  }
0x52: {  	_ =	shalt  }
0x53: {  	_ =	shalt  }
0x54: {  	_ =	shalt  }
0x55: {  	_ =	shalt  }
0x56: {  	_ =	shalt  }
0x57: {  	_ =	shalt  }
0x58: {  	_ =	shalt  }
0x59: {  	_ =	shalt  }
0x5a: {  	_ =	shalt  }
0x5b: {  	_ =	shalt  }
0x5c: {  	_ =	shalt  }
0x5d: {  	_ =	shalt  }
0x5e: {  	_ =	shalt  }
0x5f: {  	_ =	shalt  }
0x60: {  	_ =	shalt  }
0x61: {  	_ =	shalt  }
0x62: {  	_ =	shalt  }
0x63: {  	_ =	shalt  }
0x64: {  	_ =	shalt  }
0x65: {  	_ =	shalt  }
0x66: {  	_ =	shalt  }
0x67: {  	_ =	shalt  }
0x68: {  	_ =	shalt  }
0x69: {  	_ =	shalt  }
0x6a: {  	_ =	shalt  }
0x6b: {  	_ =	shalt  }
0x6c: {  	_ =	shalt  }
0x6d: {  	_ =	shalt  }
0x6e: {  	_ =	shalt  }
0x6f: {  	_ =	shalt  }
0x70: {  	_ =	shalt  }
0x71: {  	_ =	shalt  }
0x72: {  	_ =	shalt  }
0x73: {  	_ =	shalt  }
0x74: {  	_ =	shalt  }
0x75: {  	_ =	shalt  }
0x76: {  	_ =	shalt  }
0x77: {  	_ =	shalt  }
0x78: {  	_ =	shalt  }
0x79: {  	_ =	shalt  }
0x7a: {  	_ =	shalt  }
0x7b: {  	_ =	shalt  }
0x7c: {  	_ =	shalt  }
0x7d: {  	_ =	shalt  }
0x7e: {  	_ =	shalt  }
0x7f: {  	_ =	shalt  }
0x80: {  	_ =	shalt  }
0x81: {  	_ =	shalt  }
0x82: {  	_ =	shalt  }
0x83: {  	_ =	shalt  }
0x84: {  	_ =	shalt  }
0x85: {  	_ =	shalt  }
0x86: {  	_ =	shalt  }
0x87: {  	_ =	shalt  }
.Lfunc_end0:
.L_simem_size_0:
called_computation.2_lowered:
.L_overlay_start_0:
0x88: {  	s2 =	sld [smem:$0x3FD9]  }
0x89: {  	s3 =	sld [smem:$0x3FFE];
	_ =	sdelay $0x1  }
0x8a: {  	s1 =	srdreg.scid  }
0x8b: {  	s0 =	sand.u32 $0x1, s1  }
0x8c: {  	s16 =	sshll.u32 s0, $0xA;
	s2 =	sadd.s32 s3, s2  }
0x8d: {  	s2 =	sadd.s32 s2, s16  }
0x8e: {  	[smem:$0x3FC0] =	sst s2  }
0x8f: {  	_ = 	snop  }
0x90: {  	(tm) =	ssettm $0x1  }
0x91: {  	s17 =	sld [smem:$0x3FFB];
	_ =	sdelay $0x3  }
0x92: {  	_ =	strace s17  }
0x93: {  	s2 =	sld [smem:$0x3FFC];
	_ =	sdelay $0x3  }
0x94: {  	_ =	strace s2  }
0x95: {  	s2 =	sld [smem:$0x3FFD];
	_ =	sdelay $0x3  }
0x96: {  	_ =	strace s2  }
0x97: {  	_ =	strace $0x8FFFFFFF  }
0x98: {  	s18 =	sld [smem:$0x3FDB];
	_ =	sdelay $0x1  }
0x99: {  	s19 =	simm.s32 $_scs_section_size  }
0x9a: {  	s4 =	simm.s32 $_size__tile_overlayer_lowered;
	s5 =	simm.s32 $_tile_overlayer_lowered  }
0x9b: {  	s22 =	simm.s32 $0x1BFF;
	s21 =	sshll.u32 s5, $0x1;
	s2 =	sadd.s32 s19, s18  }
0x9c: {  	s6 =	simm.s32 $0x0;
	s20 =	sshll.u32 s4, $0x1;
	s4 =	sadd.s32 s21, s2  }
0x9d: {  	[timem:s6], [sflag:s22] =	dma.local [hbm:s4], s20  }
0x9e: {  	_ =	swait.ge [sflag:s22], s20  }
0x9f: {  	s3 =	ssub.s32 $0x0, s20;
	[sflag:s22] =	ssyncset.done $0x0  }
0xa0: {  	[sflag:s22] =	ssyncadd.s32 s3;
	_ =	sdelay $0x1  }
0xa1: {  	s23 =	simm.s32 $0x1B8B  }
0xa2: {  	_ =	swait.ge [sflag:s23], $0x1  }
0xa3: {  	[sflag:s23] =	ssyncset.done $0x0  }
0xa4: {  	s25 =	simm.s32 $0x1B8E;
	s24 =	sld [smem:$0x3FFE];
	[sflag:s23] =	ssyncadd.s32 $0xFFFFFFFF  }
0xa5: {  	s26 =	simm.s32 $execute0_lowered;
	[smem:$0x3FD2] =	sst s25  }
0xa6: {  	s4 =	sshll.u32 s26, $0x1;
	_ =	strace $0x8000004C;
	[dreg:$0x1] =	wrdreg $0xFFFFFFFF  }
0xa7: {  	s28 =	simm.s32 $_size_execute0_lowered;
	s2 =	sadd.s32 s2, s4;
	[dreg:$0x0] =	wrdreg $0x0  }
0xa8: {  	s4 =	sshll.u32 s28, $0x1;
	[dreg:$0x2] =	wrdreg s2  }
0xa9: {  	[dreg:$0x3] =	wrdreg s4  }
0xaa: {  	[dreg:$0x4] =	wrdreg $0xC0  }
0xab: {  	_ =	task [dreg:s6], $0x5FFFF  }
0xac: {  	[dreg:$0x1] =	wrdreg $0xFFFFFFFF  }
0xad: {  	[dreg:$0x0] =	wrdreg $0x60  }
0xae: {  	[dreg:$0x2] =	wrdreg s24  }
0xaf: {  	[dreg:$0x3] =	wrdreg $0x0  }
0xb0: {  	[dreg:$0x4] =	wrdreg $0x9  }
0xb1: {  	_ =	task.clear_ibuf [dreg:s6], $0x5FFFF;
	_ =	strace $0x9000004C  }
0xb2: {  	s29 =	simm.s32 $0x9;
	_ =	strace $0x8000004E  }
0xb3: {  	_ =	swait.ge [sflag:s29], $0x1  }
0xb4: {  	[sflag:s29] =	ssyncadd.s32 $0xFFFFFFFF  }
0xb5: {  	_ =	strace $0x9000004E  }
0xb6: {  	_ =	sfence  }
0xb7: {  	s30 =	sld [smem:$0x0];
	_ =	sdelay $0x2  }
0xb8: {  	s31 =	sshll.u32 s1, $0xD;
	s1 =	sshrl.u32 s1, $0x2  }
0xb9: {  	s3 =	sand.u32 $0x4000, s31;
	s1 =	sadd.s32 s1, s30  }
0xba: {  	s0 =	sor.u32 s3, s0;
	s1 =	sshll.u32 s1, $0x11  }
0xbb: {  	s0 =	sor.u32 s1, s0  }
0xbc: {  	s0 =	sadd.s32 $0x8F2B, s0  }
0xbd: {  	[sflag:s0] =	ssyncadd.remote.s32 $0x1  }
0xbe: {  	_ =	sfence.sel $0xFFFF  }
0xbf: {  	[dreg:$0x0] =	wrdreg $0xFFFFFFFF;
	(pc) =	sbr.abs _section_cstart, $3  }
0xc0: {  	[dreg:$0x1] =	wrdreg $0xFFFFFFFF  }
0xc1: {  	_ =	task.clear_ibuf [dreg:s6], $0x2FFFF;
	_ =	strace $0x9FFFFFFF  }
0xc2: {  	(tm) =	ssettm $0x7FFFFFFF  }
0xc3: {  	_ =	shalt  }
tec
execute0_lowered:
.L_overlay_start_1:
0x0: {  	(tag) =	ssettag $0x1  }
0x1: {  	s0 =	rddreg [dreg:$0x0]  }
0x2: {  	s1 =	rddreg [dreg:$0x1];
	s2 =	simm.s32 $0x0;
	s3 =	srdreg.scid  }
0x3: {  	s14 =	stileid.u32;
	s16 =	simm.s32 $0x13900;
	s17 =	simm.s32 $0x5  }
0x4: {  	s18 =	simm.s32 $0x14D00;
	s19 =	simm.s32 $0x40;
	s20 =	simm.s32 $0x16100  }
0x5: {  	s21 =	simm.s32 $0x13980;
	s22 =	simm.s32 $0x18100;
	s28 =	simm.s32 $0x2  }
0x6: {  	s29 =	simm.s32 $0x3;
	s30 =	simm.s32 $0x4;
	s31 =	simm.s32 $0x15F00  }
0x7: {  	[smem:$0x7FF] =	sst s2;
	s4 =	sadd.s32 $0x69800, s0;
	s7 =	smul.u32 $0x4F000, s14  }
0x8: {  	s5 =	sadd.s32 $0x5F800, s0;
	s3 =	sand.u32 $0x1, s3;
	s11 =	smul.u32 $0x2780, s14  }
0x9: {  	s6 =	sadd.s32 $0x55800, s0;
	s0 =	sadd.s32 $0xB7A00, s0;
	s24 =	smul.u32 $0x13C00, s14  }
0xa: {  	s12 =	sadd.s32 $0x128400, s1;
	p0 =	seq.s32 s14, $0xF;
	s9 =	smul.u32 $0x27100, s3  }
0xb: {  	_ =	strace $0x8000004D;
	s8 =	ssub.s32 $0x2, s3;
	s23 =	smul.u32 $0x138800, s3  }
0xc: {  	s3 =	smul.u32 $0x2710, s3;
	s12 =	sshrl.u32 @p0 s12, $0x3;
	s10 =	sshrl.u32 s8, $0x1  }
0xd: {  	s7 =	sshrl.u32 s7, $0x2;
	[dreg:$0x8] =	wrdreg s12;
	s8 =	ssub.s32 s8, s10  }
0xe: {  	s7 =	sadd.s32 s7, s1;
	s9 =	sadd.s32 s11, s9;
	s25 =	sshrl.u32 s23, $0x3  }
0xf: {  	s10 =	sadd.s32 s24, s23;
	s23 =	simm.s32 $0x13A00;
	s24 =	simm.s32 $0x1A100  }
0x10: {  	v0 =	vmov s3;
	s3 =	simm.s32 $0x15F80;
	s9 =	sadd.s32 s4, s9;
	s13 =	sadd.s32 $0x25080, s25  }
0x11: {  	s10 =	sshrl.u32 s10, $0x3;
	s26 =	smax.u32 s8, $0x1;
	[dreg:$0x3] =	wrdreg s9  }
0x12: {  	s25 =	simm.s32 $0x1;
	s9 =	sadd.s32 s4, s13;
	[dreg:$0x7] =	wrdreg s26  }
0x13: {  	s8 =	simm.s32 $0x16080;
	s10 =	sadd.s32 s0, s10;
	[dreg:$0x4] =	wrdreg s9  }
0x14: {  	s0 =	sadd.s32 s0, s13;
	s9 =	smul.u32 $0x5000, s14;
	[dreg:$0x5] =	wrdreg s10  }
0x15: {  	[dreg:$0x6] =	wrdreg s0;
	s0 =	sshll.u32 @!p0 s14, $0x6;
	s14 =	sshrl.u32 @!p0 s7, $0x3  }
0x16: {  	s26 =	simm.s32 $0x1C100;
	s13 =	sor.u32 @!p0 $0x1C05, s0;
	[dreg:$0xa] =	wrdreg s14  }
0x17: {  	s7 =	simm.s32 $0x16000;
	s0 =	simm.s32 $0x14C80;
	[dreg:$0x9] =	wrdreg s13  }
.LBB2_1:
0x18: {  	s10 =	simm.s32 @p0 $0x1FC5;
	s11 =	rddreg [dreg:$0x4]  }
0x19: {  	[spmem:s12], [sflag:s10] =	dma.local @p0 [hbm:s11], $0x2080  }
0x1a: {  	s10 =	simm.s32 @p0 $0x5  }
0x1b: {  	_ =	swait.ge @p0 [sflag:s10], $0x2080  }
0x1c: {  	[sflag:s10] =	ssyncset.done @p0 $0x0  }
0x1d: {  	[sflag:s10] =	ssyncadd.s32 @p0 $0xFFFFDF80;
	s10 =	rddreg [dreg:$0x3]  }
0x1e: {  	[spmem:s14], [sflag:s13] =	dma.local @!p0 [hbm:s10], $0x2780  }
0x1f: {  	s10 =	simm.s32 @!p0 $0x5  }
0x20: {  	_ =	swait.ge @!p0 [sflag:s10], $0x2780  }
0x21: {  	[sflag:s10] =	ssyncset.done @!p0 $0x0  }
0x22: {  	[sflag:s10] =	ssyncadd.s32 @!p0 $0xFFFFD880  }
0x23: {  	s10 =	simm.s32 $0x0;
	[bflag:$0x0] =	sbarrier.arrive $0xFFFF  }
.LBB2_2:
0x24: {  	s11 =	smul.u32 $0x1400, s10;
	_ =	sdelay $0x1  }
0x25: {  	s11 =	sadd.s32 s9, s11  }
0x26: {  	s11 =	sshrl.u32 s11, $0x3  }
0x27: {  	s13 =	simm.s32 $0x0;
	s12 =	sadd.s32 s5, s11  }
0x28: {  	[tilespmem:s16], [sflag:$0x5] =	stream.linear.gather [hbm4b:s12+s13], $0x1400, $0x38;
	[tilespmem:$0x1E100] =	vst v63  }
0x29: {  	_ =	swait.ge [sflag:s17], $0x1400  }
0x2a: {  	[sflag:s17] =	ssyncset.done $0x0  }
0x2b: {  	s11 =	sadd.s32 s6, s11;
	[sflag:s17] =	ssyncadd.s32 $0xFFFFEC00  }
0x2c: {  	[tilespmem:s18], [sflag:$0x5] =	stream.linear.gather [hbm4b:s11+s13], $0x1400, $0x38;
	[tilespmem:$0x1E100] =	vst v63  }
0x2d: {  	s12 =	sand.u32 $0x7E00, s13;
	_ =	swait.ge [sflag:s17], $0x1400  }
0x2e: {  	s14 =	sand.u32 $0x30, s13;
	s11 =	sshrl.u32 s12, $0x2;
	[sflag:s17] =	ssyncset.done $0x0  }
0x2f: {  	s11 =	sor.u32 s14, s11;
	[sflag:s17] =	ssyncadd.s32 $0xFFFFEC00  }
0x30: {  	v1 =	vld [tilespmem:s11+$0x13900];
	_ =	sdelay $0x2  }
0x31: {  	s15 =	simm.s32 $0x80  }
0x32: {  	s13 =	simm.s32 $0x100;
	s12 =	simm.s32 $0x10;
	s14 =	sand.u32 $0x7E00, s15  }
.LBB2_3:
0x33: {  	p1 =	sne.s32 s13, $0x4F80;
	s15 =	sand.u32 $0x30, s12;
	s14 =	sshrl.u32 s14, $0x2;
	v1 =	vadd.s32 v0, v1  }
0x34: {  	[tilespmem:s11+$0x13900] =	vst v1;
	s11 =	sor.u32 s15, s14  }
.Ltmp0:
0x35: {  	v1 =	vld [tilespmem:s11+$0x13900];
	(pc) =	sbr.rel @p1 .LBB2_3-.Ltmp0, $2  }
0x36: {  	_ =	sdelay $0x2  }
0x37: {  	s12 =	sadd.s32 $0x10, s12;
	s14 =	sand.u32 $0x7E00, s13;
	s13 =	sadd.s32 $0x80, s13  }
0x38: {  	s12 =	sand.u32 $0x30, s12;
	s13 =	sshrl.u32 s14, $0x2;
	v1 =	vadd.s32 v0, v1  }
0x39: {  	s12 =	sor.u32 s12, s13;
	[tilespmem:s11+$0x13900] =	vst v1  }
0x3a: {  	v1 =	vld [tilespmem:s12+$0x13900];
	_ =	sdelay $0x4  }
0x3b: {  	v1 =	vadd.s32 v0, v1  }
0x3c: {  	[tilespmem:s12+$0x13900] =	vst v1  }
0x3d: {  	[tilespmem:s20], [sflag:$0x1] =	stream.indirect.gather [hbm4b:s4+s19], $0x80, s16, s19, $0xb8;
	[tilespmem:$0x1E100] =	vst v63  }
0x3e: {  	_ = 	snop  }
0x3f: {  	[tilespmem:s22], [sflag:$0x2] =	stream.indirect.gather [hbm4b:s4+s19], $0x80, s21, s19, $0xb8;
	[tilespmem:$0x1E100] =	vst v63  }
0x40: {  	_ = 	snop  }
0x41: {  	[tilespmem:s24], [sflag:$0x3] =	stream.indirect.gather [hbm4b:s4+s19], $0x80, s23, s19, $0xb8;
	[tilespmem:$0x1E100] =	vst v63  }
0x42: {  	_ =	swait.ge [sflag:s25], $0x2000  }
0x43: {  	[sflag:s25] =	ssyncset.done $0x0  }
0x44: {  	s13 =	simm.s32 $0x14D00;
	[sflag:s25] =	ssyncadd.s32 $0xFFFFE000  }
0x45: {  	[spmem:s1] =	stream.indirect.scatter.add.f32 [tilespmem:s20], [sflag:$0x5], $0x80, s13, s19, $0xb8;
	[tilespmem:$0x1E100] =	vst v63  }
0x46: {  	_ =	swait.ge [sflag:s17], $0x2000  }
0x47: {  	[sflag:s17] =	ssyncset.done $0x0  }
0x48: {  	s14 =	simm.s32 $0x13A80;
	[sflag:s17] =	ssyncadd.s32 $0xFFFFE000  }
0x49: {  	[tilespmem:s26], [sflag:$0x4] =	stream.indirect.gather [hbm4b:s4+s19], $0x80, s14, s19, $0xb8;
	[tilespmem:$0x1E100] =	vst v63  }
0x4a: {  	_ =	swait.ge [sflag:s28], $0x2000  }
0x4b: {  	[sflag:s28] =	ssyncset.done $0x0  }
0x4c: {  	s15 =	simm.s32 $0x14D80;
	[sflag:s28] =	ssyncadd.s32 $0xFFFFE000  }
0x4d: {  	[spmem:s1] =	stream.indirect.scatter.add.f32 [tilespmem:s22], [sflag:$0x5], $0x80, s15, s19, $0xb8;
	[tilespmem:$0x1E100] =	vst v63  }
0x4e: {  	_ =	swait.ge [sflag:s17], $0x2000  }
0x4f: {  	[sflag:s17] =	ssyncset.done $0x0  }
0x50: {  	s12 =	simm.s32 $0x13B00;
	[sflag:s17] =	ssyncadd.s32 $0xFFFFE000  }
0x51: {  	[tilespmem:s20], [sflag:$0x1] =	stream.indirect.gather [hbm4b:s4+s19], $0x80, s12, s19, $0xb8;
	[tilespmem:$0x1E100] =	vst v63  }
0x52: {  	_ =	swait.ge [sflag:s29], $0x2000  }
0x53: {  	[sflag:s29] =	ssyncset.done $0x0  }
0x54: {  	s13 =	simm.s32 $0x14E00;
	[sflag:s29] =	ssyncadd.s32 $0xFFFFE000  }
0x55: {  	[spmem:s1] =	stream.indirect.scatter.add.f32 [tilespmem:s24], [sflag:$0x5], $0x80, s13, s19, $0xb8;
	[tilespmem:$0x1E100] =	vst v63  }
0x56: {  	_ =	swait.ge [sflag:s17], $0x2000  }
0x57: {  	[sflag:s17] =	ssyncset.done $0x0  }
0x58: {  	s14 =	simm.s32 $0x13B80;
	[sflag:s17] =	ssyncadd.s32 $0xFFFFE000  }
0x59: {  	[tilespmem:s22], [sflag:$0x2] =	stream.indirect.gather [hbm4b:s4+s19], $0x80, s14, s19, $0xb8;
	[tilespmem:$0x1E100] =	vst v63  }
0x5a: {  	_ =	swait.ge [sflag:s30], $0x2000  }
0x5b: {  	[sflag:s30] =	ssyncset.done $0x0  }
0x5c: {  	s15 =	simm.s32 $0x14E80;
	[sflag:s30] =	ssyncadd.s32 $0xFFFFE000  }
0x5d: {  	[spmem:s1] =	stream.indirect.scatter.add.f32 [tilespmem:s26], [sflag:$0x5], $0x80, s15, s19, $0xb8;
	[tilespmem:$0x1E100] =	vst v63  }
0x5e: {  	_ =	swait.ge [sflag:s17], $0x2000  }
0x5f: {  	[sflag:s17] =	ssyncset.done $0x0  }
0x60: {  	s11 =	simm.s32 $0x800;
	s12 =	simm.s32 $0x13C00;
	[sflag:s17] =	ssyncadd.s32 $0xFFFFE000  }
.LBB2_5:
0x61: {  	[tilespmem:s24], [sflag:$0x3] =	stream.indirect.gather [hbm4b:s4+s19], $0x80, s12, s19, $0xb8;
	[tilespmem:$0x1E100] =	vst v63  }
0x62: {  	s12 =	smov.u32 s11  }
0x63: {  	p1 =	sne.s32 s11, $0x4000;
	s11 =	sadd.s32 $0x800, s11;
	_ =	swait.ge [sflag:s25], $0x2000  }
0x64: {  	s12 =	sshra.s32 s12, $0x2;
	[sflag:s25] =	ssyncset.done $0x0  }
0x65: {  	s13 =	sadd.s32 $0x14D00, s12;
	[sflag:s25] =	ssyncadd.s32 $0xFFFFE000  }
0x66: {  	[spmem:s1] =	stream.indirect.scatter.add.f32 [tilespmem:s20], [sflag:$0x5], $0x80, s13, s19, $0xb8;
	[tilespmem:$0x1E100] =	vst v63  }
0x67: {  	_ =	swait.ge [sflag:s17], $0x2000  }
0x68: {  	[sflag:s17] =	ssyncset.done $0x0  }
0x69: {  	s13 =	sadd.s32 $0x13A80, s12;
	[sflag:s17] =	ssyncadd.s32 $0xFFFFE000  }
0x6a: {  	[tilespmem:s26], [sflag:$0x4] =	stream.indirect.gather [hbm4b:s4+s19], $0x80, s13, s19, $0xb8;
	[tilespmem:$0x1E100] =	vst v63  }
0x6b: {  	_ =	swait.ge [sflag:s28], $0x2000  }
0x6c: {  	[sflag:s28] =	ssyncset.done $0x0  }
0x6d: {  	s13 =	sadd.s32 $0x14D80, s12;
	[sflag:s28] =	ssyncadd.s32 $0xFFFFE000  }
0x6e: {  	[spmem:s1] =	stream.indirect.scatter.add.f32 [tilespmem:s22], [sflag:$0x5], $0x80, s13, s19, $0xb8;
	[tilespmem:$0x1E100] =	vst v63  }
0x6f: {  	_ =	swait.ge [sflag:s17], $0x2000  }
0x70: {  	[sflag:s17] =	ssyncset.done $0x0  }
0x71: {  	s13 =	sadd.s32 $0x13B00, s12;
	[sflag:s17] =	ssyncadd.s32 $0xFFFFE000  }
0x72: {  	[tilespmem:s20], [sflag:$0x1] =	stream.indirect.gather [hbm4b:s4+s19], $0x80, s13, s19, $0xb8;
	[tilespmem:$0x1E100] =	vst v63  }
0x73: {  	_ =	swait.ge [sflag:s29], $0x2000  }
0x74: {  	[sflag:s29] =	ssyncset.done $0x0  }
0x75: {  	s13 =	sadd.s32 $0x14E00, s12;
	[sflag:s29] =	ssyncadd.s32 $0xFFFFE000  }
0x76: {  	[spmem:s1] =	stream.indirect.scatter.add.f32 [tilespmem:s24], [sflag:$0x5], $0x80, s13, s19, $0xb8;
	[tilespmem:$0x1E100] =	vst v63  }
0x77: {  	_ =	swait.ge [sflag:s17], $0x2000  }
0x78: {  	[sflag:s17] =	ssyncset.done $0x0  }
0x79: {  	s13 =	sadd.s32 $0x13B80, s12;
	[sflag:s17] =	ssyncadd.s32 $0xFFFFE000  }
0x7a: {  	[tilespmem:s22], [sflag:$0x2] =	stream.indirect.gather [hbm4b:s4+s19], $0x80, s13, s19, $0xb8;
	[tilespmem:$0x1E100] =	vst v63  }
0x7b: {  	_ =	swait.ge [sflag:s30], $0x2000  }
0x7c: {  	[sflag:s30] =	ssyncset.done $0x0  }
.Ltmp1:
0x7d: {  	s13 =	sadd.s32 $0x14E80, s12;
	[sflag:s30] =	ssyncadd.s32 $0xFFFFE000;
	(pc) =	sbr.rel @p1 .LBB2_5-.Ltmp1, $4  }
0x7e: {  	[spmem:s1] =	stream.indirect.scatter.add.f32 [tilespmem:s26], [sflag:$0x5], $0x80, s13, s19, $0xb8;
	[tilespmem:$0x1E100] =	vst v63  }
0x7f: {  	_ =	swait.ge [sflag:s17], $0x2000  }
0x80: {  	[sflag:s17] =	ssyncset.done $0x0  }
0x81: {  	s12 =	sadd.s32 $0x13C00, s12;
	[sflag:s17] =	ssyncadd.s32 $0xFFFFE000  }
0x82: {  	[tilespmem:s24], [sflag:$0x3] =	stream.indirect.gather [hbm4b:s4+s19], $0x80, s12, s19, $0xb8;
	[tilespmem:$0x1E100] =	vst v63  }
0x83: {  	_ =	swait.ge [sflag:s25], $0x2000  }
0x84: {  	[sflag:s25] =	ssyncset.done $0x0  }
0x85: {  	[sflag:s25] =	ssyncadd.s32 $0xFFFFE000  }
0x86: {  	[spmem:s1] =	stream.indirect.scatter.add.f32 [tilespmem:s20], [sflag:$0x5], $0x80, s31, s19, $0xb8;
	[tilespmem:$0x1E100] =	vst v63  }
0x87: {  	_ =	swait.ge [sflag:s17], $0x2000  }
0x88: {  	[sflag:s17] =	ssyncset.done $0x0  }
0x89: {  	[sflag:s17] =	ssyncadd.s32 $0xFFFFE000  }
0x8a: {  	[tilespmem:s26], [sflag:$0x4] =	stream.indirect.gather [hbm4b:s4+s19], $0x80, s0, s19, $0xb8;
	[tilespmem:$0x1E100] =	vst v63  }
0x8b: {  	_ =	swait.ge [sflag:s28], $0x2000  }
0x8c: {  	[sflag:s28] =	ssyncset.done $0x0  }
0x8d: {  	[sflag:s28] =	ssyncadd.s32 $0xFFFFE000  }
0x8e: {  	[spmem:s1] =	stream.indirect.scatter.add.f32 [tilespmem:s22], [sflag:$0x5], $0x80, s3, s19, $0xb8;
	[tilespmem:$0x1E100] =	vst v63  }
0x8f: {  	_ =	swait.ge [sflag:s17], $0x2000  }
0x90: {  	[sflag:s17] =	ssyncset.done $0x0  }
0x91: {  	[sflag:s17] =	ssyncadd.s32 $0xFFFFE000  }
0x92: {  	_ =	swait.ge [sflag:s29], $0x2000  }
0x93: {  	[sflag:s29] =	ssyncset.done $0x0  }
0x94: {  	[sflag:s29] =	ssyncadd.s32 $0xFFFFE000  }
0x95: {  	[spmem:s1] =	stream.indirect.scatter.add.f32 [tilespmem:s24], [sflag:$0x5], $0x80, s7, s19, $0xb8;
	[tilespmem:$0x1E100] =	vst v63  }
0x96: {  	_ =	swait.ge [sflag:s17], $0x2000  }
0x97: {  	[sflag:s17] =	ssyncset.done $0x0  }
0x98: {  	[sflag:s17] =	ssyncadd.s32 $0xFFFFE000  }
0x99: {  	s10 =	sadd.s32 $0x1, s10;
	_ =	swait.ge [sflag:s30], $0x2000  }
0x9a: {  	p1 =	sne.s32 s10, $0x4;
	[sflag:s30] =	ssyncset.done $0x0  }
.Ltmp2:
0x9b: {  	[sflag:s30] =	ssyncadd.s32 $0xFFFFE000;
	(pc) =	sbr.rel @p1 .LBB2_2-.Ltmp2, $4  }
0x9c: {  	[spmem:s1] =	stream.indirect.scatter.add.f32 [tilespmem:s26], [sflag:$0x5], $0x80, s8, s19, $0xb8;
	[tilespmem:$0x1E100] =	vst v63  }
0x9d: {  	_ =	swait.ge [sflag:s17], $0x2000  }
0x9e: {  	[sflag:s17] =	ssyncset.done $0x0  }
0x9f: {  	[sflag:s17] =	ssyncadd.s32 $0xFFFFE000  }
0xa0: {  	[bflag:$0x0] =	sbarrier.arrive $0xFFFF  }
0xa1: {  	s11 =	rddreg [dreg:$0x6]  }
0xa2: {  	s10 =	simm.s32 @p0 $0x1FC5;
	s12 =	rddreg [dreg:$0x8]  }
0xa3: {  	[hbm:s11], [sflag:s10] =	dma.local @p0 [spmem:s12], $0x2080  }
0xa4: {  	s10 =	simm.s32 @p0 $0x5  }
0xa5: {  	_ =	swait.ge @p0 [sflag:s10], $0x2080  }
0xa6: {  	s13 =	rddreg [dreg:$0x9]  }
0xa7: {  	[sflag:s10] =	ssyncset.done @p0 $0x0;
	s14 =	rddreg [dreg:$0xa]  }
0xa8: {  	[sflag:s10] =	ssyncadd.s32 @p0 $0xFFFFDF80;
	s10 =	rddreg [dreg:$0x5]  }
0xa9: {  	[hbm:s10], [sflag:s13] =	dma.local @!p0 [spmem:s14], $0x2780  }
0xaa: {  	s10 =	simm.s32 @!p0 $0x5  }
0xab: {  	_ =	swait.ge @!p0 [sflag:s10], $0x2780  }
0xac: {  	s2 =	sadd.s32 $0x1, s2;
	s15 =	rddreg [dreg:$0x7]  }
0xad: {  	p1 =	sne.s32 s2, s15  }
.Ltmp3:
0xae: {  	_ = 	snop;
	(pc) =	sbr.rel @p1 .LBB2_1-.Ltmp3, $3  }
0xaf: {  	_ =	sdelay $0x1  }
0xb0: {  	[sflag:s10] =	ssyncset.done @!p0 $0x0  }
0xb1: {  	[sflag:s10] =	ssyncadd.s32 @!p0 $0xFFFFD880  }
0xb2: {  	_ =	sfence.sel $0x180000  }
0xb3: {  	[bflag:$0x0] =	sbarrier.arrive $0xFFFF  }
0xb4: {  	_ =	strace $0x9000004D  }
0xb5: {  	s0 =	stileid.u32;
	[bflag:$0x2] =	sbarrier.arrive $0xFFFF  }
0xb6: {  	p0 =	sne.s32 s0, $0x0;
	s0 =	rddreg [dreg:$0x2]  }
0xb7: {  	s0 =	sadd.s32 @!p0 $0x100000, s0  }
0xb8: {  	[sflag:s0] =	ssyncadd.tile.s32 @!p0 $0x1;
	_ =	shalt  }
.Lfunc_end2:
_tile_overlayer_lowered:
.L_overlay_start_2:
0xb9: {  	(tag) =	ssettag $0x2  }
0xba: {  	s0 =	rddreg [dreg:$0x0];
	s2 =	stileid.u32  }
0xbb: {  	s1 =	rddreg [dreg:$0x1];
	p0 =	sne.s32 s2, $0x0  }
0xbc: {  	s3 =	rddreg [dreg:$0x2];
	[bflag:$0x3] =	sbarrier.arrive $0xFFFF;
	s2 =	simm.s32 @!p0 $0x1C05  }
0xbd: {  	[timem:s3], [sflag:s2] =	dma.local @!p0 [hbm:s0], s1  }
0xbe: {  	s0 =	simm.s32 @!p0 $0x5  }
0xbf: {  	_ =	swait.ge @!p0 [sflag:s0], s1  }
0xc0: {  	s1 =	ssub.s32 @!p0 $0x0, s1;
	[sflag:s0] =	ssyncset.done @!p0 $0x0  }
0xc1: {  	[sflag:s0] =	ssyncadd.s32 @!p0 s1  }
0xc2: {  	[bflag:$0x3] =	sbarrier.arrive $0xFFFF  }
0xc3: {  	_ =	shalt  }

// kernel: kernel.8.cloned.1.call-start
scs
__scs_entry_jumppad:
0x0: {  	(pc) =	sbr.rel $0x88, $3  }
0x1: {  	(tag) =	ssettag $0x0;
	lr =	simm.s32 $0x1  }
0x2: {  	[smem:$0x3F99] =	sst lr;
	_ =	strace $0xD0000000  }
0x3: {  	_ = 	snop  }
0x4: {  	_ = 	snop  }
0x5: {  	_ = 	snop  }
0x6: {  	_ = 	snop  }
0x7: {  	_ = 	snop  }
__scs_overlays_trampoline_lowered:
0x8: {  	[smem:$0x3FA8] =	sst s0  }
0x9: {  	[smem:$0x3FA9] =	sst s1  }
0xa: {  	[smem:$0x3FAA] =	sst s2  }
0xb: {  	[smem:$0x3FAB] =	sst s3  }
0xc: {  	[smem:$0x3FAC] =	sst s4  }
0xd: {  	[smem:$0x3FAD] =	sst s5  }
0xe: {  	[smem:$0x3FAE] =	sst s6  }
0xf: {  	[smem:$0x3FAF] =	sst s7  }
0x10: {  	[smem:$0x3FB0] =	sst s8  }
0x11: {  	[smem:$0x3FB1] =	sst s9;
	s0 =	simm.s32 @!p0 $0x0  }
0x12: {  	s1 =	sld [smem:$0x3F97];
	s0 =	simm.s32 @p0 $0x1  }
0x13: {  	[smem:$0x3FB2] =	sst s0;
	s0 =	simm.s32 @!p1 $0x0  }
0x14: {  	s2 =	sld [smem:$0x3F96];
	s0 =	simm.s32 @p1 $0x1  }
0x15: {  	[smem:$0x3FB3] =	sst s0;
	s0 =	simm.s32 @!p2 $0x0  }
0x16: {  	s3 =	sld [smem:$0x3FDB];
	s0 =	simm.s32 @p2 $0x1  }
0x17: {  	s4 =	simm.s32 $0x1BF5;
	[smem:$0x3FB5] =	sst s0  }
0x18: {  	s0 =	sld [smem:$0x3F98];
	_ =	swait.ge [sflag:s4], $0x0  }
0x19: {  	s7 =	sld [smem:$0x3F99]  }
0x1a: {  	s8 =	sadd.s32 $0xFFFFE003, lr  }
0x1b: {  	s9 =	sadd.s32 $0xFFFFFEF7, lr;
	s5 =	simm.s32 $0xFFFFFFFF;
	p2 =	slt.u32 s8, $0xFFFFF086  }
0x1c: {  	p1 =	slt.u32 s9, $0xF7A;
	s5 =	simm.s32 @!p2 $0x0  }
0x1d: {  	s5 =	simm.s32 @p1 $0x1;
	p0 =	seq.s32 s7, s2  }
0x1e: {  	s7 =	smul.u32 @!p0 $0xF7A, s2;
	p2 =	seq.s32 @!p0 s5, $0x0  }
0x1f: {  	s9 =	smul.u32 $0xF7A, s1;
	s8 =	simm.s32 @!p0 $0x1BF5;
	p2 =	por !p2, p0  }
0x20: {  	[sflag:s8] =	ssyncset.s32 @!p0 $0xFFFFF086;
	s6 =	sadd.s32 @!p0 s3, s7;
	s7 =	simm.s32 @!p0 $0x108  }
0x21: {  	s3 =	sadd.s32 s3, s9;
	s6 =	sadd.s32 @!p0 $0x88, s6;
	s7 =	simm.s32 @p2 $0x1082  }
0x22: {  	[simem:s7], [sflag:s8] =	dma.local @!p0 [hbm:s6], $0xF7A  }
0x23: {  	s9 =	sor.u32 $0xD0000000, s2;
	s6 =	simm.s32 $0x108;
	_ =	swait.ge @!p0 [sflag:s8], $0x0  }
0x24: {  	s3 =	sadd.s32 $0x88, s3;
	s6 =	simm.s32 @!p1 $0x1082;
	[sflag:s4] =	ssyncset.s32 $0xFFFFF086  }
0x25: {  	[simem:s6], [sflag:s4] =	dma.local [hbm:s3], $0xF7A  }
0x26: {  	[smem:$0x3F99] =	sst s1;
	(tag) =	ssettag s2;
	_ =	strace s9  }
0x27: {  	s1 =	sld [smem:$0x3FA9]  }
0x28: {  	s2 =	sld [smem:$0x3FAA]  }
0x29: {  	s4 =	sld [smem:$0x3FAC]  }
0x2a: {  	p0 =	seq.s32 s5, $0x0;
	s5 =	sld [smem:$0x3FAD]  }
0x2b: {  	s6 =	sld [smem:$0x3FAE]  }
0x2c: {  	s7 =	sld [smem:$0x3FAF]  }
0x2d: {  	s3 =	simm.s32 $0x108;
	s8 =	sld [smem:$0x3FB0]  }
0x2e: {  	s3 =	simm.s32 @!p0 $0x1082;
	s9 =	sld [smem:$0x3FB1]  }
0x2f: {  	lr =	sadd.s32 s0, s3;
	s0 =	sld [smem:$0x3FA8]  }
0x30: {  	s3 =	sld [smem:$0x3FAB]  }
0x31: {  	[smem:$0x3FB4] =	sst s10  }
0x32: {  	s10 =	sld [smem:$0x3FB2];
	_ =	sdelay $0x3  }
0x33: {  	p0 =	seq.s32 s10, $0x1;
	s10 =	sld [smem:$0x3FB4];
	_ =	sdelay $0x3  }
0x34: {  	[smem:$0x3FB4] =	sst s10  }
0x35: {  	s10 =	sld [smem:$0x3FB3];
	_ =	sdelay $0x3  }
0x36: {  	p1 =	seq.s32 s10, $0x1;
	s10 =	sld [smem:$0x3FB4];
	_ =	sdelay $0x3  }
0x37: {  	[smem:$0x3FB4] =	sst s10  }
0x38: {  	s10 =	sld [smem:$0x3FB5]  }
0x39: {  	_ = 	snop;
	(pc) =	sbr.ind lr, $3  }
0x3a: {  	_ = 	snop  }
0x3b: {  	_ = 	snop  }
0x3c: {  	p2 =	seq.s32 s10, $0x1;
	s10 =	sld [smem:$0x3FB4]  }
0x3d: {  	_ =	shalt  }
0x3e: {  	_ =	shalt  }
0x3f: {  	_ =	shalt  }
0x40: {  	_ =	shalt  }
0x41: {  	_ =	shalt  }
0x42: {  	_ =	shalt  }
0x43: {  	_ =	shalt  }
0x44: {  	_ =	shalt  }
0x45: {  	_ =	shalt  }
0x46: {  	_ =	shalt  }
0x47: {  	_ =	shalt  }
0x48: {  	_ =	shalt  }
0x49: {  	_ =	shalt  }
0x4a: {  	_ =	shalt  }
0x4b: {  	_ =	shalt  }
0x4c: {  	_ =	shalt  }
0x4d: {  	_ =	shalt  }
0x4e: {  	_ =	shalt  }
0x4f: {  	_ =	shalt  }
0x50: {  	_ =	shalt  }
0x51: {  	_ =	shalt  }
0x52: {  	_ =	shalt  }
0x53: {  	_ =	shalt  }
0x54: {  	_ =	shalt  }
0x55: {  	_ =	shalt  }
0x56: {  	_ =	shalt  }
0x57: {  	_ =	shalt  }
0x58: {  	_ =	shalt  }
0x59: {  	_ =	shalt  }
0x5a: {  	_ =	shalt  }
0x5b: {  	_ =	shalt  }
0x5c: {  	_ =	shalt  }
0x5d: {  	_ =	shalt  }
0x5e: {  	_ =	shalt  }
0x5f: {  	_ =	shalt  }
0x60: {  	_ =	shalt  }
0x61: {  	_ =	shalt  }
0x62: {  	_ =	shalt  }
0x63: {  	_ =	shalt  }
0x64: {  	_ =	shalt  }
0x65: {  	_ =	shalt  }
0x66: {  	_ =	shalt  }
0x67: {  	_ =	shalt  }
0x68: {  	_ =	shalt  }
0x69: {  	_ =	shalt  }
0x6a: {  	_ =	shalt  }
0x6b: {  	_ =	shalt  }
0x6c: {  	_ =	shalt  }
0x6d: {  	_ =	shalt  }
0x6e: {  	_ =	shalt  }
0x6f: {  	_ =	shalt  }
0x70: {  	_ =	shalt  }
0x71: {  	_ =	shalt  }
0x72: {  	_ =	shalt  }
0x73: {  	_ =	shalt  }
0x74: {  	_ =	shalt  }
0x75: {  	_ =	shalt  }
0x76: {  	_ =	shalt  }
0x77: {  	_ =	shalt  }
0x78: {  	_ =	shalt  }
0x79: {  	_ =	shalt  }
0x7a: {  	_ =	shalt  }
0x7b: {  	_ =	shalt  }
0x7c: {  	_ =	shalt  }
0x7d: {  	_ =	shalt  }
0x7e: {  	_ =	shalt  }
0x7f: {  	_ =	shalt  }
0x80: {  	_ =	shalt  }
0x81: {  	_ =	shalt  }
0x82: {  	_ =	shalt  }
0x83: {  	_ =	shalt  }
0x84: {  	_ =	shalt  }
0x85: {  	_ =	shalt  }
0x86: {  	_ =	shalt  }
0x87: {  	_ =	shalt  }
.Lfunc_end0:
.L_simem_size_0:
called_computation_lowered:
.L_overlay_start_0:
0x88: {  	s2 =	sld [smem:$0x3FD9]  }
0x89: {  	s3 =	sld [smem:$0x3FFE];
	_ =	sdelay $0x1  }
0x8a: {  	s1 =	srdreg.scid  }
0x8b: {  	s0 =	sand.u32 $0x1, s1  }
0x8c: {  	s16 =	sshll.u32 s0, $0xA;
	s2 =	sadd.s32 s3, s2  }
0x8d: {  	s2 =	sadd.s32 s2, s16  }
0x8e: {  	[smem:$0x3FC0] =	sst s2  }
0x8f: {  	_ = 	snop  }
0x90: {  	(tm) =	ssettm $0x1  }
0x91: {  	s17 =	sld [smem:$0x3FFB];
	_ =	sdelay $0x3  }
0x92: {  	_ =	strace s17  }
0x93: {  	s2 =	sld [smem:$0x3FFC];
	_ =	sdelay $0x3  }
0x94: {  	_ =	strace s2  }
0x95: {  	s2 =	sld [smem:$0x3FFD];
	_ =	sdelay $0x3  }
0x96: {  	_ =	strace s2  }
0x97: {  	_ =	strace $0x8FFFFFFF  }
0x98: {  	s18 =	sld [smem:$0x3FDB];
	_ =	sdelay $0x1  }
0x99: {  	s19 =	simm.s32 $_scs_section_size  }
0x9a: {  	s4 =	simm.s32 $_size__tile_overlayer_lowered;
	s5 =	simm.s32 $_tile_overlayer_lowered  }
0x9b: {  	s22 =	simm.s32 $0x1BFF;
	s21 =	sshll.u32 s5, $0x1;
	s2 =	sadd.s32 s19, s18  }
0x9c: {  	s6 =	simm.s32 $0x0;
	s20 =	sshll.u32 s4, $0x1;
	s4 =	sadd.s32 s21, s2  }
0x9d: {  	[timem:s6], [sflag:s22] =	dma.local [hbm:s4], s20  }
0x9e: {  	_ =	swait.ge [sflag:s22], s20  }
0x9f: {  	s3 =	ssub.s32 $0x0, s20;
	[sflag:s22] =	ssyncset.done $0x0  }
0xa0: {  	[sflag:s22] =	ssyncadd.s32 s3;
	_ =	sdelay $0x1  }
0xa1: {  	s23 =	simm.s32 $0x1B8B  }
0xa2: {  	_ =	swait.ge [sflag:s23], $0x1  }
0xa3: {  	[sflag:s23] =	ssyncset.done $0x0  }
0xa4: {  	s25 =	simm.s32 $0x1B8E;
	s24 =	sld [smem:$0x3FFE];
	[sflag:s23] =	ssyncadd.s32 $0xFFFFFFFF  }
0xa5: {  	s26 =	simm.s32 $execute0_lowered;
	[smem:$0x3FD2] =	sst s25  }
0xa6: {  	s4 =	sshll.u32 s26, $0x1;
	_ =	strace $0x80000046;
	[dreg:$0x1] =	wrdreg $0xFFFFFFFF  }
0xa7: {  	s28 =	simm.s32 $_size_execute0_lowered;
	s2 =	sadd.s32 s2, s4;
	[dreg:$0x0] =	wrdreg $0x0  }
0xa8: {  	s4 =	sshll.u32 s28, $0x1;
	[dreg:$0x2] =	wrdreg s2  }
0xa9: {  	[dreg:$0x3] =	wrdreg s4  }
0xaa: {  	[dreg:$0x4] =	wrdreg $0xC0  }
0xab: {  	_ =	task [dreg:s6], $0x5FFFF  }
0xac: {  	[dreg:$0x1] =	wrdreg $0xFFFFFFFF  }
0xad: {  	[dreg:$0x0] =	wrdreg $0x60  }
0xae: {  	[dreg:$0x2] =	wrdreg s24  }
0xaf: {  	[dreg:$0x3] =	wrdreg $0x0  }
0xb0: {  	[dreg:$0x4] =	wrdreg $0x9  }
0xb1: {  	_ =	task.clear_ibuf [dreg:s6], $0x5FFFF;
	_ =	strace $0x90000046  }
0xb2: {  	s29 =	simm.s32 $0x9;
	_ =	strace $0x80000048  }
0xb3: {  	_ =	swait.ge [sflag:s29], $0x1  }
0xb4: {  	[sflag:s29] =	ssyncadd.s32 $0xFFFFFFFF  }
0xb5: {  	_ =	strace $0x90000048  }
0xb6: {  	_ =	sfence  }
0xb7: {  	s30 =	sld [smem:$0x0];
	_ =	sdelay $0x2  }
0xb8: {  	s31 =	sshll.u32 s1, $0xD;
	s1 =	sshrl.u32 s1, $0x2  }
0xb9: {  	s3 =	sand.u32 $0x4000, s31;
	s1 =	sadd.s32 s1, s30  }
0xba: {  	s0 =	sor.u32 s3, s0;
	s1 =	sshll.u32 s1, $0x11  }
0xbb: {  	s0 =	sor.u32 s1, s0  }
0xbc: {  	s0 =	sadd.s32 $0x8F2B, s0  }
0xbd: {  	[sflag:s0] =	ssyncadd.remote.s32 $0x1  }
0xbe: {  	_ =	sfence.sel $0xFFFF  }
0xbf: {  	[dreg:$0x0] =	wrdreg $0xFFFFFFFF;
	(pc) =	sbr.abs _section_cstart, $3  }
0xc0: {  	[dreg:$0x1] =	wrdreg $0xFFFFFFFF  }
0xc1: {  	_ =	task.clear_ibuf [dreg:s6], $0x2FFFF;
	_ =	strace $0x9FFFFFFF  }
0xc2: {  	(tm) =	ssettm $0x7FFFFFFF  }
0xc3: {  	_ =	shalt  }
tec
execute0_lowered:
.L_overlay_start_1:
0x0: {  	(tag) =	ssettag $0x1  }
0x1: {  	s4 =	rddreg [dreg:$0x0]  }
0x2: {  	s2 =	rddreg [dreg:$0x1]  }
0x3: {  	s0 =	srdreg.scid;
	s1 =	rddreg [dreg:$0x2];
	s3 =	simm.s32 $0x0  }
0x4: {  	s19 =	simm.s32 $0x1;
	s20 =	simm.s32 $0x80;
	s21 =	simm.s32 $0x14D00  }
0x5: {  	s23 =	simm.s32 $0x0;
	s6 =	sand.u32 $0x1, s0;
	s10 =	sadd.s32 $0x128400, s2  }
0x6: {  	s0 =	stileid.u32;
	s11 =	sadd.s32 $0x12C400, s2;
	s5 =	smul.u32 $0x14000, s6  }
0x7: {  	[smem:$0x7FF] =	sst s3;
	s12 =	sadd.s32 $0x130400, s2;
	s7 =	smul.u32 $0x1400, s0  }
0x8: {  	s16 =	sadd.s32 $0x7600, s4;
	s8 =	smul.u32 $0x4F000, s0;
	_ =	strace $0x80000047  }
0x9: {  	s30 =	ssub.s32 $0x2, s6;
	s14 =	smul.u32 $0x138800, s6;
	p0 =	seq.s32 s0, $0xF  }
0xa: {  	s13 =	smul.u32 $0x13C00, s0;
	s9 =	sshrl.u32 s30, $0x1;
	s22 =	sshrl.u32 @p0 s10, $0x3  }
0xb: {  	s5 =	sadd.s32 s7, s5;
	s17 =	ssub.s32 s30, s9;
	s31 =	sshrl.u32 s8, $0x2  }
0xc: {  	s15 =	sadd.s32 s13, s14;
	s13 =	sadd.s32 $0x134400, s2;
	s18 =	sshrl.u32 s14, $0x3  }
0xd: {  	s14 =	sadd.s32 $0x138400, s2;
	s5 =	sshrl.u32 s5, $0x3;
	s15 =	sshrl.u32 s15, $0x3  }
0xe: {  	s17 =	smax.u32 s17, $0x1;
	s5 =	sadd.s32 s5, s4;
	s15 =	sadd.s32 s16, s15  }
0xf: {  	s16 =	sadd.s32 s16, s18;
	s4 =	sadd.s32 $0x2600, s5;
	s5 =	sadd.s32 s31, s2  }
0x10: {  	s18 =	simm.s32 $0x13900;
	s16 =	sadd.s32 $0x25080, s16;
	s6 =	sadd.s32 $0x4000, s5  }
0x11: {  	v0 =	vimm.f32 $1.000000000e+00;
	v1 =	vimm.f32 $0.0e+00;
	s7 =	sadd.s32 $0x8000, s5;
	s8 =	sadd.s32 $0xC000, s5;
	s9 =	sadd.s32 $0x10000, s5  }
.LBB2_1:
0x12: {  	[tilespmem:s18], [sflag:$0x1] =	stream.linear.gather [hbm4b:s4+s3], $0x1400, $0x38;
	[tilespmem:$0x1CD00] =	vst v63  }
0x13: {  	_ =	swait.ge [sflag:s19], $0x1400  }
0x14: {  	[sflag:s19] =	ssyncset.done $0x0  }
0x15: {  	s24 =	simm.s32 $0x40;
	s25 =	simm.s32 $0x0;
	[sflag:s19] =	ssyncadd.s32 $0xFFFFEC00  }
.LBB2_2:
0x16: {  	p1 =	sne.s32 s24, $0xFFC0;
	[tilespmem:s25+$0x14D00] =	vst v0;
	s26 =	smov.u32 s24;
	s24 =	sadd.s32 $0x40, s24  }
.Ltmp0:
0x17: {  	[tilespmem:s25+$0x18D00] =	vst v1;
	(pc) =	sbr.rel @p1 .LBB2_2-.Ltmp0, $2  }
0x18: {  	_ =	sdelay $0x2  }
0x19: {  	s25 =	sshra.s32 s26, $0x2  }
0x1a: {  	[tilespmem:s25+$0x14D00] =	vst v0  }
0x1b: {  	[tilespmem:s25+$0x18D00] =	vst v1;
	s24 =	simm.s32 @p0 $0x18D00;
	s25 =	simm.s32 @p0 $0x1  }
0x1c: {  	[spmem:s10] =	stream.linear.scatter @p0 [tilespmem:s24], [sflag:$0x1], $0x4000, $0x38;
	[tilespmem:$0x1CD00] =	vst v63  }
0x1d: {  	_ =	swait.ge @p0 [sflag:s25], $0x4000  }
0x1e: {  	[sflag:s25] =	ssyncset.done @p0 $0x0  }
0x1f: {  	[sflag:s25] =	ssyncadd.s32 @p0 $0xFFFFC000  }
0x20: {  	[spmem:s11] =	stream.linear.scatter @p0 [tilespmem:s24], [sflag:$0x1], $0x4000, $0x38;
	[tilespmem:$0x1CD00] =	vst v63  }
0x21: {  	_ =	swait.ge @p0 [sflag:s25], $0x4000  }
0x22: {  	[sflag:s25] =	ssyncset.done @p0 $0x0  }
0x23: {  	[sflag:s25] =	ssyncadd.s32 @p0 $0xFFFFC000  }
0x24: {  	[spmem:s12] =	stream.linear.scatter @p0 [tilespmem:s24], [sflag:$0x1], $0x4000, $0x38;
	[tilespmem:$0x1CD00] =	vst v63  }
0x25: {  	_ =	swait.ge @p0 [sflag:s25], $0x4000  }
0x26: {  	[sflag:s25] =	ssyncset.done @p0 $0x0  }
0x27: {  	[sflag:s25] =	ssyncadd.s32 @p0 $0xFFFFC000  }
0x28: {  	[spmem:s13] =	stream.linear.scatter @p0 [tilespmem:s24], [sflag:$0x1], $0x4000, $0x38;
	[tilespmem:$0x1CD00] =	vst v63  }
0x29: {  	_ =	swait.ge @p0 [sflag:s25], $0x4000  }
0x2a: {  	[sflag:s25] =	ssyncset.done @p0 $0x0  }
0x2b: {  	[sflag:s25] =	ssyncadd.s32 @p0 $0xFFFFC000  }
0x2c: {  	[spmem:s14] =	stream.linear.scatter @p0 [tilespmem:s24], [sflag:$0x1], $0x400, $0x38;
	[tilespmem:$0x1CD00] =	vst v63  }
0x2d: {  	_ =	swait.ge @p0 [sflag:s25], $0x400  }
0x2e: {  	[sflag:s25] =	ssyncset.done @p0 $0x0  }
0x2f: {  	s24 =	simm.s32 @!p0 $0x18D00;
	[sflag:s25] =	ssyncadd.s32 @p0 $0xFFFFFC00;
	s25 =	simm.s32 @!p0 $0x1  }
0x30: {  	[spmem:s5] =	stream.linear.scatter @!p0 [tilespmem:s24], [sflag:$0x1], $0x4000, $0x38;
	[tilespmem:$0x1CD00] =	vst v63  }
0x31: {  	_ =	swait.ge @!p0 [sflag:s25], $0x4000  }
0x32: {  	[sflag:s25] =	ssyncset.done @!p0 $0x0  }
0x33: {  	[sflag:s25] =	ssyncadd.s32 @!p0 $0xFFFFC000  }
0x34: {  	[spmem:s6] =	stream.linear.scatter @!p0 [tilespmem:s24], [sflag:$0x1], $0x4000, $0x38;
	[tilespmem:$0x1CD00] =	vst v63  }
0x35: {  	_ =	swait.ge @!p0 [sflag:s25], $0x4000  }
0x36: {  	[sflag:s25] =	ssyncset.done @!p0 $0x0  }
0x37: {  	[sflag:s25] =	ssyncadd.s32 @!p0 $0xFFFFC000  }
0x38: {  	[spmem:s7] =	stream.linear.scatter @!p0 [tilespmem:s24], [sflag:$0x1], $0x4000, $0x38;
	[tilespmem:$0x1CD00] =	vst v63  }
0x39: {  	_ =	swait.ge @!p0 [sflag:s25], $0x4000  }
0x3a: {  	[sflag:s25] =	ssyncset.done @!p0 $0x0  }
0x3b: {  	[sflag:s25] =	ssyncadd.s32 @!p0 $0xFFFFC000  }
0x3c: {  	[spmem:s8] =	stream.linear.scatter @!p0 [tilespmem:s24], [sflag:$0x1], $0x4000, $0x38;
	[tilespmem:$0x1CD00] =	vst v63  }
0x3d: {  	_ =	swait.ge @!p0 [sflag:s25], $0x4000  }
0x3e: {  	[sflag:s25] =	ssyncset.done @!p0 $0x0  }
0x3f: {  	[sflag:s25] =	ssyncadd.s32 @!p0 $0xFFFFC000  }
0x40: {  	[spmem:s9] =	stream.linear.scatter @!p0 [tilespmem:s24], [sflag:$0x1], $0x3C00, $0x38;
	[tilespmem:$0x1CD00] =	vst v63  }
0x41: {  	_ =	swait.ge @!p0 [sflag:s25], $0x3C00  }
0x42: {  	[sflag:s25] =	ssyncset.done @!p0 $0x0  }
0x43: {  	[sflag:s25] =	ssyncadd.s32 @!p0 $0xFFFFC400  }
0x44: {  	s31 =	simm.s32 $0x13900;
	[bflag:$0x0] =	sbarrier.arrive $0xFFFF  }
0x45: {  	[spmem:s2] =	stream.indirect.scatter.add.f32 [tilespmem:s21], [sflag:$0x1], $0x80, s31, s20, $0xb8;
	[tilespmem:$0x1CD00] =	vst v63  }
0x46: {  	s24 =	simm.s32 $0x200;
	_ =	swait.ge [sflag:s19], $0x4000  }
.LBB2_4:
0x47: {  	s25 =	sshra.s32 s24, $0x2;
	[sflag:s19] =	ssyncset.done $0x0;
	p1 =	sne.s32 s24, $0x4E00  }
.Ltmp1:
0x48: {  	s25 =	sadd.s32 $0x13900, s25;
	[sflag:s19] =	ssyncadd.s32 $0xFFFFC000;
	(pc) =	sbr.rel @p1 .LBB2_4-.Ltmp1, $3  }
0x49: {  	[spmem:s2] =	stream.indirect.scatter.add.f32 [tilespmem:s21], [sflag:$0x1], $0x80, s25, s20, $0xb8;
	[tilespmem:$0x1CD00] =	vst v63  }
0x4a: {  	s24 =	sadd.s32 $0x200, s24;
	_ =	sdelay $0x1  }
0x4b: {  	_ =	swait.ge [sflag:s19], $0x4000  }
0x4c: {  	[sflag:s19] =	ssyncset.done $0x0  }
0x4d: {  	[sflag:s19] =	ssyncadd.s32 $0xFFFFC000  }
0x4e: {  	s24 =	simm.s32 @p0 $0x1FC1;
	[bflag:$0x0] =	sbarrier.arrive $0xFFFF  }
0x4f: {  	[hbm:s16], [sflag:s24] =	dma.local @p0 [spmem:s22], $0x2080  }
0x50: {  	s24 =	simm.s32 @p0 $0x1  }
0x51: {  	s23 =	sadd.s32 $0x1, s23;
	_ =	swait.ge @p0 [sflag:s24], $0x2080  }
0x52: {  	s25 =	sshll.u32 @!p0 s0, $0x6;
	p1 =	sne.s32 s23, s17;
	[sflag:s24] =	ssyncset.done @p0 $0x0  }
0x53: {  	[sflag:s24] =	ssyncadd.s32 @p0 $0xFFFFDF80;
	s24 =	sor.u32 @!p0 $0x1C01, s25;
	s25 =	sshrl.u32 @!p0 s5, $0x3  }
0x54: {  	[hbm:s15], [sflag:s24] =	dma.local @!p0 [spmem:s25], $0x2780  }
.Ltmp2:
0x55: {  	_ = 	snop;
	(pc) =	sbr.rel @p1 .LBB2_1-.Ltmp2, $4  }
0x56: {  	s24 =	simm.s32 @!p0 $0x1  }
0x57: {  	_ =	swait.ge @!p0 [sflag:s24], $0x2780  }
0x58: {  	[sflag:s24] =	ssyncset.done @!p0 $0x0  }
0x59: {  	[sflag:s24] =	ssyncadd.s32 @!p0 $0xFFFFD880  }
0x5a: {  	_ =	sfence.sel $0x180000  }
0x5b: {  	[bflag:$0x0] =	sbarrier.arrive $0xFFFF  }
0x5c: {  	p0 =	sne.s32 s0, $0x0;
	_ =	strace $0x90000047  }
0x5d: {  	s0 =	sadd.s32 @!p0 $0x100000, s1;
	[bflag:$0x2] =	sbarrier.arrive $0xFFFF  }
0x5e: {  	[sflag:s0] =	ssyncadd.tile.s32 @!p0 $0x1;
	_ =	shalt  }
.Lfunc_end2:
_tile_overlayer_lowered:
.L_overlay_start_2:
0x5f: {  	(tag) =	ssettag $0x2  }
0x60: {  	s0 =	rddreg [dreg:$0x0];
	s2 =	stileid.u32  }
0x61: {  	s1 =	rddreg [dreg:$0x1];
	p0 =	sne.s32 s2, $0x0  }
0x62: {  	s3 =	rddreg [dreg:$0x2];
	[bflag:$0x3] =	sbarrier.arrive $0xFFFF;
	s2 =	simm.s32 @!p0 $0x1C01  }
0x63: {  	[timem:s3], [sflag:s2] =	dma.local @!p0 [hbm:s0], s1  }
0x64: {  	s0 =	simm.s32 @!p0 $0x1  }
0x65: {  	_ =	swait.ge @!p0 [sflag:s0], s1  }
0x66: {  	s1 =	ssub.s32 @!p0 $0x0, s1;
	[sflag:s0] =	ssyncset.done @!p0 $0x0  }
0x67: {  	[sflag:s0] =	ssyncadd.s32 @!p0 s1  }
0x68: {  	[bflag:$0x3] =	sbarrier.arrive $0xFFFF  }
0x69: {  	_ =	shalt  }

</sc_bundles>
